<compile_context>
chip_gen: v7x
topology: tpu7x:2x2x1
jax: 0.10.2.dev20260603
libtpu: 0.0.44.dev20260713+nightly
codegen_flags: <defaults>
</compile_context>

<pallas_src>
import jax
import jax.numpy as jnp
from jax import lax
from jax.experimental import pallas as pl
from jax.experimental.pallas import tpu as pltpu
from jax.experimental.pallas import tpu_sc as plsc

NC, NS, L = 2, 16, 16
NW = NC * NS
B, S, M, D = 4096, 50, 5, 64
DP = 128
BATCHES_W = B // NW
CHUNK = S * M
NCHUNK = BATCHES_W
QUAD = 4 * CHUNK
NBUF = 2
PIECE = 128
NROWS = 256
N = B * S * M


def _body(idx_hbm, table_hbm, out3_hbm, idx_v, rows_v, out_v, sem0, sem1):
  sems = (sem0, sem1)
  wid = lax.axis_index("s") * NC + lax.axis_index("c")
  wb0 = wid * BATCHES_W
  wi0 = wid * BATCHES_W * CHUNK

  def load_quad(q, qs):
    pltpu.sync_copy(idx_hbm.at[pl.ds(wi0 + q * QUAD, QUAD)], idx_v.at[qs])

  def fire(b, k, qs):
    for j in range(2):
      soff = 248 * k + j * PIECE
      pltpu.async_copy(
          table_hbm.at[idx_v.at[qs, pl.ds(soff, PIECE)]],
          rows_v.at[b, pl.ds(j * PIECE, PIECE)],
          sems[b],
      )

  def drain(b):
    pltpu.make_async_copy(
        table_hbm.at[pl.ds(0, NROWS)], rows_v.at[b], sems[b]
    ).wait()

  def reduce_store(b, c, k):
    ro = 2 * k

    def grp(ss, carry):
      r = ro + ss * M
      for d in range(D // L):
        sl = pl.ds(d * L, L)
        acc = rows_v[b, r, sl]
        for m in range(1, M):
          acc = acc + rows_v[b, r + m, sl]
        out_v[ss, sl] = acc * (1.0 / M)
      return carry

    lax.fori_loop(0, S, grp, 0, unroll=2)
    pltpu.sync_copy(out_v, out3_hbm.at[wb0 + c])

  load_quad(0, 0)
  fire(0, 0, 0)
  fire(1, 1, 0)

  def step(s, carry):
    qs_cur = s & 1
    qs_next = (s + 1) & 1
    for k in range(4):
      b = k & 1
      c = 4 * s + k
      drain(b)
      reduce_store(b, c, k)
      cn = c + NBUF
      kn = (k + NBUF) & 3
      qn = qs_next if k >= 2 else qs_cur

      @pl.when(cn < NCHUNK)
      def _():
        if k == 2:
          load_quad(s + 1, qs_next)
        fire(b, kn, qn)

    return carry

  lax.fori_loop(0, NCHUNK // 4, step, 0)


_sc_call = pl.kernel(
    _body,
    out_type=jax.ShapeDtypeStruct((B, S, D), jnp.float32),
    mesh=plsc.VectorSubcoreMesh(
        core_axis_name="c", subcore_axis_name="s", num_cores=NC,
        num_subcores=NS),
    scratch_types=[
        pltpu.VMEM((2, QUAD), jnp.int32),
        pltpu.VMEM((NBUF, NROWS, DP), jnp.float32),
        pltpu.VMEM((S, D), jnp.float32),
        pltpu.SemaphoreType.DMA,
        pltpu.SemaphoreType.DMA,
    ],
    compiler_params=pltpu.CompilerParams(use_tc_tiling_on_sc=False),
)


def kernel(meta_indices, table):
  table_p = jnp.pad(table, ((0, 0), (0, DP - D)))
  return _sc_call(meta_indices.astype(jnp.int32).reshape(N), table_p)

# --- scband reference (transcript-rebuilt; emitter-appended) ---
"""Pipeline reference for scband-multi-meta-aggregator-67113158967457 (READ-ONLY COPY).

The authoritative reference and input builder live on the scoring server;
editing this copy changes nothing except your own understanding.
"""

import jax, jax.numpy as jnp
import numpy as np

NUM_CATEGORY = 1000000
EMBED_DIM = 64

def setup_inputs(seed: int = 0) -> dict:
    key = jax.random.key(seed)
    k1, k2 = jax.random.split(key)
    meta_indices = jax.random.randint(k1, (4096, 50, 5), 0, NUM_CATEGORY, dtype=jnp.int64 if jax.config.jax_enable_x64 else jnp.int32)
    # trunc_normal_ init (torch default: mean=0, std=1, a=-2, b=2)
    table = jax.random.truncated_normal(k2, -2.0, 2.0, (NUM_CATEGORY, EMBED_DIM), dtype=jnp.float32)
    return {"meta_indices": meta_indices, "table": table}

def reference(meta_indices, table):
    # Embedding gather: (B, S, M) -> (B, S, M, D)
    meta_embeddings = jnp.take(table, meta_indices, axis=0)
    # aggregation == 'mean'
    aggregated = meta_embeddings.mean(axis=-2)
    return aggregated

if __name__ == "__main__":
    import jax
    _d = setup_inputs()
    print(jax.jit(kernel)(*tuple(_d.values())))

</pallas_src>

<mosaic_0001>
#map = affine_map<(d0, d1) -> (0)>
#map1 = affine_map<(d0, d1) -> (0, 0)>
#map2 = affine_map<(d0, d1) -> (0, 0, 0)>
module attributes {stable_mosaic.version = 14 : i64} {
  func.func @_body(%arg0: i32, %arg1: i32, %arg2: memref<1024000xi32, #tpu.memory_space<hbm>>, %arg3: memref<1000000x128xf32, #tpu.memory_space<hbm>>, %arg4: memref<4096x50x64xf32, #tpu.memory_space<hbm>>, %arg5: memref<2x1000xi32, #tpu.memory_space<vmem>>, %arg6: memref<2x256x128xf32, #tpu.memory_space<vmem>>, %arg7: memref<50x64xf32, #tpu.memory_space<vmem>>, %arg8: memref<!tpu.dma_semaphore, #tpu.memory_space<semaphore_mem>>, %arg9: memref<!tpu.dma_semaphore, #tpu.memory_space<semaphore_mem>>) attributes {dimension_semantics = [#tpu.dimension_semantics<core_parallel>, #tpu.dimension_semantics<subcore_parallel>], iteration_bounds = array<i64: 2, 16>, scalar_prefetch = 0 : i64, scratch_operands = 5 : i64, tpu.core_type = #tpu.core_type<sc_vector_subcore>, window_params = [{transform_indices = #map}, {transform_indices = #map1}, {transform_indices = #map2}]} {
    %mul3A = arith.constant 2 : i32
    %mul3A_0 = arith.muli %arg1, %mul3A : i32
    %add3A = arith.addi %mul3A_0, %arg0 : i32
    %mul3A_1 = arith.constant 128 : i32
    %mul3A_2 = arith.muli %add3A, %mul3A_1 : i32
    %mul3A_3 = arith.constant 128 : i32
    %mul3A_4 = arith.muli %add3A, %mul3A_3 : i32
    %mul3A_5 = arith.constant 250 : i32
    %mul3A_6 = arith.muli %mul3A_4, %mul3A_5 : i32
    %add3A_7 = arith.constant 0 : i32
    %add3A_8 = arith.addi %mul3A_6, %add3A_7 : i32
    %run_scoped3A = arith.constant 0 : i32
    "tpu.region"() ({
      %run_scoped3A_61 = tpu.sem_alloc : memref<!tpu.dma_semaphore, #tpu.memory_space<semaphore_mem>>
      %dma_start3A_62 = arith.constant 0 : i32
      %dma_start3A_63 = tpu.memref_slice %arg5[%run_scoped3A, %dma_start3A_62] : memref<2x1000xi32, #tpu.memory_space<vmem>> -> memref<1x1000xi32, #tpu.memory_space<vmem>>
      %dma_start3A_64 = tpu.memref_squeeze %dma_start3A_63 : memref<1x1000xi32, #tpu.memory_space<vmem>> -> memref<1000xi32, #tpu.memory_space<vmem>>
      %dma_start3A_65 = tpu.memref_slice %arg2[%add3A_8] : memref<1024000xi32, #tpu.memory_space<hbm>> -> memref<1000xi32, #tpu.memory_space<hbm>>
      %dma_start3A_66 = arith.constant 0 : i32
      %dma_start3A_67 = tpu.memref_slice %arg5[%run_scoped3A, %dma_start3A_66] : memref<2x1000xi32, #tpu.memory_space<vmem>> -> memref<1x1000xi32, #tpu.memory_space<vmem>>
      %dma_start3A_68 = tpu.memref_squeeze %dma_start3A_67 : memref<1x1000xi32, #tpu.memory_space<vmem>> -> memref<1000xi32, #tpu.memory_space<vmem>>
      %dma_start3A_69 = tpu.memref_slice %arg2[%add3A_8] : memref<1024000xi32, #tpu.memory_space<hbm>> -> memref<1000xi32, #tpu.memory_space<hbm>>
      tpu.enqueue_dma source(%dma_start3A_69 : memref<1000xi32, #tpu.memory_space<hbm>>) target(%dma_start3A_68 : memref<1000xi32, #tpu.memory_space<vmem>>) target_semaphore(%run_scoped3A_61 : memref<!tpu.dma_semaphore, #tpu.memory_space<semaphore_mem>>)
      %dma_wait3A = arith.constant 0 : i32
      %dma_wait3A_70 = tpu.memref_slice %arg5[%run_scoped3A, %dma_wait3A] : memref<2x1000xi32, #tpu.memory_space<vmem>> -> memref<1x1000xi32, #tpu.memory_space<vmem>>
      %dma_wait3A_71 = tpu.memref_squeeze %dma_wait3A_70 : memref<1x1000xi32, #tpu.memory_space<vmem>> -> memref<1000xi32, #tpu.memory_space<vmem>>
      %dma_wait3A_72 = tpu.memref_slice %arg2[%add3A_8] : memref<1024000xi32, #tpu.memory_space<hbm>> -> memref<1000xi32, #tpu.memory_space<hbm>>
      %dma_wait3A_73 = arith.constant 0 : i32
      %dma_wait3A_74 = tpu.memref_slice %arg5[%run_scoped3A, %dma_wait3A_73] : memref<2x1000xi32, #tpu.memory_space<vmem>> -> memref<1x1000xi32, #tpu.memory_space<vmem>>
      %dma_wait3A_75 = tpu.memref_squeeze %dma_wait3A_74 : memref<1x1000xi32, #tpu.memory_space<vmem>> -> memref<1000xi32, #tpu.memory_space<vmem>>
      %dma_wait3A_76 = tpu.memref_slice %arg2[%add3A_8] : memref<1024000xi32, #tpu.memory_space<hbm>> -> memref<1000xi32, #tpu.memory_space<hbm>>
      tpu.wait_dma2 semaphore(%run_scoped3A_61 : memref<!tpu.dma_semaphore, #tpu.memory_space<semaphore_mem>>) src(%dma_wait3A_76 : memref<1000xi32, #tpu.memory_space<hbm>>) dst(%dma_wait3A_75 : memref<1000xi32, #tpu.memory_space<vmem>>)
      tpu.yield
    }) : () -> ()
    %dma_start3A = arith.constant 0 : i32
    %dma_start3A_9 = arith.constant 0 : i32
    %dma_start3A_10 = arith.constant 0 : i32
    %dma_start3A_11 = arith.constant 0 : i32
    %dma_start3A_12 = tpu.memref_slice %arg6[%dma_start3A_9, %dma_start3A_10, %dma_start3A_11] : memref<2x256x128xf32, #tpu.memory_space<vmem>> -> memref<1x128x128xf32, #tpu.memory_space<vmem>>
    %dma_start3A_13 = tpu.memref_squeeze %dma_start3A_12 : memref<1x128x128xf32, #tpu.memory_space<vmem>> -> memref<128x128xf32, #tpu.memory_space<vmem>>
    %dma_start3A_14 = arith.constant 0 : i32
    %dma_start3A_15 = tpu.memref_slice %arg5[%dma_start3A, %dma_start3A_14] : memref<2x1000xi32, #tpu.memory_space<vmem>> -> memref<1x128xi32, #tpu.memory_space<vmem>>
    %dma_start3A_16 = tpu.memref_squeeze %dma_start3A_15 : memref<1x128xi32, #tpu.memory_space<vmem>> -> memref<128xi32, #tpu.memory_space<vmem>>
    %dma_start3A_17 = arith.constant 0 : i32
    %dma_start3A_18 = arith.constant 0 : i32
    %dma_start3A_19 = tpu.memref_slice %arg3[%dma_start3A_17, %dma_start3A_18] : memref<1000000x128xf32, #tpu.memory_space<hbm>> -> memref<1000000x128xf32, #tpu.memory_space<hbm>>
    tpu.enqueue_indirect_dma source(%dma_start3A_19 : memref<1000000x128xf32, #tpu.memory_space<hbm>>) target(%dma_start3A_13 : memref<128x128xf32, #tpu.memory_space<vmem>>) offsets(%dma_start3A_16 : memref<128xi32, #tpu.memory_space<vmem>>) semaphore(%arg8 : memref<!tpu.dma_semaphore, #tpu.memory_space<semaphore_mem>>)
    %dma_start3A_20 = arith.constant 0 : i32
    %dma_start3A_21 = arith.constant 0 : i32
    %dma_start3A_22 = arith.constant 128 : i32
    %dma_start3A_23 = arith.constant 0 : i32
    %dma_start3A_24 = tpu.memref_slice %arg6[%dma_start3A_21, %dma_start3A_22, %dma_start3A_23] : memref<2x256x128xf32, #tpu.memory_space<vmem>> -> memref<1x128x128xf32, #tpu.memory_space<vmem>>
    %dma_start3A_25 = tpu.memref_squeeze %dma_start3A_24 : memref<1x128x128xf32, #tpu.memory_space<vmem>> -> memref<128x128xf32, #tpu.memory_space<vmem>>
    %dma_start3A_26 = arith.constant 128 : i32
    %dma_start3A_27 = tpu.memref_slice %arg5[%dma_start3A_20, %dma_start3A_26] : memref<2x1000xi32, #tpu.memory_space<vmem>> -> memref<1x128xi32, #tpu.memory_space<vmem>>
    %dma_start3A_28 = tpu.memref_squeeze %dma_start3A_27 : memref<1x128xi32, #tpu.memory_space<vmem>> -> memref<128xi32, #tpu.memory_space<vmem>>
    %dma_start3A_29 = arith.constant 0 : i32
    %dma_start3A_30 = arith.constant 0 : i32
    %dma_start3A_31 = tpu.memref_slice %arg3[%dma_start3A_29, %dma_start3A_30] : memref<1000000x128xf32, #tpu.memory_space<hbm>> -> memref<1000000x128xf32, #tpu.memory_space<hbm>>
    tpu.enqueue_indirect_dma source(%dma_start3A_31 : memref<1000000x128xf32, #tpu.memory_space<hbm>>) target(%dma_start3A_25 : memref<128x128xf32, #tpu.memory_space<vmem>>) offsets(%dma_start3A_28 : memref<128xi32, #tpu.memory_space<vmem>>) semaphore(%arg8 : memref<!tpu.dma_semaphore, #tpu.memory_space<semaphore_mem>>)
    %dma_start3A_32 = arith.constant 0 : i32
    %dma_start3A_33 = arith.constant 1 : i32
    %dma_start3A_34 = arith.constant 0 : i32
    %dma_start3A_35 = arith.constant 0 : i32
    %dma_start3A_36 = tpu.memref_slice %arg6[%dma_start3A_33, %dma_start3A_34, %dma_start3A_35] : memref<2x256x128xf32, #tpu.memory_space<vmem>> -> memref<1x128x128xf32, #tpu.memory_space<vmem>>
    %dma_start3A_37 = tpu.memref_squeeze %dma_start3A_36 : memref<1x128x128xf32, #tpu.memory_space<vmem>> -> memref<128x128xf32, #tpu.memory_space<vmem>>
    %dma_start3A_38 = arith.constant 248 : i32
    %dma_start3A_39 = tpu.memref_slice %arg5[%dma_start3A_32, %dma_start3A_38] : memref<2x1000xi32, #tpu.memory_space<vmem>> -> memref<1x128xi32, #tpu.memory_space<vmem>>
    %dma_start3A_40 = tpu.memref_squeeze %dma_start3A_39 : memref<1x128xi32, #tpu.memory_space<vmem>> -> memref<128xi32, #tpu.memory_space<vmem>>
    %dma_start3A_41 = arith.constant 0 : i32
    %dma_start3A_42 = arith.constant 0 : i32
    %dma_start3A_43 = tpu.memref_slice %arg3[%dma_start3A_41, %dma_start3A_42] : memref<1000000x128xf32, #tpu.memory_space<hbm>> -> memref<1000000x128xf32, #tpu.memory_space<hbm>>
    tpu.enqueue_indirect_dma source(%dma_start3A_43 : memref<1000000x128xf32, #tpu.memory_space<hbm>>) target(%dma_start3A_37 : memref<128x128xf32, #tpu.memory_space<vmem>>) offsets(%dma_start3A_40 : memref<128xi32, #tpu.memory_space<vmem>>) semaphore(%arg9 : memref<!tpu.dma_semaphore, #tpu.memory_space<semaphore_mem>>)
    %dma_start3A_44 = arith.constant 0 : i32
    %dma_start3A_45 = arith.constant 1 : i32
    %dma_start3A_46 = arith.constant 128 : i32
    %dma_start3A_47 = arith.constant 0 : i32
    %dma_start3A_48 = tpu.memref_slice %arg6[%dma_start3A_45, %dma_start3A_46, %dma_start3A_47] : memref<2x256x128xf32, #tpu.memory_space<vmem>> -> memref<1x128x128xf32, #tpu.memory_space<vmem>>
    %dma_start3A_49 = tpu.memref_squeeze %dma_start3A_48 : memref<1x128x128xf32, #tpu.memory_space<vmem>> -> memref<128x128xf32, #tpu.memory_space<vmem>>
    %dma_start3A_50 = arith.constant 376 : i32
    %dma_start3A_51 = tpu.memref_slice %arg5[%dma_start3A_44, %dma_start3A_50] : memref<2x1000xi32, #tpu.memory_space<vmem>> -> memref<1x128xi32, #tpu.memory_space<vmem>>
    %dma_start3A_52 = tpu.memref_squeeze %dma_start3A_51 : memref<1x128xi32, #tpu.memory_space<vmem>> -> memref<128xi32, #tpu.memory_space<vmem>>
    %dma_start3A_53 = arith.constant 0 : i32
    %dma_start3A_54 = arith.constant 0 : i32
    %dma_start3A_55 = tpu.memref_slice %arg3[%dma_start3A_53, %dma_start3A_54] : memref<1000000x128xf32, #tpu.memory_space<hbm>> -> memref<1000000x128xf32, #tpu.memory_space<hbm>>
    tpu.enqueue_indirect_dma source(%dma_start3A_55 : memref<1000000x128xf32, #tpu.memory_space<hbm>>) target(%dma_start3A_49 : memref<128x128xf32, #tpu.memory_space<vmem>>) offsets(%dma_start3A_52 : memref<128xi32, #tpu.memory_space<vmem>>) semaphore(%arg9 : memref<!tpu.dma_semaphore, #tpu.memory_space<semaphore_mem>>)
    %scan3A = arith.constant 0 : i32
    %scan3A_56 = arith.constant 0 : i32
    %scan3A_57 = arith.constant 32 : i32
    %scan3A_58 = arith.addi %scan3A_56, %scan3A_57 : i32
    %scan3A_59 = arith.constant 1 : i32
    scf.for %scan3A_61 = %scan3A_56 to %scan3A_58 step %scan3A_59  : i32 {
      %and3A = arith.constant 1 : i32
      %and3A_62 = arith.andi %scan3A_61, %and3A : i32
      %add3A_63 = arith.constant 1 : i32
      %add3A_64 = arith.addi %scan3A_61, %add3A_63 : i32
      %and3A_65 = arith.constant 1 : i32
      %and3A_66 = arith.andi %add3A_64, %and3A_65 : i32
      %mul3A_67 = arith.constant 4 : i32
      %mul3A_68 = arith.muli %mul3A_67, %scan3A_61 : i32
      %add3A_69 = arith.constant 0 : i32
      %add3A_70 = arith.addi %mul3A_68, %add3A_69 : i32
      %dma_wait3A = arith.constant 0 : i32
      %dma_wait3A_71 = arith.constant 0 : i32
      %dma_wait3A_72 = arith.constant 0 : i32
      %dma_wait3A_73 = tpu.memref_slice %arg6[%dma_wait3A, %dma_wait3A_71, %dma_wait3A_72] : memref<2x256x128xf32, #tpu.memory_space<vmem>> -> memref<1x256x128xf32, #tpu.memory_space<vmem>>
      %dma_wait3A_74 = tpu.memref_squeeze %dma_wait3A_73 : memref<1x256x128xf32, #tpu.memory_space<vmem>> -> memref<256x128xf32, #tpu.memory_space<vmem>>
      %dma_wait3A_75 = arith.constant 0 : i32
      %dma_wait3A_76 = arith.constant 0 : i32
      %dma_wait3A_77 = tpu.memref_slice %arg3[%dma_wait3A_75, %dma_wait3A_76] : memref<1000000x128xf32, #tpu.memory_space<hbm>> -> memref<256x128xf32, #tpu.memory_space<hbm>>
      %dma_wait3A_78 = arith.constant 0 : i32
      %dma_wait3A_79 = arith.constant 0 : i32
      %dma_wait3A_80 = tpu.memref_slice %arg6[%dma_wait3A, %dma_wait3A_78, %dma_wait3A_79] : memref<2x256x128xf32, #tpu.memory_space<vmem>> -> memref<1x256x128xf32, #tpu.memory_space<vmem>>
      %dma_wait3A_81 = tpu.memref_squeeze %dma_wait3A_80 : memref<1x256x128xf32, #tpu.memory_space<vmem>> -> memref<256x128xf32, #tpu.memory_space<vmem>>
      %dma_wait3A_82 = arith.constant 0 : i32
      %dma_wait3A_83 = arith.constant 0 : i32
      %dma_wait3A_84 = tpu.memref_slice %arg3[%dma_wait3A_82, %dma_wait3A_83] : memref<1000000x128xf32, #tpu.memory_space<hbm>> -> memref<256x128xf32, #tpu.memory_space<hbm>>
      tpu.wait_dma2 semaphore(%arg8 : memref<!tpu.dma_semaphore, #tpu.memory_space<semaphore_mem>>) src(%dma_wait3A_84 : memref<256x128xf32, #tpu.memory_space<hbm>>) dst(%dma_wait3A_81 : memref<256x128xf32, #tpu.memory_space<vmem>>)
      %scan3A_85 = arith.constant 0 : i32
      %scan3A_86 = arith.constant 0 : i32
      %scan3A_87 = arith.constant 50 : i32
      %scan3A_88 = arith.addi %scan3A_86, %scan3A_87 : i32
      %scan3A_89 = arith.constant 2 : i32
      scf.for %scan3A_195 = %scan3A_86 to %scan3A_88 step %scan3A_89  : i32 {
        %mul3A_196 = arith.constant 5 : i32
        %mul3A_197 = arith.muli %scan3A_195, %mul3A_196 : i32
        %add3A_198 = arith.constant 0 : i32
        %add3A_199 = arith.addi %add3A_198, %mul3A_197 : i32
        %get3A = arith.constant 0 : i32
        %get3A_200 = arith.index_cast %get3A : i32 to index
        %get3A_201 = arith.index_cast %add3A_199 : i32 to index
        %get3A_202 = arith.constant 0 : index
        %get3A_203 = tpu.vector_load %arg6[%get3A_200, %get3A_201, %get3A_202] {strides = array<i32>} : memref<2x256x128xf32, #tpu.memory_space<vmem>>, vector<1x1x16xf32>,
        %get3A_204 = vector.shape_cast %get3A_203 : vector<1x1x16xf32> to vector<16xf32>
        %add3A_205 = arith.constant 1 : i32
        %add3A_206 = arith.addi %add3A_199, %add3A_205 : i32
        %get3A_207 = arith.constant 0 : i32
        %get3A_208 = arith.index_cast %get3A_207 : i32 to index
        %get3A_209 = arith.index_cast %add3A_206 : i32 to index
        %get3A_210 = arith.constant 0 : index
        %get3A_211 = tpu.vector_load %arg6[%get3A_208, %get3A_209, %get3A_210] {strides = array<i32>} : memref<2x256x128xf32, #tpu.memory_space<vmem>>, vector<1x1x16xf32>,
        %get3A_212 = vector.shape_cast %get3A_211 : vector<1x1x16xf32> to vector<16xf32>
        %add3A_213 = arith.addf %get3A_204, %get3A_212 : vector<16xf32>
        %add3A_214 = arith.constant 2 : i32
        %add3A_215 = arith.addi %add3A_199, %add3A_214 : i32
        %get3A_216 = arith.constant 0 : i32
        %get3A_217 = arith.index_cast %get3A_216 : i32 to index
        %get3A_218 = arith.index_cast %add3A_215 : i32 to index
        %get3A_219 = arith.constant 0 : index
        %get3A_220 = tpu.vector_load %arg6[%get3A_217, %get3A_218, %get3A_219] {strides = array<i32>} : memref<2x256x128xf32, #tpu.memory_space<vmem>>, vector<1x1x16xf32>,
        %get3A_221 = vector.shape_cast %get3A_220 : vector<1x1x16xf32> to vector<16xf32>
        %add3A_222 = arith.addf %add3A_213, %get3A_221 : vector<16xf32>
        %add3A_223 = arith.constant 3 : i32
        %add3A_224 = arith.addi %add3A_199, %add3A_223 : i32
        %get3A_225 = arith.constant 0 : i32
        %get3A_226 = arith.index_cast %get3A_225 : i32 to index
        %get3A_227 = arith.index_cast %add3A_224 : i32 to index
        %get3A_228 = arith.constant 0 : index
        %get3A_229 = tpu.vector_load %arg6[%get3A_226, %get3A_227, %get3A_228] {strides = array<i32>} : memref<2x256x128xf32, #tpu.memory_space<vmem>>, vector<1x1x16xf32>,
        %get3A_230 = vector.shape_cast %get3A_229 : vector<1x1x16xf32> to vector<16xf32>
        %add3A_231 = arith.addf %add3A_222, %get3A_230 : vector<16xf32>
        %add3A_232 = arith.constant 4 : i32
        %add3A_233 = arith.addi %add3A_199, %add3A_232 : i32
        %get3A_234 = arith.constant 0 : i32
        %get3A_235 = arith.index_cast %get3A_234 : i32 to index
        %get3A_236 = arith.index_cast %add3A_233 : i32 to index
        %get3A_237 = arith.constant 0 : index
        %get3A_238 = tpu.vector_load %arg6[%get3A_235, %get3A_236, %get3A_237] {strides = array<i32>} : memref<2x256x128xf32, #tpu.memory_space<vmem>>, vector<1x1x16xf32>,
        %get3A_239 = vector.shape_cast %get3A_238 : vector<1x1x16xf32> to vector<16xf32>
        %add3A_240 = arith.addf %add3A_231, %get3A_239 : vector<16xf32>
        %mul3A_241 = arith.constant 2.000000e-01 : f32
        %mul3A_242 = vector.broadcast %mul3A_241 : f32 to vector<16xf32>
        %mul3A_243 = arith.mulf %add3A_240, %mul3A_242 : vector<16xf32>
        %swap3A = arith.index_cast %scan3A_195 : i32 to index
        %swap3A_244 = arith.constant 0 : index
        %swap3A_245 = tpu.vector_load %arg7[%swap3A, %swap3A_244] {strides = array<i32>} : memref<50x64xf32, #tpu.memory_space<vmem>>, vector<1x16xf32>,
        %swap3A_246 = vector.shape_cast %swap3A_245 : vector<1x16xf32> to vector<16xf32>
        %swap3A_247 = vector.shape_cast %mul3A_243 : vector<16xf32> to vector<1x16xf32>
        tpu.vector_store %arg7[%swap3A, %swap3A_244], %swap3A_247 {strides = array<i32>} : memref<50x64xf32, #tpu.memory_space<vmem>>, vector<1x16xf32>,
        %get3A_248 = arith.constant 0 : i32
        %get3A_249 = arith.index_cast %get3A_248 : i32 to index
        %get3A_250 = arith.index_cast %add3A_199 : i32 to index
        %get3A_251 = arith.constant 16 : index
        %get3A_252 = tpu.vector_load %arg6[%get3A_249, %get3A_250, %get3A_251] {strides = array<i32>} : memref<2x256x128xf32, #tpu.memory_space<vmem>>, vector<1x1x16xf32>,
        %get3A_253 = vector.shape_cast %get3A_252 : vector<1x1x16xf32> to vector<16xf32>
        %add3A_254 = arith.constant 1 : i32
        %add3A_255 = arith.addi %add3A_199, %add3A_254 : i32
        %get3A_256 = arith.constant 0 : i32
        %get3A_257 = arith.index_cast %get3A_256 : i32 to index
        %get3A_258 = arith.index_cast %add3A_255 : i32 to index
        %get3A_259 = arith.constant 16 : index
        %get3A_260 = tpu.vector_load %arg6[%get3A_257, %get3A_258, %get3A_259] {strides = array<i32>} : memref<2x256x128xf32, #tpu.memory_space<vmem>>, vector<1x1x16xf32>,
        %get3A_261 = vector.shape_cast %get3A_260 : vector<1x1x16xf32> to vector<16xf32>
        %add3A_262 = arith.addf %get3A_253, %get3A_261 : vector<16xf32>
        %add3A_263 = arith.constant 2 : i32
        %add3A_264 = arith.addi %add3A_199, %add3A_263 : i32
        %get3A_265 = arith.constant 0 : i32
        %get3A_266 = arith.index_cast %get3A_265 : i32 to index
        %get3A_267 = arith.index_cast %add3A_264 : i32 to index
        %get3A_268 = arith.constant 16 : index
        %get3A_269 = tpu.vector_load %arg6[%get3A_266, %get3A_267, %get3A_268] {strides = array<i32>} : memref<2x256x128xf32, #tpu.memory_space<vmem>>, vector<1x1x16xf32>,
        %get3A_270 = vector.shape_cast %get3A_269 : vector<1x1x16xf32> to vector<16xf32>
        %add3A_271 = arith.addf %add3A_262, %get3A_270 : vector<16xf32>
        %add3A_272 = arith.constant 3 : i32
        %add3A_273 = arith.addi %add3A_199, %add3A_272 : i32
        %get3A_274 = arith.constant 0 : i32
        %get3A_275 = arith.index_cast %get3A_274 : i32 to index
        %get3A_276 = arith.index_cast %add3A_273 : i32 to index
        %get3A_277 = arith.constant 16 : index
        %get3A_278 = tpu.vector_load %arg6[%get3A_275, %get3A_276, %get3A_277] {strides = array<i32>} : memref<2x256x128xf32, #tpu.memory_space<vmem>>, vector<1x1x16xf32>,
        %get3A_279 = vector.shape_cast %get3A_278 : vector<1x1x16xf32> to vector<16xf32>
        %add3A_280 = arith.addf %add3A_271, %get3A_279 : vector<16xf32>
        %add3A_281 = arith.constant 4 : i32
        %add3A_282 = arith.addi %add3A_199, %add3A_281 : i32
        %get3A_283 = arith.constant 0 : i32
        %get3A_284 = arith.index_cast %get3A_283 : i32 to index
        %get3A_285 = arith.index_cast %add3A_282 : i32 to index
        %get3A_286 = arith.constant 16 : index
        %get3A_287 = tpu.vector_load %arg6[%get3A_284, %get3A_285, %get3A_286] {strides = array<i32>} : memref<2x256x128xf32, #tpu.memory_space<vmem>>, vector<1x1x16xf32>,
        %get3A_288 = vector.shape_cast %get3A_287 : vector<1x1x16xf32> to vector<16xf32>
        %add3A_289 = arith.addf %add3A_280, %get3A_288 : vector<16xf32>
        %mul3A_290 = arith.constant 2.000000e-01 : f32
        %mul3A_291 = vector.broadcast %mul3A_290 : f32 to vector<16xf32>
        %mul3A_292 = arith.mulf %add3A_289, %mul3A_291 : vector<16xf32>
        %swap3A_293 = arith.index_cast %scan3A_195 : i32 to index
        %swap3A_294 = arith.constant 16 : index
        %swap3A_295 = tpu.vector_load %arg7[%swap3A_293, %swap3A_294] {strides = array<i32>} : memref<50x64xf32, #tpu.memory_space<vmem>>, vector<1x16xf32>,
        %swap3A_296 = vector.shape_cast %swap3A_295 : vector<1x16xf32> to vector<16xf32>
        %swap3A_297 = vector.shape_cast %mul3A_292 : vector<16xf32> to vector<1x16xf32>
        tpu.vector_store %arg7[%swap3A_293, %swap3A_294], %swap3A_297 {strides = array<i32>} : memref<50x64xf32, #tpu.memory_space<vmem>>, vector<1x16xf32>,
        %get3A_298 = arith.constant 0 : i32
        %get3A_299 = arith.index_cast %get3A_298 : i32 to index
        %get3A_300 = arith.index_cast %add3A_199 : i32 to index
        %get3A_301 = arith.constant 32 : index
        %get3A_302 = tpu.vector_load %arg6[%get3A_299, %get3A_300, %get3A_301] {strides = array<i32>} : memref<2x256x128xf32, #tpu.memory_space<vmem>>, vector<1x1x16xf32>,
        %get3A_303 = vector.shape_cast %get3A_302 : vector<1x1x16xf32> to vector<16xf32>
        %add3A_304 = arith.constant 1 : i32
        %add3A_305 = arith.addi %add3A_199, %add3A_304 : i32
        %get3A_306 = arith.constant 0 : i32
        %get3A_307 = arith.index_cast %get3A_306 : i32 to index
        %get3A_308 = arith.index_cast %add3A_305 : i32 to index
        %get3A_309 = arith.constant 32 : index
        %get3A_310 = tpu.vector_load %arg6[%get3A_307, %get3A_308, %get3A_309] {strides = array<i32>} : memref<2x256x128xf32, #tpu.memory_space<vmem>>, vector<1x1x16xf32>,
        %get3A_311 = vector.shape_cast %get3A_310 : vector<1x1x16xf32> to vector<16xf32>
        %add3A_312 = arith.addf %get3A_303, %get3A_311 : vector<16xf32>
        %add3A_313 = arith.constant 2 : i32
        %add3A_314 = arith.addi %add3A_199, %add3A_313 : i32
        %get3A_315 = arith.constant 0 : i32
        %get3A_316 = arith.index_cast %get3A_315 : i32 to index
        %get3A_317 = arith.index_cast %add3A_314 : i32 to index
        %get3A_318 = arith.constant 32 : index
        %get3A_319 = tpu.vector_load %arg6[%get3A_316, %get3A_317, %get3A_318] {strides = array<i32>} : memref<2x256x128xf32, #tpu.memory_space<vmem>>, vector<1x1x16xf32>,
        %get3A_320 = vector.shape_cast %get3A_319 : vector<1x1x16xf32> to vector<16xf32>
        %add3A_321 = arith.addf %add3A_312, %get3A_320 : vector<16xf32>
        %add3A_322 = arith.constant 3 : i32
        %add3A_323 = arith.addi %add3A_199, %add3A_322 : i32
        %get3A_324 = arith.constant 0 : i32
        %get3A_325 = arith.index_cast %get3A_324 : i32 to index
        %get3A_326 = arith.index_cast %add3A_323 : i32 to index
        %get3A_327 = arith.constant 32 : index
        %get3A_328 = tpu.vector_load %arg6[%get3A_325, %get3A_326, %get3A_327] {strides = array<i32>} : memref<2x256x128xf32, #tpu.memory_space<vmem>>, vector<1x1x16xf32>,
        %get3A_329 = vector.shape_cast %get3A_328 : vector<1x1x16xf32> to vector<16xf32>
        %add3A_330 = arith.addf %add3A_321, %get3A_329 : vector<16xf32>
        %add3A_331 = arith.constant 4 : i32
        %add3A_332 = arith.addi %add3A_199, %add3A_331 : i32
        %get3A_333 = arith.constant 0 : i32
        %get3A_334 = arith.index_cast %get3A_333 : i32 to index
        %get3A_335 = arith.index_cast %add3A_332 : i32 to index
        %get3A_336 = arith.constant 32 : index
        %get3A_337 = tpu.vector_load %arg6[%get3A_334, %get3A_335, %get3A_336] {strides = array<i32>} : memref<2x256x128xf32, #tpu.memory_space<vmem>>, vector<1x1x16xf32>,
        %get3A_338 = vector.shape_cast %get3A_337 : vector<1x1x16xf32> to vector<16xf32>
        %add3A_339 = arith.addf %add3A_330, %get3A_338 : vector<16xf32>
        %mul3A_340 = arith.constant 2.000000e-01 : f32
        %mul3A_341 = vector.broadcast %mul3A_340 : f32 to vector<16xf32>
        %mul3A_342 = arith.mulf %add3A_339, %mul3A_341 : vector<16xf32>
        %swap3A_343 = arith.index_cast %scan3A_195 : i32 to index
        %swap3A_344 = arith.constant 32 : index
        %swap3A_345 = tpu.vector_load %arg7[%swap3A_343, %swap3A_344] {strides = array<i32>} : memref<50x64xf32, #tpu.memory_space<vmem>>, vector<1x16xf32>,
        %swap3A_346 = vector.shape_cast %swap3A_345 : vector<1x16xf32> to vector<16xf32>
        %swap3A_347 = vector.shape_cast %mul3A_342 : vector<16xf32> to vector<1x16xf32>
        tpu.vector_store %arg7[%swap3A_343, %swap3A_344], %swap3A_347 {strides = array<i32>} : memref<50x64xf32, #tpu.memory_space<vmem>>, vector<1x16xf32>,
        %get3A_348 = arith.constant 0 : i32
        %get3A_349 = arith.index_cast %get3A_348 : i32 to index
        %get3A_350 = arith.index_cast %add3A_199 : i32 to index
        %get3A_351 = arith.constant 48 : index
        %get3A_352 = tpu.vector_load %arg6[%get3A_349, %get3A_350, %get3A_351] {strides = array<i32>} : memref<2x256x128xf32, #tpu.memory_space<vmem>>, vector<1x1x16xf32>,
        %get3A_353 = vector.shape_cast %get3A_352 : vector<1x1x16xf32> to vector<16xf32>
        %add3A_354 = arith.constant 1 : i32
        %add3A_355 = arith.addi %add3A_199, %add3A_354 : i32
        %get3A_356 = arith.constant 0 : i32
        %get3A_357 = arith.index_cast %get3A_356 : i32 to index
        %get3A_358 = arith.index_cast %add3A_355 : i32 to index
        %get3A_359 = arith.constant 48 : index
        %get3A_360 = tpu.vector_load %arg6[%get3A_357, %get3A_358, %get3A_359] {strides = array<i32>} : memref<2x256x128xf32, #tpu.memory_space<vmem>>, vector<1x1x16xf32>,
        %get3A_361 = vector.shape_cast %get3A_360 : vector<1x1x16xf32> to vector<16xf32>
        %add3A_362 = arith.addf %get3A_353, %get3A_361 : vector<16xf32>
        %add3A_363 = arith.constant 2 : i32
        %add3A_364 = arith.addi %add3A_199, %add3A_363 : i32
        %get3A_365 = arith.constant 0 : i32
        %get3A_366 = arith.index_cast %get3A_365 : i32 to index
        %get3A_367 = arith.index_cast %add3A_364 : i32 to index
        %get3A_368 = arith.constant 48 : index
        %get3A_369 = tpu.vector_load %arg6[%get3A_366, %get3A_367, %get3A_368] {strides = array<i32>} : memref<2x256x128xf32, #tpu.memory_space<vmem>>, vector<1x1x16xf32>,
        %get3A_370 = vector.shape_cast %get3A_369 : vector<1x1x16xf32> to vector<16xf32>
        %add3A_371 = arith.addf %add3A_362, %get3A_370 : vector<16xf32>
        %add3A_372 = arith.constant 3 : i32
        %add3A_373 = arith.addi %add3A_199, %add3A_372 : i32
        %get3A_374 = arith.constant 0 : i32
        %get3A_375 = arith.index_cast %get3A_374 : i32 to index
        %get3A_376 = arith.index_cast %add3A_373 : i32 to index
        %get3A_377 = arith.constant 48 : index
        %get3A_378 = tpu.vector_load %arg6[%get3A_375, %get3A_376, %get3A_377] {strides = array<i32>} : memref<2x256x128xf32, #tpu.memory_space<vmem>>, vector<1x1x16xf32>,
        %get3A_379 = vector.shape_cast %get3A_378 : vector<1x1x16xf32> to vector<16xf32>
        %add3A_380 = arith.addf %add3A_371, %get3A_379 : vector<16xf32>
        %add3A_381 = arith.constant 4 : i32
        %add3A_382 = arith.addi %add3A_199, %add3A_381 : i32
        %get3A_383 = arith.constant 0 : i32
        %get3A_384 = arith.index_cast %get3A_383 : i32 to index
        %get3A_385 = arith.index_cast %add3A_382 : i32 to index
        %get3A_386 = arith.constant 48 : index
        %get3A_387 = tpu.vector_load %arg6[%get3A_384, %get3A_385, %get3A_386] {strides = array<i32>} : memref<2x256x128xf32, #tpu.memory_space<vmem>>, vector<1x1x16xf32>,
        %get3A_388 = vector.shape_cast %get3A_387 : vector<1x1x16xf32> to vector<16xf32>
        %add3A_389 = arith.addf %add3A_380, %get3A_388 : vector<16xf32>
        %mul3A_390 = arith.constant 2.000000e-01 : f32
        %mul3A_391 = vector.broadcast %mul3A_390 : f32 to vector<16xf32>
        %mul3A_392 = arith.mulf %add3A_389, %mul3A_391 : vector<16xf32>
        %swap3A_393 = arith.index_cast %scan3A_195 : i32 to index
        %swap3A_394 = arith.constant 48 : index
        %swap3A_395 = tpu.vector_load %arg7[%swap3A_393, %swap3A_394] {strides = array<i32>} : memref<50x64xf32, #tpu.memory_space<vmem>>, vector<1x16xf32>,
        %swap3A_396 = vector.shape_cast %swap3A_395 : vector<1x16xf32> to vector<16xf32>
        %swap3A_397 = vector.shape_cast %mul3A_392 : vector<16xf32> to vector<1x16xf32>
        tpu.vector_store %arg7[%swap3A_393, %swap3A_394], %swap3A_397 {strides = array<i32>} : memref<50x64xf32, #tpu.memory_space<vmem>>, vector<1x16xf32>,
        %scan3A_398 = arith.constant 1 : i32
        %scan3A_399 = arith.addi %scan3A_195, %scan3A_398 : i32
        %mul3A_400 = arith.constant 5 : i32
        %mul3A_401 = arith.muli %scan3A_399, %mul3A_400 : i32
        %add3A_402 = arith.constant 0 : i32
        %add3A_403 = arith.addi %add3A_402, %mul3A_401 : i32
        %get3A_404 = arith.constant 0 : i32
        %get3A_405 = arith.index_cast %get3A_404 : i32 to index
        %get3A_406 = arith.index_cast %add3A_403 : i32 to index
        %get3A_407 = arith.constant 0 : index
        %get3A_408 = tpu.vector_load %arg6[%get3A_405, %get3A_406, %get3A_407] {strides = array<i32>} : memref<2x256x128xf32, #tpu.memory_space<vmem>>, vector<1x1x16xf32>,
        %get3A_409 = vector.shape_cast %get3A_408 : vector<1x1x16xf32> to vector<16xf32>
        %add3A_410 = arith.constant 1 : i32
        %add3A_411 = arith.addi %add3A_403, %add3A_410 : i32
        %get3A_412 = arith.constant 0 : i32
        %get3A_413 = arith.index_cast %get3A_412 : i32 to index
        %get3A_414 = arith.index_cast %add3A_411 : i32 to index
        %get3A_415 = arith.constant 0 : index
        %get3A_416 = tpu.vector_load %arg6[%get3A_413, %get3A_414, %get3A_415] {strides = array<i32>} : memref<2x256x128xf32, #tpu.memory_space<vmem>>, vector<1x1x16xf32>,
        %get3A_417 = vector.shape_cast %get3A_416 : vector<1x1x16xf32> to vector<16xf32>
        %add3A_418 = arith.addf %get3A_409, %get3A_417 : vector<16xf32>
        %add3A_419 = arith.constant 2 : i32
        %add3A_420 = arith.addi %add3A_403, %add3A_419 : i32
        %get3A_421 = arith.constant 0 : i32
        %get3A_422 = arith.index_cast %get3A_421 : i32 to index
        %get3A_423 = arith.index_cast %add3A_420 : i32 to index
        %get3A_424 = arith.constant 0 : index
        %get3A_425 = tpu.vector_load %arg6[%get3A_422, %get3A_423, %get3A_424] {strides = array<i32>} : memref<2x256x128xf32, #tpu.memory_space<vmem>>, vector<1x1x16xf32>,
        %get3A_426 = vector.shape_cast %get3A_425 : vector<1x1x16xf32> to vector<16xf32>
        %add3A_427 = arith.addf %add3A_418, %get3A_426 : vector<16xf32>
        %add3A_428 = arith.constant 3 : i32
        %add3A_429 = arith.addi %add3A_403, %add3A_428 : i32
        %get3A_430 = arith.constant 0 : i32
        %get3A_431 = arith.index_cast %get3A_430 : i32 to index
        %get3A_432 = arith.index_cast %add3A_429 : i32 to index
        %get3A_433 = arith.constant 0 : index
        %get3A_434 = tpu.vector_load %arg6[%get3A_431, %get3A_432, %get3A_433] {strides = array<i32>} : memref<2x256x128xf32, #tpu.memory_space<vmem>>, vector<1x1x16xf32>,
        %get3A_435 = vector.shape_cast %get3A_434 : vector<1x1x16xf32> to vector<16xf32>
        %add3A_436 = arith.addf %add3A_427, %get3A_435 : vector<16xf32>
        %add3A_437 = arith.constant 4 : i32
        %add3A_438 = arith.addi %add3A_403, %add3A_437 : i32
        %get3A_439 = arith.constant 0 : i32
        %get3A_440 = arith.index_cast %get3A_439 : i32 to index
        %get3A_441 = arith.index_cast %add3A_438 : i32 to index
        %get3A_442 = arith.constant 0 : index
        %get3A_443 = tpu.vector_load %arg6[%get3A_440, %get3A_441, %get3A_442] {strides = array<i32>} : memref<2x256x128xf32, #tpu.memory_space<vmem>>, vector<1x1x16xf32>,
        %get3A_444 = vector.shape_cast %get3A_443 : vector<1x1x16xf32> to vector<16xf32>
        %add3A_445 = arith.addf %add3A_436, %get3A_444 : vector<16xf32>
        %mul3A_446 = arith.constant 2.000000e-01 : f32
        %mul3A_447 = vector.broadcast %mul3A_446 : f32 to vector<16xf32>
        %mul3A_448 = arith.mulf %add3A_445, %mul3A_447 : vector<16xf32>
        %swap3A_449 = arith.index_cast %scan3A_399 : i32 to index
        %swap3A_450 = arith.constant 0 : index
        %swap3A_451 = tpu.vector_load %arg7[%swap3A_449, %swap3A_450] {strides = array<i32>} : memref<50x64xf32, #tpu.memory_space<vmem>>, vector<1x16xf32>,
        %swap3A_452 = vector.shape_cast %swap3A_451 : vector<1x16xf32> to vector<16xf32>
        %swap3A_453 = vector.shape_cast %mul3A_448 : vector<16xf32> to vector<1x16xf32>
        tpu.vector_store %arg7[%swap3A_449, %swap3A_450], %swap3A_453 {strides = array<i32>} : memref<50x64xf32, #tpu.memory_space<vmem>>, vector<1x16xf32>,
        %get3A_454 = arith.constant 0 : i32
        %get3A_455 = arith.index_cast %get3A_454 : i32 to index
        %get3A_456 = arith.index_cast %add3A_403 : i32 to index
        %get3A_457 = arith.constant 16 : index
        %get3A_458 = tpu.vector_load %arg6[%get3A_455, %get3A_456, %get3A_457] {strides = array<i32>} : memref<2x256x128xf32, #tpu.memory_space<vmem>>, vector<1x1x16xf32>,
        %get3A_459 = vector.shape_cast %get3A_458 : vector<1x1x16xf32> to vector<16xf32>
        %add3A_460 = arith.constant 1 : i32
        %add3A_461 = arith.addi %add3A_403, %add3A_460 : i32
        %get3A_462 = arith.constant 0 : i32
        %get3A_463 = arith.index_cast %get3A_462 : i32 to index
        %get3A_464 = arith.index_cast %add3A_461 : i32 to index
        %get3A_465 = arith.constant 16 : index
        %get3A_466 = tpu.vector_load %arg6[%get3A_463, %get3A_464, %get3A_465] {strides = array<i32>} : memref<2x256x128xf32, #tpu.memory_space<vmem>>, vector<1x1x16xf32>,
        %get3A_467 = vector.shape_cast %get3A_466 : vector<1x1x16xf32> to vector<16xf32>
        %add3A_468 = arith.addf %get3A_459, %get3A_467 : vector<16xf32>
        %add3A_469 = arith.constant 2 : i32
        %add3A_470 = arith.addi %add3A_403, %add3A_469 : i32
        %get3A_471 = arith.constant 0 : i32
        %get3A_472 = arith.index_cast %get3A_471 : i32 to index
        %get3A_473 = arith.index_cast %add3A_470 : i32 to index
        %get3A_474 = arith.constant 16 : index
        %get3A_475 = tpu.vector_load %arg6[%get3A_472, %get3A_473, %get3A_474] {strides = array<i32>} : memref<2x256x128xf32, #tpu.memory_space<vmem>>, vector<1x1x16xf32>,
        %get3A_476 = vector.shape_cast %get3A_475 : vector<1x1x16xf32> to vector<16xf32>
        %add3A_477 = arith.addf %add3A_468, %get3A_476 : vector<16xf32>
        %add3A_478 = arith.constant 3 : i32
        %add3A_479 = arith.addi %add3A_403, %add3A_478 : i32
        %get3A_480 = arith.constant 0 : i32
        %get3A_481 = arith.index_cast %get3A_480 : i32 to index
        %get3A_482 = arith.index_cast %add3A_479 : i32 to index
        %get3A_483 = arith.constant 16 : index
        %get3A_484 = tpu.vector_load %arg6[%get3A_481, %get3A_482, %get3A_483] {strides = array<i32>} : memref<2x256x128xf32, #tpu.memory_space<vmem>>, vector<1x1x16xf32>,
        %get3A_485 = vector.shape_cast %get3A_484 : vector<1x1x16xf32> to vector<16xf32>
        %add3A_486 = arith.addf %add3A_477, %get3A_485 : vector<16xf32>
        %add3A_487 = arith.constant 4 : i32
        %add3A_488 = arith.addi %add3A_403, %add3A_487 : i32
        %get3A_489 = arith.constant 0 : i32
        %get3A_490 = arith.index_cast %get3A_489 : i32 to index
        %get3A_491 = arith.index_cast %add3A_488 : i32 to index
        %get3A_492 = arith.constant 16 : index
        %get3A_493 = tpu.vector_load %arg6[%get3A_490, %get3A_491, %get3A_492] {strides = array<i32>} : memref<2x256x128xf32, #tpu.memory_space<vmem>>, vector<1x1x16xf32>,
        %get3A_494 = vector.shape_cast %get3A_493 : vector<1x1x16xf32> to vector<16xf32>
        %add3A_495 = arith.addf %add3A_486, %get3A_494 : vector<16xf32>
        %mul3A_496 = arith.constant 2.000000e-01 : f32
        %mul3A_497 = vector.broadcast %mul3A_496 : f32 to vector<16xf32>
        %mul3A_498 = arith.mulf %add3A_495, %mul3A_497 : vector<16xf32>
        %swap3A_499 = arith.index_cast %scan3A_399 : i32 to index
        %swap3A_500 = arith.constant 16 : index
        %swap3A_501 = tpu.vector_load %arg7[%swap3A_499, %swap3A_500] {strides = array<i32>} : memref<50x64xf32, #tpu.memory_space<vmem>>, vector<1x16xf32>,
        %swap3A_502 = vector.shape_cast %swap3A_501 : vector<1x16xf32> to vector<16xf32>
        %swap3A_503 = vector.shape_cast %mul3A_498 : vector<16xf32> to vector<1x16xf32>
        tpu.vector_store %arg7[%swap3A_499, %swap3A_500], %swap3A_503 {strides = array<i32>} : memref<50x64xf32, #tpu.memory_space<vmem>>, vector<1x16xf32>,
        %get3A_504 = arith.constant 0 : i32
        %get3A_505 = arith.index_cast %get3A_504 : i32 to index
        %get3A_506 = arith.index_cast %add3A_403 : i32 to index
        %get3A_507 = arith.constant 32 : index
        %get3A_508 = tpu.vector_load %arg6[%get3A_505, %get3A_506, %get3A_507] {strides = array<i32>} : memref<2x256x128xf32, #tpu.memory_space<vmem>>, vector<1x1x16xf32>,
        %get3A_509 = vector.shape_cast %get3A_508 : vector<1x1x16xf32> to vector<16xf32>
        %add3A_510 = arith.constant 1 : i32
        %add3A_511 = arith.addi %add3A_403, %add3A_510 : i32
        %get3A_512 = arith.constant 0 : i32
        %get3A_513 = arith.index_cast %get3A_512 : i32 to index
        %get3A_514 = arith.index_cast %add3A_511 : i32 to index
        %get3A_515 = arith.constant 32 : index
        %get3A_516 = tpu.vector_load %arg6[%get3A_513, %get3A_514, %get3A_515] {strides = array<i32>} : memref<2x256x128xf32, #tpu.memory_space<vmem>>, vector<1x1x16xf32>,
        %get3A_517 = vector.shape_cast %get3A_516 : vector<1x1x16xf32> to vector<16xf32>
        %add3A_518 = arith.addf %get3A_509, %get3A_517 : vector<16xf32>
        %add3A_519 = arith.constant 2 : i32
        %add3A_520 = arith.addi %add3A_403, %add3A_519 : i32
        %get3A_521 = arith.constant 0 : i32
        %get3A_522 = arith.index_cast %get3A_521 : i32 to index
        %get3A_523 = arith.index_cast %add3A_520 : i32 to index
        %get3A_524 = arith.constant 32 : index
        %get3A_525 = tpu.vector_load %arg6[%get3A_522, %get3A_523, %get3A_524] {strides = array<i32>} : memref<2x256x128xf32, #tpu.memory_space<vmem>>, vector<1x1x16xf32>,
        %get3A_526 = vector.shape_cast %get3A_525 : vector<1x1x16xf32> to vector<16xf32>
        %add3A_527 = arith.addf %add3A_518, %get3A_526 : vector<16xf32>
        %add3A_528 = arith.constant 3 : i32
        %add3A_529 = arith.addi %add3A_403, %add3A_528 : i32
        %get3A_530 = arith.constant 0 : i32
        %get3A_531 = arith.index_cast %get3A_530 : i32 to index
        %get3A_532 = arith.index_cast %add3A_529 : i32 to index
        %get3A_533 = arith.constant 32 : index
        %get3A_534 = tpu.vector_load %arg6[%get3A_531, %get3A_532, %get3A_533] {strides = array<i32>} : memref<2x256x128xf32, #tpu.memory_space<vmem>>, vector<1x1x16xf32>,
        %get3A_535 = vector.shape_cast %get3A_534 : vector<1x1x16xf32> to vector<16xf32>
        %add3A_536 = arith.addf %add3A_527, %get3A_535 : vector<16xf32>
        %add3A_537 = arith.constant 4 : i32
        %add3A_538 = arith.addi %add3A_403, %add3A_537 : i32
        %get3A_539 = arith.constant 0 : i32
        %get3A_540 = arith.index_cast %get3A_539 : i32 to index
        %get3A_541 = arith.index_cast %add3A_538 : i32 to index
        %get3A_542 = arith.constant 32 : index
        %get3A_543 = tpu.vector_load %arg6[%get3A_540, %get3A_541, %get3A_542] {strides = array<i32>} : memref<2x256x128xf32, #tpu.memory_space<vmem>>, vector<1x1x16xf32>,
        %get3A_544 = vector.shape_cast %get3A_543 : vector<1x1x16xf32> to vector<16xf32>
        %add3A_545 = arith.addf %add3A_536, %get3A_544 : vector<16xf32>
        %mul3A_546 = arith.constant 2.000000e-01 : f32
        %mul3A_547 = vector.broadcast %mul3A_546 : f32 to vector<16xf32>
        %mul3A_548 = arith.mulf %add3A_545, %mul3A_547 : vector<16xf32>
        %swap3A_549 = arith.index_cast %scan3A_399 : i32 to index
        %swap3A_550 = arith.constant 32 : index
        %swap3A_551 = tpu.vector_load %arg7[%swap3A_549, %swap3A_550] {strides = array<i32>} : memref<50x64xf32, #tpu.memory_space<vmem>>, vector<1x16xf32>,
        %swap3A_552 = vector.shape_cast %swap3A_551 : vector<1x16xf32> to vector<16xf32>
        %swap3A_553 = vector.shape_cast %mul3A_548 : vector<16xf32> to vector<1x16xf32>
        tpu.vector_store %arg7[%swap3A_549, %swap3A_550], %swap3A_553 {strides = array<i32>} : memref<50x64xf32, #tpu.memory_space<vmem>>, vector<1x16xf32>,
        %get3A_554 = arith.constant 0 : i32
        %get3A_555 = arith.index_cast %get3A_554 : i32 to index
        %get3A_556 = arith.index_cast %add3A_403 : i32 to index
        %get3A_557 = arith.constant 48 : index
        %get3A_558 = tpu.vector_load %arg6[%get3A_555, %get3A_556, %get3A_557] {strides = array<i32>} : memref<2x256x128xf32, #tpu.memory_space<vmem>>, vector<1x1x16xf32>,
        %get3A_559 = vector.shape_cast %get3A_558 : vector<1x1x16xf32> to vector<16xf32>
        %add3A_560 = arith.constant 1 : i32
        %add3A_561 = arith.addi %add3A_403, %add3A_560 : i32
        %get3A_562 = arith.constant 0 : i32
        %get3A_563 = arith.index_cast %get3A_562 : i32 to index
        %get3A_564 = arith.index_cast %add3A_561 : i32 to index
        %get3A_565 = arith.constant 48 : index
        %get3A_566 = tpu.vector_load %arg6[%get3A_563, %get3A_564, %get3A_565] {strides = array<i32>} : memref<2x256x128xf32, #tpu.memory_space<vmem>>, vector<1x1x16xf32>,
        %get3A_567 = vector.shape_cast %get3A_566 : vector<1x1x16xf32> to vector<16xf32>
        %add3A_568 = arith.addf %get3A_559, %get3A_567 : vector<16xf32>
        %add3A_569 = arith.constant 2 : i32
        %add3A_570 = arith.addi %add3A_403, %add3A_569 : i32
        %get3A_571 = arith.constant 0 : i32
        %get3A_572 = arith.index_cast %get3A_571 : i32 to index
        %get3A_573 = arith.index_cast %add3A_570 : i32 to index
        %get3A_574 = arith.constant 48 : index
        %get3A_575 = tpu.vector_load %arg6[%get3A_572, %get3A_573, %get3A_574] {strides = array<i32>} : memref<2x256x128xf32, #tpu.memory_space<vmem>>, vector<1x1x16xf32>,
        %get3A_576 = vector.shape_cast %get3A_575 : vector<1x1x16xf32> to vector<16xf32>
        %add3A_577 = arith.addf %add3A_568, %get3A_576 : vector<16xf32>
        %add3A_578 = arith.constant 3 : i32
        %add3A_579 = arith.addi %add3A_403, %add3A_578 : i32
        %get3A_580 = arith.constant 0 : i32
        %get3A_581 = arith.index_cast %get3A_580 : i32 to index
        %get3A_582 = arith.index_cast %add3A_579 : i32 to index
        %get3A_583 = arith.constant 48 : index
        %get3A_584 = tpu.vector_load %arg6[%get3A_581, %get3A_582, %get3A_583] {strides = array<i32>} : memref<2x256x128xf32, #tpu.memory_space<vmem>>, vector<1x1x16xf32>,
        %get3A_585 = vector.shape_cast %get3A_584 : vector<1x1x16xf32> to vector<16xf32>
        %add3A_586 = arith.addf %add3A_577, %get3A_585 : vector<16xf32>
        %add3A_587 = arith.constant 4 : i32
        %add3A_588 = arith.addi %add3A_403, %add3A_587 : i32
        %get3A_589 = arith.constant 0 : i32
        %get3A_590 = arith.index_cast %get3A_589 : i32 to index
        %get3A_591 = arith.index_cast %add3A_588 : i32 to index
        %get3A_592 = arith.constant 48 : index
        %get3A_593 = tpu.vector_load %arg6[%get3A_590, %get3A_591, %get3A_592] {strides = array<i32>} : memref<2x256x128xf32, #tpu.memory_space<vmem>>, vector<1x1x16xf32>,
        %get3A_594 = vector.shape_cast %get3A_593 : vector<1x1x16xf32> to vector<16xf32>
        %add3A_595 = arith.addf %add3A_586, %get3A_594 : vector<16xf32>
        %mul3A_596 = arith.constant 2.000000e-01 : f32
        %mul3A_597 = vector.broadcast %mul3A_596 : f32 to vector<16xf32>
        %mul3A_598 = arith.mulf %add3A_595, %mul3A_597 : vector<16xf32>
        %swap3A_599 = arith.index_cast %scan3A_399 : i32 to index
        %swap3A_600 = arith.constant 48 : index
        %swap3A_601 = tpu.vector_load %arg7[%swap3A_599, %swap3A_600] {strides = array<i32>} : memref<50x64xf32, #tpu.memory_space<vmem>>, vector<1x16xf32>,
        %swap3A_602 = vector.shape_cast %swap3A_601 : vector<1x16xf32> to vector<16xf32>
        %swap3A_603 = vector.shape_cast %mul3A_598 : vector<16xf32> to vector<1x16xf32>
        tpu.vector_store %arg7[%swap3A_599, %swap3A_600], %swap3A_603 {strides = array<i32>} : memref<50x64xf32, #tpu.memory_space<vmem>>, vector<1x16xf32>,
      }
      %scan3A_90 = arith.constant 50 : i32
      %add3A_91 = arith.addi %mul3A_2, %add3A_70 : i32
      "tpu.region"() ({
        %run_scoped3A_195 = tpu.sem_alloc : memref<!tpu.dma_semaphore, #tpu.memory_space<semaphore_mem>>
        %dma_start3A_196 = arith.constant 0 : i32
        %dma_start3A_197 = arith.constant 0 : i32
        %dma_start3A_198 = tpu.memref_slice %arg4[%add3A_91, %dma_start3A_196, %dma_start3A_197] : memref<4096x50x64xf32, #tpu.memory_space<hbm>> -> memref<1x50x64xf32, #tpu.memory_space<hbm>>
        %dma_start3A_199 = tpu.memref_squeeze %dma_start3A_198 : memref<1x50x64xf32, #tpu.memory_space<hbm>> -> memref<50x64xf32, #tpu.memory_space<hbm>>
        %dma_start3A_200 = arith.constant 0 : i32
        %dma_start3A_201 = arith.constant 0 : i32
        %dma_start3A_202 = tpu.memref_slice %arg4[%add3A_91, %dma_start3A_200, %dma_start3A_201] : memref<4096x50x64xf32, #tpu.memory_space<hbm>> -> memref<1x50x64xf32, #tpu.memory_space<hbm>>
        %dma_start3A_203 = tpu.memref_squeeze %dma_start3A_202 : memref<1x50x64xf32, #tpu.memory_space<hbm>> -> memref<50x64xf32, #tpu.memory_space<hbm>>
        tpu.enqueue_dma source(%arg7 : memref<50x64xf32, #tpu.memory_space<vmem>>) target(%dma_start3A_203 : memref<50x64xf32, #tpu.memory_space<hbm>>) target_semaphore(%run_scoped3A_195 : memref<!tpu.dma_semaphore, #tpu.memory_space<semaphore_mem>>)
        %dma_wait3A_204 = arith.constant 0 : i32
        %dma_wait3A_205 = arith.constant 0 : i32
        %dma_wait3A_206 = tpu.memref_slice %arg4[%add3A_91, %dma_wait3A_204, %dma_wait3A_205] : memref<4096x50x64xf32, #tpu.memory_space<hbm>> -> memref<1x50x64xf32, #tpu.memory_space<hbm>>
        %dma_wait3A_207 = tpu.memref_squeeze %dma_wait3A_206 : memref<1x50x64xf32, #tpu.memory_space<hbm>> -> memref<50x64xf32, #tpu.memory_space<hbm>>
        %dma_wait3A_208 = arith.constant 0 : i32
        %dma_wait3A_209 = arith.constant 0 : i32
        %dma_wait3A_210 = tpu.memref_slice %arg4[%add3A_91, %dma_wait3A_208, %dma_wait3A_209] : memref<4096x50x64xf32, #tpu.memory_space<hbm>> -> memref<1x50x64xf32, #tpu.memory_space<hbm>>
        %dma_wait3A_211 = tpu.memref_squeeze %dma_wait3A_210 : memref<1x50x64xf32, #tpu.memory_space<hbm>> -> memref<50x64xf32, #tpu.memory_space<hbm>>
        tpu.wait_dma2 semaphore(%run_scoped3A_195 : memref<!tpu.dma_semaphore, #tpu.memory_space<semaphore_mem>>) src(%arg7 : memref<50x64xf32, #tpu.memory_space<vmem>>) dst(%dma_wait3A_211 : memref<50x64xf32, #tpu.memory_space<hbm>>)
        tpu.yield
      }) : () -> ()
      %add3A_92 = arith.constant 2 : i32
      %add3A_93 = arith.addi %add3A_70, %add3A_92 : i32
      %lt3A = arith.constant 128 : i32
      %lt3A_94 = arith.cmpi slt, %add3A_93, %lt3A : i32
      %convert_element_type3A = arith.extui %lt3A_94 : i1 to i32
      %cond3A = arith.constant 0 : i32
      %cond3A_95 = arith.cmpi ne, %convert_element_type3A, %cond3A : i32
      scf.if %cond3A_95 {
        %dma_start3A_195 = arith.constant 0 : i32
        %dma_start3A_196 = arith.constant 0 : i32
        %dma_start3A_197 = arith.constant 0 : i32
        %dma_start3A_198 = tpu.memref_slice %arg6[%dma_start3A_195, %dma_start3A_196, %dma_start3A_197] : memref<2x256x128xf32, #tpu.memory_space<vmem>> -> memref<1x128x128xf32, #tpu.memory_space<vmem>>
        %dma_start3A_199 = tpu.memref_squeeze %dma_start3A_198 : memref<1x128x128xf32, #tpu.memory_space<vmem>> -> memref<128x128xf32, #tpu.memory_space<vmem>>
        %dma_start3A_200 = arith.constant 496 : i32
        %dma_start3A_201 = tpu.memref_slice %arg5[%and3A_62, %dma_start3A_200] : memref<2x1000xi32, #tpu.memory_space<vmem>> -> memref<1x128xi32, #tpu.memory_space<vmem>>
        %dma_start3A_202 = tpu.memref_squeeze %dma_start3A_201 : memref<1x128xi32, #tpu.memory_space<vmem>> -> memref<128xi32, #tpu.memory_space<vmem>>
        %dma_start3A_203 = arith.constant 0 : i32
        %dma_start3A_204 = arith.constant 0 : i32
        %dma_start3A_205 = tpu.memref_slice %arg3[%dma_start3A_203, %dma_start3A_204] : memref<1000000x128xf32, #tpu.memory_space<hbm>> -> memref<1000000x128xf32, #tpu.memory_space<hbm>>
        tpu.enqueue_indirect_dma source(%dma_start3A_205 : memref<1000000x128xf32, #tpu.memory_space<hbm>>) target(%dma_start3A_199 : memref<128x128xf32, #tpu.memory_space<vmem>>) offsets(%dma_start3A_202 : memref<128xi32, #tpu.memory_space<vmem>>) semaphore(%arg8 : memref<!tpu.dma_semaphore, #tpu.memory_space<semaphore_mem>>)
        %dma_start3A_206 = arith.constant 0 : i32
        %dma_start3A_207 = arith.constant 128 : i32
        %dma_start3A_208 = arith.constant 0 : i32
        %dma_start3A_209 = tpu.memref_slice %arg6[%dma_start3A_206, %dma_start3A_207, %dma_start3A_208] : memref<2x256x128xf32, #tpu.memory_space<vmem>> -> memref<1x128x128xf32, #tpu.memory_space<vmem>>
        %dma_start3A_210 = tpu.memref_squeeze %dma_start3A_209 : memref<1x128x128xf32, #tpu.memory_space<vmem>> -> memref<128x128xf32, #tpu.memory_space<vmem>>
        %dma_start3A_211 = arith.constant 624 : i32
        %dma_start3A_212 = tpu.memref_slice %arg5[%and3A_62, %dma_start3A_211] : memref<2x1000xi32, #tpu.memory_space<vmem>> -> memref<1x128xi32, #tpu.memory_space<vmem>>
        %dma_start3A_213 = tpu.memref_squeeze %dma_start3A_212 : memref<1x128xi32, #tpu.memory_space<vmem>> -> memref<128xi32, #tpu.memory_space<vmem>>
        %dma_start3A_214 = arith.constant 0 : i32
        %dma_start3A_215 = arith.constant 0 : i32
        %dma_start3A_216 = tpu.memref_slice %arg3[%dma_start3A_214, %dma_start3A_215] : memref<1000000x128xf32, #tpu.memory_space<hbm>> -> memref<1000000x128xf32, #tpu.memory_space<hbm>>
        tpu.enqueue_indirect_dma source(%dma_start3A_216 : memref<1000000x128xf32, #tpu.memory_space<hbm>>) target(%dma_start3A_210 : memref<128x128xf32, #tpu.memory_space<vmem>>) offsets(%dma_start3A_213 : memref<128xi32, #tpu.memory_space<vmem>>) semaphore(%arg8 : memref<!tpu.dma_semaphore, #tpu.memory_space<semaphore_mem>>)
      } else {
      }
      %mul3A_96 = arith.constant 4 : i32
      %mul3A_97 = arith.muli %mul3A_96, %scan3A_61 : i32
      %add3A_98 = arith.constant 1 : i32
      %add3A_99 = arith.addi %mul3A_97, %add3A_98 : i32
      %dma_wait3A_100 = arith.constant 1 : i32
      %dma_wait3A_101 = arith.constant 0 : i32
      %dma_wait3A_102 = arith.constant 0 : i32
      %dma_wait3A_103 = tpu.memref_slice %arg6[%dma_wait3A_100, %dma_wait3A_101, %dma_wait3A_102] : memref<2x256x128xf32, #tpu.memory_space<vmem>> -> memref<1x256x128xf32, #tpu.memory_space<vmem>>
      %dma_wait3A_104 = tpu.memref_squeeze %dma_wait3A_103 : memref<1x256x128xf32, #tpu.memory_space<vmem>> -> memref<256x128xf32, #tpu.memory_space<vmem>>
      %dma_wait3A_105 = arith.constant 0 : i32
      %dma_wait3A_106 = arith.constant 0 : i32
      %dma_wait3A_107 = tpu.memref_slice %arg3[%dma_wait3A_105, %dma_wait3A_106] : memref<1000000x128xf32, #tpu.memory_space<hbm>> -> memref<256x128xf32, #tpu.memory_space<hbm>>
      %dma_wait3A_108 = arith.constant 0 : i32
      %dma_wait3A_109 = arith.constant 0 : i32
      %dma_wait3A_110 = tpu.memref_slice %arg6[%dma_wait3A_100, %dma_wait3A_108, %dma_wait3A_109] : memref<2x256x128xf32, #tpu.memory_space<vmem>> -> memref<1x256x128xf32, #tpu.memory_space<vmem>>
      %dma_wait3A_111 = tpu.memref_squeeze %dma_wait3A_110 : memref<1x256x128xf32, #tpu.memory_space<vmem>> -> memref<256x128xf32, #tpu.memory_space<vmem>>
      %dma_wait3A_112 = arith.constant 0 : i32
      %dma_wait3A_113 = arith.constant 0 : i32
      %dma_wait3A_114 = tpu.memref_slice %arg3[%dma_wait3A_112, %dma_wait3A_113] : memref<1000000x128xf32, #tpu.memory_space<hbm>> -> memref<256x128xf32, #tpu.memory_space<hbm>>
      tpu.wait_dma2 semaphore(%arg9 : memref<!tpu.dma_semaphore, #tpu.memory_space<semaphore_mem>>) src(%dma_wait3A_114 : memref<256x128xf32, #tpu.memory_space<hbm>>) dst(%dma_wait3A_111 : memref<256x128xf32, #tpu.memory_space<vmem>>)
      %scan3A_115 = arith.constant 0 : i32
      %scan3A_116 = arith.constant 0 : i32
      %scan3A_117 = arith.constant 50 : i32
      %scan3A_118 = arith.addi %scan3A_116, %scan3A_117 : i32
      %scan3A_119 = arith.constant 2 : i32
      scf.for %scan3A_195 = %scan3A_116 to %scan3A_118 step %scan3A_119  : i32 {
        %mul3A_196 = arith.constant 5 : i32
        %mul3A_197 = arith.muli %scan3A_195, %mul3A_196 : i32
        %add3A_198 = arith.constant 2 : i32
        %add3A_199 = arith.addi %add3A_198, %mul3A_197 : i32
        %get3A = arith.constant 1 : i32
        %get3A_200 = arith.index_cast %get3A : i32 to index
        %get3A_201 = arith.index_cast %add3A_199 : i32 to index
        %get3A_202 = arith.constant 0 : index
        %get3A_203 = tpu.vector_load %arg6[%get3A_200, %get3A_201, %get3A_202] {strides = array<i32>} : memref<2x256x128xf32, #tpu.memory_space<vmem>>, vector<1x1x16xf32>,
        %get3A_204 = vector.shape_cast %get3A_203 : vector<1x1x16xf32> to vector<16xf32>
        %add3A_205 = arith.constant 1 : i32
        %add3A_206 = arith.addi %add3A_199, %add3A_205 : i32
        %get3A_207 = arith.constant 1 : i32
        %get3A_208 = arith.index_cast %get3A_207 : i32 to index
        %get3A_209 = arith.index_cast %add3A_206 : i32 to index
        %get3A_210 = arith.constant 0 : index
        %get3A_211 = tpu.vector_load %arg6[%get3A_208, %get3A_209, %get3A_210] {strides = array<i32>} : memref<2x256x128xf32, #tpu.memory_space<vmem>>, vector<1x1x16xf32>,
        %get3A_212 = vector.shape_cast %get3A_211 : vector<1x1x16xf32> to vector<16xf32>
        %add3A_213 = arith.addf %get3A_204, %get3A_212 : vector<16xf32>
        %add3A_214 = arith.constant 2 : i32
        %add3A_215 = arith.addi %add3A_199, %add3A_214 : i32
        %get3A_216 = arith.constant 1 : i32
        %get3A_217 = arith.index_cast %get3A_216 : i32 to index
        %get3A_218 = arith.index_cast %add3A_215 : i32 to index
        %get3A_219 = arith.constant 0 : index
        %get3A_220 = tpu.vector_load %arg6[%get3A_217, %get3A_218, %get3A_219] {strides = array<i32>} : memref<2x256x128xf32, #tpu.memory_space<vmem>>, vector<1x1x16xf32>,
        %get3A_221 = vector.shape_cast %get3A_220 : vector<1x1x16xf32> to vector<16xf32>
        %add3A_222 = arith.addf %add3A_213, %get3A_221 : vector<16xf32>
        %add3A_223 = arith.constant 3 : i32
        %add3A_224 = arith.addi %add3A_199, %add3A_223 : i32
        %get3A_225 = arith.constant 1 : i32
        %get3A_226 = arith.index_cast %get3A_225 : i32 to index
        %get3A_227 = arith.index_cast %add3A_224 : i32 to index
        %get3A_228 = arith.constant 0 : index
        %get3A_229 = tpu.vector_load %arg6[%get3A_226, %get3A_227, %get3A_228] {strides = array<i32>} : memref<2x256x128xf32, #tpu.memory_space<vmem>>, vector<1x1x16xf32>,
        %get3A_230 = vector.shape_cast %get3A_229 : vector<1x1x16xf32> to vector<16xf32>
        %add3A_231 = arith.addf %add3A_222, %get3A_230 : vector<16xf32>
        %add3A_232 = arith.constant 4 : i32
        %add3A_233 = arith.addi %add3A_199, %add3A_232 : i32
        %get3A_234 = arith.constant 1 : i32
        %get3A_235 = arith.index_cast %get3A_234 : i32 to index
        %get3A_236 = arith.index_cast %add3A_233 : i32 to index
        %get3A_237 = arith.constant 0 : index
        %get3A_238 = tpu.vector_load %arg6[%get3A_235, %get3A_236, %get3A_237] {strides = array<i32>} : memref<2x256x128xf32, #tpu.memory_space<vmem>>, vector<1x1x16xf32>,
        %get3A_239 = vector.shape_cast %get3A_238 : vector<1x1x16xf32> to vector<16xf32>
        %add3A_240 = arith.addf %add3A_231, %get3A_239 : vector<16xf32>
        %mul3A_241 = arith.constant 2.000000e-01 : f32
        %mul3A_242 = vector.broadcast %mul3A_241 : f32 to vector<16xf32>
        %mul3A_243 = arith.mulf %add3A_240, %mul3A_242 : vector<16xf32>
        %swap3A = arith.index_cast %scan3A_195 : i32 to index
        %swap3A_244 = arith.constant 0 : index
        %swap3A_245 = tpu.vector_load %arg7[%swap3A, %swap3A_244] {strides = array<i32>} : memref<50x64xf32, #tpu.memory_space<vmem>>, vector<1x16xf32>,
        %swap3A_246 = vector.shape_cast %swap3A_245 : vector<1x16xf32> to vector<16xf32>
        %swap3A_247 = vector.shape_cast %mul3A_243 : vector<16xf32> to vector<1x16xf32>
        tpu.vector_store %arg7[%swap3A, %swap3A_244], %swap3A_247 {strides = array<i32>} : memref<50x64xf32, #tpu.memory_space<vmem>>, vector<1x16xf32>,
        %get3A_248 = arith.constant 1 : i32
        %get3A_249 = arith.index_cast %get3A_248 : i32 to index
        %get3A_250 = arith.index_cast %add3A_199 : i32 to index
        %get3A_251 = arith.constant 16 : index
        %get3A_252 = tpu.vector_load %arg6[%get3A_249, %get3A_250, %get3A_251] {strides = array<i32>} : memref<2x256x128xf32, #tpu.memory_space<vmem>>, vector<1x1x16xf32>,
        %get3A_253 = vector.shape_cast %get3A_252 : vector<1x1x16xf32> to vector<16xf32>
        %add3A_254 = arith.constant 1 : i32
        %add3A_255 = arith.addi %add3A_199, %add3A_254 : i32
        %get3A_256 = arith.constant 1 : i32
        %get3A_257 = arith.index_cast %get3A_256 : i32 to index
        %get3A_258 = arith.index_cast %add3A_255 : i32 to index
        %get3A_259 = arith.constant 16 : index
        %get3A_260 = tpu.vector_load %arg6[%get3A_257, %get3A_258, %get3A_259] {strides = array<i32>} : memref<2x256x128xf32, #tpu.memory_space<vmem>>, vector<1x1x16xf32>,
        %get3A_261 = vector.shape_cast %get3A_260 : vector<1x1x16xf32> to vector<16xf32>
        %add3A_262 = arith.addf %get3A_253, %get3A_261 : vector<16xf32>
        %add3A_263 = arith.constant 2 : i32
        %add3A_264 = arith.addi %add3A_199, %add3A_263 : i32
        %get3A_265 = arith.constant 1 : i32
        %get3A_266 = arith.index_cast %get3A_265 : i32 to index
        %get3A_267 = arith.index_cast %add3A_264 : i32 to index
        %get3A_268 = arith.constant 16 : index
        %get3A_269 = tpu.vector_load %arg6[%get3A_266, %get3A_267, %get3A_268] {strides = array<i32>} : memref<2x256x128xf32, #tpu.memory_space<vmem>>, vector<1x1x16xf32>,
        %get3A_270 = vector.shape_cast %get3A_269 : vector<1x1x16xf32> to vector<16xf32>
        %add3A_271 = arith.addf %add3A_262, %get3A_270 : vector<16xf32>
        %add3A_272 = arith.constant 3 : i32
        %add3A_273 = arith.addi %add3A_199, %add3A_272 : i32
        %get3A_274 = arith.constant 1 : i32
        %get3A_275 = arith.index_cast %get3A_274 : i32 to index
        %get3A_276 = arith.index_cast %add3A_273 : i32 to index
        %get3A_277 = arith.constant 16 : index
        %get3A_278 = tpu.vector_load %arg6[%get3A_275, %get3A_276, %get3A_277] {strides = array<i32>} : memref<2x256x128xf32, #tpu.memory_space<vmem>>, vector<1x1x16xf32>,
        %get3A_279 = vector.shape_cast %get3A_278 : vector<1x1x16xf32> to vector<16xf32>
        %add3A_280 = arith.addf %add3A_271, %get3A_279 : vector<16xf32>
        %add3A_281 = arith.constant 4 : i32
        %add3A_282 = arith.addi %add3A_199, %add3A_281 : i32
        %get3A_283 = arith.constant 1 : i32
        %get3A_284 = arith.index_cast %get3A_283 : i32 to index
        %get3A_285 = arith.index_cast %add3A_282 : i32 to index
        %get3A_286 = arith.constant 16 : index
        %get3A_287 = tpu.vector_load %arg6[%get3A_284, %get3A_285, %get3A_286] {strides = array<i32>} : memref<2x256x128xf32, #tpu.memory_space<vmem>>, vector<1x1x16xf32>,
        %get3A_288 = vector.shape_cast %get3A_287 : vector<1x1x16xf32> to vector<16xf32>
        %add3A_289 = arith.addf %add3A_280, %get3A_288 : vector<16xf32>
        %mul3A_290 = arith.constant 2.000000e-01 : f32
        %mul3A_291 = vector.broadcast %mul3A_290 : f32 to vector<16xf32>
        %mul3A_292 = arith.mulf %add3A_289, %mul3A_291 : vector<16xf32>
        %swap3A_293 = arith.index_cast %scan3A_195 : i32 to index
        %swap3A_294 = arith.constant 16 : index
        %swap3A_295 = tpu.vector_load %arg7[%swap3A_293, %swap3A_294] {strides = array<i32>} : memref<50x64xf32, #tpu.memory_space<vmem>>, vector<1x16xf32>,
        %swap3A_296 = vector.shape_cast %swap3A_295 : vector<1x16xf32> to vector<16xf32>
        %swap3A_297 = vector.shape_cast %mul3A_292 : vector<16xf32> to vector<1x16xf32>
        tpu.vector_store %arg7[%swap3A_293, %swap3A_294], %swap3A_297 {strides = array<i32>} : memref<50x64xf32, #tpu.memory_space<vmem>>, vector<1x16xf32>,
        %get3A_298 = arith.constant 1 : i32
        %get3A_299 = arith.index_cast %get3A_298 : i32 to index
        %get3A_300 = arith.index_cast %add3A_199 : i32 to index
        %get3A_301 = arith.constant 32 : index
        %get3A_302 = tpu.vector_load %arg6[%get3A_299, %get3A_300, %get3A_301] {strides = array<i32>} : memref<2x256x128xf32, #tpu.memory_space<vmem>>, vector<1x1x16xf32>,
        %get3A_303 = vector.shape_cast %get3A_302 : vector<1x1x16xf32> to vector<16xf32>
        %add3A_304 = arith.constant 1 : i32
        %add3A_305 = arith.addi %add3A_199, %add3A_304 : i32
        %get3A_306 = arith.constant 1 : i32
        %get3A_307 = arith.index_cast %get3A_306 : i32 to index
        %get3A_308 = arith.index_cast %add3A_305 : i32 to index
        %get3A_309 = arith.constant 32 : index
        %get3A_310 = tpu.vector_load %arg6[%get3A_307, %get3A_308, %get3A_309] {strides = array<i32>} : memref<2x256x128xf32, #tpu.memory_space<vmem>>, vector<1x1x16xf32>,
        %get3A_311 = vector.shape_cast %get3A_310 : vector<1x1x16xf32> to vector<16xf32>
        %add3A_312 = arith.addf %get3A_303, %get3A_311 : vector<16xf32>
        %add3A_313 = arith.constant 2 : i32
        %add3A_314 = arith.addi %add3A_199, %add3A_313 : i32
        %get3A_315 = arith.constant 1 : i32
        %get3A_316 = arith.index_cast %get3A_315 : i32 to index
        %get3A_317 = arith.index_cast %add3A_314 : i32 to index
        %get3A_318 = arith.constant 32 : index
        %get3A_319 = tpu.vector_load %arg6[%get3A_316, %get3A_317, %get3A_318] {strides = array<i32>} : memref<2x256x128xf32, #tpu.memory_space<vmem>>, vector<1x1x16xf32>,
        %get3A_320 = vector.shape_cast %get3A_319 : vector<1x1x16xf32> to vector<16xf32>
        %add3A_321 = arith.addf %add3A_312, %get3A_320 : vector<16xf32>
        %add3A_322 = arith.constant 3 : i32
        %add3A_323 = arith.addi %add3A_199, %add3A_322 : i32
        %get3A_324 = arith.constant 1 : i32
        %get3A_325 = arith.index_cast %get3A_324 : i32 to index
        %get3A_326 = arith.index_cast %add3A_323 : i32 to index
        %get3A_327 = arith.constant 32 : index
        %get3A_328 = tpu.vector_load %arg6[%get3A_325, %get3A_326, %get3A_327] {strides = array<i32>} : memref<2x256x128xf32, #tpu.memory_space<vmem>>, vector<1x1x16xf32>,
        %get3A_329 = vector.shape_cast %get3A_328 : vector<1x1x16xf32> to vector<16xf32>
        %add3A_330 = arith.addf %add3A_321, %get3A_329 : vector<16xf32>
        %add3A_331 = arith.constant 4 : i32
        %add3A_332 = arith.addi %add3A_199, %add3A_331 : i32
        %get3A_333 = arith.constant 1 : i32
        %get3A_334 = arith.index_cast %get3A_333 : i32 to index
        %get3A_335 = arith.index_cast %add3A_332 : i32 to index
        %get3A_336 = arith.constant 32 : index
        %get3A_337 = tpu.vector_load %arg6[%get3A_334, %get3A_335, %get3A_336] {strides = array<i32>} : memref<2x256x128xf32, #tpu.memory_space<vmem>>, vector<1x1x16xf32>,
        %get3A_338 = vector.shape_cast %get3A_337 : vector<1x1x16xf32> to vector<16xf32>
        %add3A_339 = arith.addf %add3A_330, %get3A_338 : vector<16xf32>
        %mul3A_340 = arith.constant 2.000000e-01 : f32
        %mul3A_341 = vector.broadcast %mul3A_340 : f32 to vector<16xf32>
        %mul3A_342 = arith.mulf %add3A_339, %mul3A_341 : vector<16xf32>
        %swap3A_343 = arith.index_cast %scan3A_195 : i32 to index
        %swap3A_344 = arith.constant 32 : index
        %swap3A_345 = tpu.vector_load %arg7[%swap3A_343, %swap3A_344] {strides = array<i32>} : memref<50x64xf32, #tpu.memory_space<vmem>>, vector<1x16xf32>,
        %swap3A_346 = vector.shape_cast %swap3A_345 : vector<1x16xf32> to vector<16xf32>
        %swap3A_347 = vector.shape_cast %mul3A_342 : vector<16xf32> to vector<1x16xf32>
        tpu.vector_store %arg7[%swap3A_343, %swap3A_344], %swap3A_347 {strides = array<i32>} : memref<50x64xf32, #tpu.memory_space<vmem>>, vector<1x16xf32>,
        %get3A_348 = arith.constant 1 : i32
        %get3A_349 = arith.index_cast %get3A_348 : i32 to index
        %get3A_350 = arith.index_cast %add3A_199 : i32 to index
        %get3A_351 = arith.constant 48 : index
        %get3A_352 = tpu.vector_load %arg6[%get3A_349, %get3A_350, %get3A_351] {strides = array<i32>} : memref<2x256x128xf32, #tpu.memory_space<vmem>>, vector<1x1x16xf32>,
        %get3A_353 = vector.shape_cast %get3A_352 : vector<1x1x16xf32> to vector<16xf32>
        %add3A_354 = arith.constant 1 : i32
        %add3A_355 = arith.addi %add3A_199, %add3A_354 : i32
        %get3A_356 = arith.constant 1 : i32
        %get3A_357 = arith.index_cast %get3A_356 : i32 to index
        %get3A_358 = arith.index_cast %add3A_355 : i32 to index
        %get3A_359 = arith.constant 48 : index
        %get3A_360 = tpu.vector_load %arg6[%get3A_357, %get3A_358, %get3A_359] {strides = array<i32>} : memref<2x256x128xf32, #tpu.memory_space<vmem>>, vector<1x1x16xf32>,
        %get3A_361 = vector.shape_cast %get3A_360 : vector<1x1x16xf32> to vector<16xf32>
        %add3A_362 = arith.addf %get3A_353, %get3A_361 : vector<16xf32>
        %add3A_363 = arith.constant 2 : i32
        %add3A_364 = arith.addi %add3A_199, %add3A_363 : i32
        %get3A_365 = arith.constant 1 : i32
        %get3A_366 = arith.index_cast %get3A_365 : i32 to index
        %get3A_367 = arith.index_cast %add3A_364 : i32 to index
        %get3A_368 = arith.constant 48 : index
        %get3A_369 = tpu.vector_load %arg6[%get3A_366, %get3A_367, %get3A_368] {strides = array<i32>} : memref<2x256x128xf32, #tpu.memory_space<vmem>>, vector<1x1x16xf32>,
        %get3A_370 = vector.shape_cast %get3A_369 : vector<1x1x16xf32> to vector<16xf32>
        %add3A_371 = arith.addf %add3A_362, %get3A_370 : vector<16xf32>
        %add3A_372 = arith.constant 3 : i32
        %add3A_373 = arith.addi %add3A_199, %add3A_372 : i32
        %get3A_374 = arith.constant 1 : i32
        %get3A_375 = arith.index_cast %get3A_374 : i32 to index
        %get3A_376 = arith.index_cast %add3A_373 : i32 to index
        %get3A_377 = arith.constant 48 : index
        %get3A_378 = tpu.vector_load %arg6[%get3A_375, %get3A_376, %get3A_377] {strides = array<i32>} : memref<2x256x128xf32, #tpu.memory_space<vmem>>, vector<1x1x16xf32>,
        %get3A_379 = vector.shape_cast %get3A_378 : vector<1x1x16xf32> to vector<16xf32>
        %add3A_380 = arith.addf %add3A_371, %get3A_379 : vector<16xf32>
        %add3A_381 = arith.constant 4 : i32
        %add3A_382 = arith.addi %add3A_199, %add3A_381 : i32
        %get3A_383 = arith.constant 1 : i32
        %get3A_384 = arith.index_cast %get3A_383 : i32 to index
        %get3A_385 = arith.index_cast %add3A_382 : i32 to index
        %get3A_386 = arith.constant 48 : index
        %get3A_387 = tpu.vector_load %arg6[%get3A_384, %get3A_385, %get3A_386] {strides = array<i32>} : memref<2x256x128xf32, #tpu.memory_space<vmem>>, vector<1x1x16xf32>,
        %get3A_388 = vector.shape_cast %get3A_387 : vector<1x1x16xf32> to vector<16xf32>
        %add3A_389 = arith.addf %add3A_380, %get3A_388 : vector<16xf32>
        %mul3A_390 = arith.constant 2.000000e-01 : f32
        %mul3A_391 = vector.broadcast %mul3A_390 : f32 to vector<16xf32>
        %mul3A_392 = arith.mulf %add3A_389, %mul3A_391 : vector<16xf32>
        %swap3A_393 = arith.index_cast %scan3A_195 : i32 to index
        %swap3A_394 = arith.constant 48 : index
        %swap3A_395 = tpu.vector_load %arg7[%swap3A_393, %swap3A_394] {strides = array<i32>} : memref<50x64xf32, #tpu.memory_space<vmem>>, vector<1x16xf32>,
        %swap3A_396 = vector.shape_cast %swap3A_395 : vector<1x16xf32> to vector<16xf32>
        %swap3A_397 = vector.shape_cast %mul3A_392 : vector<16xf32> to vector<1x16xf32>
        tpu.vector_store %arg7[%swap3A_393, %swap3A_394], %swap3A_397 {strides = array<i32>} : memref<50x64xf32, #tpu.memory_space<vmem>>, vector<1x16xf32>,
        %scan3A_398 = arith.constant 1 : i32
        %scan3A_399 = arith.addi %scan3A_195, %scan3A_398 : i32
        %mul3A_400 = arith.constant 5 : i32
        %mul3A_401 = arith.muli %scan3A_399, %mul3A_400 : i32
        %add3A_402 = arith.constant 2 : i32
        %add3A_403 = arith.addi %add3A_402, %mul3A_401 : i32
        %get3A_404 = arith.constant 1 : i32
        %get3A_405 = arith.index_cast %get3A_404 : i32 to index
        %get3A_406 = arith.index_cast %add3A_403 : i32 to index
        %get3A_407 = arith.constant 0 : index
        %get3A_408 = tpu.vector_load %arg6[%get3A_405, %get3A_406, %get3A_407] {strides = array<i32>} : memref<2x256x128xf32, #tpu.memory_space<vmem>>, vector<1x1x16xf32>,
        %get3A_409 = vector.shape_cast %get3A_408 : vector<1x1x16xf32> to vector<16xf32>
        %add3A_410 = arith.constant 1 : i32
        %add3A_411 = arith.addi %add3A_403, %add3A_410 : i32
        %get3A_412 = arith.constant 1 : i32
        %get3A_413 = arith.index_cast %get3A_412 : i32 to index
        %get3A_414 = arith.index_cast %add3A_411 : i32 to index
        %get3A_415 = arith.constant 0 : index
        %get3A_416 = tpu.vector_load %arg6[%get3A_413, %get3A_414, %get3A_415] {strides = array<i32>} : memref<2x256x128xf32, #tpu.memory_space<vmem>>, vector<1x1x16xf32>,
        %get3A_417 = vector.shape_cast %get3A_416 : vector<1x1x16xf32> to vector<16xf32>
        %add3A_418 = arith.addf %get3A_409, %get3A_417 : vector<16xf32>
        %add3A_419 = arith.constant 2 : i32
        %add3A_420 = arith.addi %add3A_403, %add3A_419 : i32
        %get3A_421 = arith.constant 1 : i32
        %get3A_422 = arith.index_cast %get3A_421 : i32 to index
        %get3A_423 = arith.index_cast %add3A_420 : i32 to index
        %get3A_424 = arith.constant 0 : index
        %get3A_425 = tpu.vector_load %arg6[%get3A_422, %get3A_423, %get3A_424] {strides = array<i32>} : memref<2x256x128xf32, #tpu.memory_space<vmem>>, vector<1x1x16xf32>,
        %get3A_426 = vector.shape_cast %get3A_425 : vector<1x1x16xf32> to vector<16xf32>
        %add3A_427 = arith.addf %add3A_418, %get3A_426 : vector<16xf32>
        %add3A_428 = arith.constant 3 : i32
        %add3A_429 = arith.addi %add3A_403, %add3A_428 : i32
        %get3A_430 = arith.constant 1 : i32
        %get3A_431 = arith.index_cast %get3A_430 : i32 to index
        %get3A_432 = arith.index_cast %add3A_429 : i32 to index
        %get3A_433 = arith.constant 0 : index
        %get3A_434 = tpu.vector_load %arg6[%get3A_431, %get3A_432, %get3A_433] {strides = array<i32>} : memref<2x256x128xf32, #tpu.memory_space<vmem>>, vector<1x1x16xf32>,
        %get3A_435 = vector.shape_cast %get3A_434 : vector<1x1x16xf32> to vector<16xf32>
        %add3A_436 = arith.addf %add3A_427, %get3A_435 : vector<16xf32>
        %add3A_437 = arith.constant 4 : i32
        %add3A_438 = arith.addi %add3A_403, %add3A_437 : i32
        %get3A_439 = arith.constant 1 : i32
        %get3A_440 = arith.index_cast %get3A_439 : i32 to index
        %get3A_441 = arith.index_cast %add3A_438 : i32 to index
        %get3A_442 = arith.constant 0 : index
        %get3A_443 = tpu.vector_load %arg6[%get3A_440, %get3A_441, %get3A_442] {strides = array<i32>} : memref<2x256x128xf32, #tpu.memory_space<vmem>>, vector<1x1x16xf32>,
        %get3A_444 = vector.shape_cast %get3A_443 : vector<1x1x16xf32> to vector<16xf32>
        %add3A_445 = arith.addf %add3A_436, %get3A_444 : vector<16xf32>
        %mul3A_446 = arith.constant 2.000000e-01 : f32
        %mul3A_447 = vector.broadcast %mul3A_446 : f32 to vector<16xf32>
        %mul3A_448 = arith.mulf %add3A_445, %mul3A_447 : vector<16xf32>
        %swap3A_449 = arith.index_cast %scan3A_399 : i32 to index
        %swap3A_450 = arith.constant 0 : index
        %swap3A_451 = tpu.vector_load %arg7[%swap3A_449, %swap3A_450] {strides = array<i32>} : memref<50x64xf32, #tpu.memory_space<vmem>>, vector<1x16xf32>,
        %swap3A_452 = vector.shape_cast %swap3A_451 : vector<1x16xf32> to vector<16xf32>
        %swap3A_453 = vector.shape_cast %mul3A_448 : vector<16xf32> to vector<1x16xf32>
        tpu.vector_store %arg7[%swap3A_449, %swap3A_450], %swap3A_453 {strides = array<i32>} : memref<50x64xf32, #tpu.memory_space<vmem>>, vector<1x16xf32>,
        %get3A_454 = arith.constant 1 : i32
        %get3A_455 = arith.index_cast %get3A_454 : i32 to index
        %get3A_456 = arith.index_cast %add3A_403 : i32 to index
        %get3A_457 = arith.constant 16 : index
        %get3A_458 = tpu.vector_load %arg6[%get3A_455, %get3A_456, %get3A_457] {strides = array<i32>} : memref<2x256x128xf32, #tpu.memory_space<vmem>>, vector<1x1x16xf32>,
        %get3A_459 = vector.shape_cast %get3A_458 : vector<1x1x16xf32> to vector<16xf32>
        %add3A_460 = arith.constant 1 : i32
        %add3A_461 = arith.addi %add3A_403, %add3A_460 : i32
        %get3A_462 = arith.constant 1 : i32
        %get3A_463 = arith.index_cast %get3A_462 : i32 to index
        %get3A_464 = arith.index_cast %add3A_461 : i32 to index
        %get3A_465 = arith.constant 16 : index
        %get3A_466 = tpu.vector_load %arg6[%get3A_463, %get3A_464, %get3A_465] {strides = array<i32>} : memref<2x256x128xf32, #tpu.memory_space<vmem>>, vector<1x1x16xf32>,
        %get3A_467 = vector.shape_cast %get3A_466 : vector<1x1x16xf32> to vector<16xf32>
        %add3A_468 = arith.addf %get3A_459, %get3A_467 : vector<16xf32>
        %add3A_469 = arith.constant 2 : i32
        %add3A_470 = arith.addi %add3A_403, %add3A_469 : i32
        %get3A_471 = arith.constant 1 : i32
        %get3A_472 = arith.index_cast %get3A_471 : i32 to index
        %get3A_473 = arith.index_cast %add3A_470 : i32 to index
        %get3A_474 = arith.constant 16 : index
        %get3A_475 = tpu.vector_load %arg6[%get3A_472, %get3A_473, %get3A_474] {strides = array<i32>} : memref<2x256x128xf32, #tpu.memory_space<vmem>>, vector<1x1x16xf32>,
        %get3A_476 = vector.shape_cast %get3A_475 : vector<1x1x16xf32> to vector<16xf32>
        %add3A_477 = arith.addf %add3A_468, %get3A_476 : vector<16xf32>
        %add3A_478 = arith.constant 3 : i32
        %add3A_479 = arith.addi %add3A_403, %add3A_478 : i32
        %get3A_480 = arith.constant 1 : i32
        %get3A_481 = arith.index_cast %get3A_480 : i32 to index
        %get3A_482 = arith.index_cast %add3A_479 : i32 to index
        %get3A_483 = arith.constant 16 : index
        %get3A_484 = tpu.vector_load %arg6[%get3A_481, %get3A_482, %get3A_483] {strides = array<i32>} : memref<2x256x128xf32, #tpu.memory_space<vmem>>, vector<1x1x16xf32>,
        %get3A_485 = vector.shape_cast %get3A_484 : vector<1x1x16xf32> to vector<16xf32>
        %add3A_486 = arith.addf %add3A_477, %get3A_485 : vector<16xf32>
        %add3A_487 = arith.constant 4 : i32
        %add3A_488 = arith.addi %add3A_403, %add3A_487 : i32
        %get3A_489 = arith.constant 1 : i32
        %get3A_490 = arith.index_cast %get3A_489 : i32 to index
        %get3A_491 = arith.index_cast %add3A_488 : i32 to index
        %get3A_492 = arith.constant 16 : index
        %get3A_493 = tpu.vector_load %arg6[%get3A_490, %get3A_491, %get3A_492] {strides = array<i32>} : memref<2x256x128xf32, #tpu.memory_space<vmem>>, vector<1x1x16xf32>,
        %get3A_494 = vector.shape_cast %get3A_493 : vector<1x1x16xf32> to vector<16xf32>
        %add3A_495 = arith.addf %add3A_486, %get3A_494 : vector<16xf32>
        %mul3A_496 = arith.constant 2.000000e-01 : f32
        %mul3A_497 = vector.broadcast %mul3A_496 : f32 to vector<16xf32>
        %mul3A_498 = arith.mulf %add3A_495, %mul3A_497 : vector<16xf32>
        %swap3A_499 = arith.index_cast %scan3A_399 : i32 to index
        %swap3A_500 = arith.constant 16 : index
        %swap3A_501 = tpu.vector_load %arg7[%swap3A_499, %swap3A_500] {strides = array<i32>} : memref<50x64xf32, #tpu.memory_space<vmem>>, vector<1x16xf32>,
        %swap3A_502 = vector.shape_cast %swap3A_501 : vector<1x16xf32> to vector<16xf32>
        %swap3A_503 = vector.shape_cast %mul3A_498 : vector<16xf32> to vector<1x16xf32>
        tpu.vector_store %arg7[%swap3A_499, %swap3A_500], %swap3A_503 {strides = array<i32>} : memref<50x64xf32, #tpu.memory_space<vmem>>, vector<1x16xf32>,
        %get3A_504 = arith.constant 1 : i32
        %get3A_505 = arith.index_cast %get3A_504 : i32 to index
        %get3A_506 = arith.index_cast %add3A_403 : i32 to index
        %get3A_507 = arith.constant 32 : index
        %get3A_508 = tpu.vector_load %arg6[%get3A_505, %get3A_506, %get3A_507] {strides = array<i32>} : memref<2x256x128xf32, #tpu.memory_space<vmem>>, vector<1x1x16xf32>,
        %get3A_509 = vector.shape_cast %get3A_508 : vector<1x1x16xf32> to vector<16xf32>
        %add3A_510 = arith.constant 1 : i32
        %add3A_511 = arith.addi %add3A_403, %add3A_510 : i32
        %get3A_512 = arith.constant 1 : i32
        %get3A_513 = arith.index_cast %get3A_512 : i32 to index
        %get3A_514 = arith.index_cast %add3A_511 : i32 to index
        %get3A_515 = arith.constant 32 : index
        %get3A_516 = tpu.vector_load %arg6[%get3A_513, %get3A_514, %get3A_515] {strides = array<i32>} : memref<2x256x128xf32, #tpu.memory_space<vmem>>, vector<1x1x16xf32>,
        %get3A_517 = vector.shape_cast %get3A_516 : vector<1x1x16xf32> to vector<16xf32>
        %add3A_518 = arith.addf %get3A_509, %get3A_517 : vector<16xf32>
        %add3A_519 = arith.constant 2 : i32
        %add3A_520 = arith.addi %add3A_403, %add3A_519 : i32
        %get3A_521 = arith.constant 1 : i32
        %get3A_522 = arith.index_cast %get3A_521 : i32 to index
        %get3A_523 = arith.index_cast %add3A_520 : i32 to index
        %get3A_524 = arith.constant 32 : index
        %get3A_525 = tpu.vector_load %arg6[%get3A_522, %get3A_523, %get3A_524] {strides = array<i32>} : memref<2x256x128xf32, #tpu.memory_space<vmem>>, vector<1x1x16xf32>,
        %get3A_526 = vector.shape_cast %get3A_525 : vector<1x1x16xf32> to vector<16xf32>
        %add3A_527 = arith.addf %add3A_518, %get3A_526 : vector<16xf32>
        %add3A_528 = arith.constant 3 : i32
        %add3A_529 = arith.addi %add3A_403, %add3A_528 : i32
        %get3A_530 = arith.constant 1 : i32
        %get3A_531 = arith.index_cast %get3A_530 : i32 to index
        %get3A_532 = arith.index_cast %add3A_529 : i32 to index
        %get3A_533 = arith.constant 32 : index
        %get3A_534 = tpu.vector_load %arg6[%get3A_531, %get3A_532, %get3A_533] {strides = array<i32>} : memref<2x256x128xf32, #tpu.memory_space<vmem>>, vector<1x1x16xf32>,
        %get3A_535 = vector.shape_cast %get3A_534 : vector<1x1x16xf32> to vector<16xf32>
        %add3A_536 = arith.addf %add3A_527, %get3A_535 : vector<16xf32>
        %add3A_537 = arith.constant 4 : i32
        %add3A_538 = arith.addi %add3A_403, %add3A_537 : i32
        %get3A_539 = arith.constant 1 : i32
        %get3A_540 = arith.index_cast %get3A_539 : i32 to index
        %get3A_541 = arith.index_cast %add3A_538 : i32 to index
        %get3A_542 = arith.constant 32 : index
        %get3A_543 = tpu.vector_load %arg6[%get3A_540, %get3A_541, %get3A_542] {strides = array<i32>} : memref<2x256x128xf32, #tpu.memory_space<vmem>>, vector<1x1x16xf32>,
        %get3A_544 = vector.shape_cast %get3A_543 : vector<1x1x16xf32> to vector<16xf32>
        %add3A_545 = arith.addf %add3A_536, %get3A_544 : vector<16xf32>
        %mul3A_546 = arith.constant 2.000000e-01 : f32
        %mul3A_547 = vector.broadcast %mul3A_546 : f32 to vector<16xf32>
        %mul3A_548 = arith.mulf %add3A_545, %mul3A_547 : vector<16xf32>
        %swap3A_549 = arith.index_cast %scan3A_399 : i32 to index
        %swap3A_550 = arith.constant 32 : index
        %swap3A_551 = tpu.vector_load %arg7[%swap3A_549, %swap3A_550] {strides = array<i32>} : memref<50x64xf32, #tpu.memory_space<vmem>>, vector<1x16xf32>,
        %swap3A_552 = vector.shape_cast %swap3A_551 : vector<1x16xf32> to vector<16xf32>
        %swap3A_553 = vector.shape_cast %mul3A_548 : vector<16xf32> to vector<1x16xf32>
        tpu.vector_store %arg7[%swap3A_549, %swap3A_550], %swap3A_553 {strides = array<i32>} : memref<50x64xf32, #tpu.memory_space<vmem>>, vector<1x16xf32>,
        %get3A_554 = arith.constant 1 : i32
        %get3A_555 = arith.index_cast %get3A_554 : i32 to index
        %get3A_556 = arith.index_cast %add3A_403 : i32 to index
        %get3A_557 = arith.constant 48 : index
        %get3A_558 = tpu.vector_load %arg6[%get3A_555, %get3A_556, %get3A_557] {strides = array<i32>} : memref<2x256x128xf32, #tpu.memory_space<vmem>>, vector<1x1x16xf32>,
        %get3A_559 = vector.shape_cast %get3A_558 : vector<1x1x16xf32> to vector<16xf32>
        %add3A_560 = arith.constant 1 : i32
        %add3A_561 = arith.addi %add3A_403, %add3A_560 : i32
        %get3A_562 = arith.constant 1 : i32
        %get3A_563 = arith.index_cast %get3A_562 : i32 to index
        %get3A_564 = arith.index_cast %add3A_561 : i32 to index
        %get3A_565 = arith.constant 48 : index
        %get3A_566 = tpu.vector_load %arg6[%get3A_563, %get3A_564, %get3A_565] {strides = array<i32>} : memref<2x256x128xf32, #tpu.memory_space<vmem>>, vector<1x1x16xf32>,
        %get3A_567 = vector.shape_cast %get3A_566 : vector<1x1x16xf32> to vector<16xf32>
        %add3A_568 = arith.addf %get3A_559, %get3A_567 : vector<16xf32>
        %add3A_569 = arith.constant 2 : i32
        %add3A_570 = arith.addi %add3A_403, %add3A_569 : i32
        %get3A_571 = arith.constant 1 : i32
        %get3A_572 = arith.index_cast %get3A_571 : i32 to index
        %get3A_573 = arith.index_cast %add3A_570 : i32 to index
        %get3A_574 = arith.constant 48 : index
        %get3A_575 = tpu.vector_load %arg6[%get3A_572, %get3A_573, %get3A_574] {strides = array<i32>} : memref<2x256x128xf32, #tpu.memory_space<vmem>>, vector<1x1x16xf32>,
        %get3A_576 = vector.shape_cast %get3A_575 : vector<1x1x16xf32> to vector<16xf32>
        %add3A_577 = arith.addf %add3A_568, %get3A_576 : vector<16xf32>
        %add3A_578 = arith.constant 3 : i32
        %add3A_579 = arith.addi %add3A_403, %add3A_578 : i32
        %get3A_580 = arith.constant 1 : i32
        %get3A_581 = arith.index_cast %get3A_580 : i32 to index
        %get3A_582 = arith.index_cast %add3A_579 : i32 to index
        %get3A_583 = arith.constant 48 : index
        %get3A_584 = tpu.vector_load %arg6[%get3A_581, %get3A_582, %get3A_583] {strides = array<i32>} : memref<2x256x128xf32, #tpu.memory_space<vmem>>, vector<1x1x16xf32>,
        %get3A_585 = vector.shape_cast %get3A_584 : vector<1x1x16xf32> to vector<16xf32>
        %add3A_586 = arith.addf %add3A_577, %get3A_585 : vector<16xf32>
        %add3A_587 = arith.constant 4 : i32
        %add3A_588 = arith.addi %add3A_403, %add3A_587 : i32
        %get3A_589 = arith.constant 1 : i32
        %get3A_590 = arith.index_cast %get3A_589 : i32 to index
        %get3A_591 = arith.index_cast %add3A_588 : i32 to index
        %get3A_592 = arith.constant 48 : index
        %get3A_593 = tpu.vector_load %arg6[%get3A_590, %get3A_591, %get3A_592] {strides = array<i32>} : memref<2x256x128xf32, #tpu.memory_space<vmem>>, vector<1x1x16xf32>,
        %get3A_594 = vector.shape_cast %get3A_593 : vector<1x1x16xf32> to vector<16xf32>
        %add3A_595 = arith.addf %add3A_586, %get3A_594 : vector<16xf32>
        %mul3A_596 = arith.constant 2.000000e-01 : f32
        %mul3A_597 = vector.broadcast %mul3A_596 : f32 to vector<16xf32>
        %mul3A_598 = arith.mulf %add3A_595, %mul3A_597 : vector<16xf32>
        %swap3A_599 = arith.index_cast %scan3A_399 : i32 to index
        %swap3A_600 = arith.constant 48 : index
        %swap3A_601 = tpu.vector_load %arg7[%swap3A_599, %swap3A_600] {strides = array<i32>} : memref<50x64xf32, #tpu.memory_space<vmem>>, vector<1x16xf32>,
        %swap3A_602 = vector.shape_cast %swap3A_601 : vector<1x16xf32> to vector<16xf32>
        %swap3A_603 = vector.shape_cast %mul3A_598 : vector<16xf32> to vector<1x16xf32>
        tpu.vector_store %arg7[%swap3A_599, %swap3A_600], %swap3A_603 {strides = array<i32>} : memref<50x64xf32, #tpu.memory_space<vmem>>, vector<1x16xf32>,
      }
      %scan3A_120 = arith.constant 50 : i32
      %add3A_121 = arith.addi %mul3A_2, %add3A_99 : i32
      "tpu.region"() ({
        %run_scoped3A_195 = tpu.sem_alloc : memref<!tpu.dma_semaphore, #tpu.memory_space<semaphore_mem>>
        %dma_start3A_196 = arith.constant 0 : i32
        %dma_start3A_197 = arith.constant 0 : i32
        %dma_start3A_198 = tpu.memref_slice %arg4[%add3A_121, %dma_start3A_196, %dma_start3A_197] : memref<4096x50x64xf32, #tpu.memory_space<hbm>> -> memref<1x50x64xf32, #tpu.memory_space<hbm>>
        %dma_start3A_199 = tpu.memref_squeeze %dma_start3A_198 : memref<1x50x64xf32, #tpu.memory_space<hbm>> -> memref<50x64xf32, #tpu.memory_space<hbm>>
        %dma_start3A_200 = arith.constant 0 : i32
        %dma_start3A_201 = arith.constant 0 : i32
        %dma_start3A_202 = tpu.memref_slice %arg4[%add3A_121, %dma_start3A_200, %dma_start3A_201] : memref<4096x50x64xf32, #tpu.memory_space<hbm>> -> memref<1x50x64xf32, #tpu.memory_space<hbm>>
        %dma_start3A_203 = tpu.memref_squeeze %dma_start3A_202 : memref<1x50x64xf32, #tpu.memory_space<hbm>> -> memref<50x64xf32, #tpu.memory_space<hbm>>
        tpu.enqueue_dma source(%arg7 : memref<50x64xf32, #tpu.memory_space<vmem>>) target(%dma_start3A_203 : memref<50x64xf32, #tpu.memory_space<hbm>>) target_semaphore(%run_scoped3A_195 : memref<!tpu.dma_semaphore, #tpu.memory_space<semaphore_mem>>)
        %dma_wait3A_204 = arith.constant 0 : i32
        %dma_wait3A_205 = arith.constant 0 : i32
        %dma_wait3A_206 = tpu.memref_slice %arg4[%add3A_121, %dma_wait3A_204, %dma_wait3A_205] : memref<4096x50x64xf32, #tpu.memory_space<hbm>> -> memref<1x50x64xf32, #tpu.memory_space<hbm>>
        %dma_wait3A_207 = tpu.memref_squeeze %dma_wait3A_206 : memref<1x50x64xf32, #tpu.memory_space<hbm>> -> memref<50x64xf32, #tpu.memory_space<hbm>>
        %dma_wait3A_208 = arith.constant 0 : i32
        %dma_wait3A_209 = arith.constant 0 : i32
        %dma_wait3A_210 = tpu.memref_slice %arg4[%add3A_121, %dma_wait3A_208, %dma_wait3A_209] : memref<4096x50x64xf32, #tpu.memory_space<hbm>> -> memref<1x50x64xf32, #tpu.memory_space<hbm>>
        %dma_wait3A_211 = tpu.memref_squeeze %dma_wait3A_210 : memref<1x50x64xf32, #tpu.memory_space<hbm>> -> memref<50x64xf32, #tpu.memory_space<hbm>>
        tpu.wait_dma2 semaphore(%run_scoped3A_195 : memref<!tpu.dma_semaphore, #tpu.memory_space<semaphore_mem>>) src(%arg7 : memref<50x64xf32, #tpu.memory_space<vmem>>) dst(%dma_wait3A_211 : memref<50x64xf32, #tpu.memory_space<hbm>>)
        tpu.yield
      }) : () -> ()
      %add3A_122 = arith.constant 2 : i32
      %add3A_123 = arith.addi %add3A_99, %add3A_122 : i32
      %lt3A_124 = arith.constant 128 : i32
      %lt3A_125 = arith.cmpi slt, %add3A_123, %lt3A_124 : i32
      %convert_element_type3A_126 = arith.extui %lt3A_125 : i1 to i32
      %cond3A_127 = arith.constant 0 : i32
      %cond3A_128 = arith.cmpi ne, %convert_element_type3A_126, %cond3A_127 : i32
      scf.if %cond3A_128 {
        %dma_start3A_195 = arith.constant 1 : i32
        %dma_start3A_196 = arith.constant 0 : i32
        %dma_start3A_197 = arith.constant 0 : i32
        %dma_start3A_198 = tpu.memref_slice %arg6[%dma_start3A_195, %dma_start3A_196, %dma_start3A_197] : memref<2x256x128xf32, #tpu.memory_space<vmem>> -> memref<1x128x128xf32, #tpu.memory_space<vmem>>
        %dma_start3A_199 = tpu.memref_squeeze %dma_start3A_198 : memref<1x128x128xf32, #tpu.memory_space<vmem>> -> memref<128x128xf32, #tpu.memory_space<vmem>>
        %dma_start3A_200 = arith.constant 744 : i32
        %dma_start3A_201 = tpu.memref_slice %arg5[%and3A_62, %dma_start3A_200] : memref<2x1000xi32, #tpu.memory_space<vmem>> -> memref<1x128xi32, #tpu.memory_space<vmem>>
        %dma_start3A_202 = tpu.memref_squeeze %dma_start3A_201 : memref<1x128xi32, #tpu.memory_space<vmem>> -> memref<128xi32, #tpu.memory_space<vmem>>
        %dma_start3A_203 = arith.constant 0 : i32
        %dma_start3A_204 = arith.constant 0 : i32
        %dma_start3A_205 = tpu.memref_slice %arg3[%dma_start3A_203, %dma_start3A_204] : memref<1000000x128xf32, #tpu.memory_space<hbm>> -> memref<1000000x128xf32, #tpu.memory_space<hbm>>
        tpu.enqueue_indirect_dma source(%dma_start3A_205 : memref<1000000x128xf32, #tpu.memory_space<hbm>>) target(%dma_start3A_199 : memref<128x128xf32, #tpu.memory_space<vmem>>) offsets(%dma_start3A_202 : memref<128xi32, #tpu.memory_space<vmem>>) semaphore(%arg9 : memref<!tpu.dma_semaphore, #tpu.memory_space<semaphore_mem>>)
        %dma_start3A_206 = arith.constant 1 : i32
        %dma_start3A_207 = arith.constant 128 : i32
        %dma_start3A_208 = arith.constant 0 : i32
        %dma_start3A_209 = tpu.memref_slice %arg6[%dma_start3A_206, %dma_start3A_207, %dma_start3A_208] : memref<2x256x128xf32, #tpu.memory_space<vmem>> -> memref<1x128x128xf32, #tpu.memory_space<vmem>>
        %dma_start3A_210 = tpu.memref_squeeze %dma_start3A_209 : memref<1x128x128xf32, #tpu.memory_space<vmem>> -> memref<128x128xf32, #tpu.memory_space<vmem>>
        %dma_start3A_211 = arith.constant 872 : i32
        %dma_start3A_212 = tpu.memref_slice %arg5[%and3A_62, %dma_start3A_211] : memref<2x1000xi32, #tpu.memory_space<vmem>> -> memref<1x128xi32, #tpu.memory_space<vmem>>
        %dma_start3A_213 = tpu.memref_squeeze %dma_start3A_212 : memref<1x128xi32, #tpu.memory_space<vmem>> -> memref<128xi32, #tpu.memory_space<vmem>>
        %dma_start3A_214 = arith.constant 0 : i32
        %dma_start3A_215 = arith.constant 0 : i32
        %dma_start3A_216 = tpu.memref_slice %arg3[%dma_start3A_214, %dma_start3A_215] : memref<1000000x128xf32, #tpu.memory_space<hbm>> -> memref<1000000x128xf32, #tpu.memory_space<hbm>>
        tpu.enqueue_indirect_dma source(%dma_start3A_216 : memref<1000000x128xf32, #tpu.memory_space<hbm>>) target(%dma_start3A_210 : memref<128x128xf32, #tpu.memory_space<vmem>>) offsets(%dma_start3A_213 : memref<128xi32, #tpu.memory_space<vmem>>) semaphore(%arg9 : memref<!tpu.dma_semaphore, #tpu.memory_space<semaphore_mem>>)
      } else {
      }
      %mul3A_129 = arith.constant 4 : i32
      %mul3A_130 = arith.muli %mul3A_129, %scan3A_61 : i32
      %add3A_131 = arith.constant 2 : i32
      %add3A_132 = arith.addi %mul3A_130, %add3A_131 : i32
      %dma_wait3A_133 = arith.constant 0 : i32
      %dma_wait3A_134 = arith.constant 0 : i32
      %dma_wait3A_135 = arith.constant 0 : i32
      %dma_wait3A_136 = tpu.memref_slice %arg6[%dma_wait3A_133, %dma_wait3A_134, %dma_wait3A_135] : memref<2x256x128xf32, #tpu.memory_space<vmem>> -> memref<1x256x128xf32, #tpu.memory_space<vmem>>
      %dma_wait3A_137 = tpu.memref_squeeze %dma_wait3A_136 : memref<1x256x128xf32, #tpu.memory_space<vmem>> -> memref<256x128xf32, #tpu.memory_space<vmem>>
      %dma_wait3A_138 = arith.constant 0 : i32
      %dma_wait3A_139 = arith.constant 0 : i32
      %dma_wait3A_140 = tpu.memref_slice %arg3[%dma_wait3A_138, %dma_wait3A_139] : memref<1000000x128xf32, #tpu.memory_space<hbm>> -> memref<256x128xf32, #tpu.memory_space<hbm>>
      %dma_wait3A_141 = arith.constant 0 : i32
      %dma_wait3A_142 = arith.constant 0 : i32
      %dma_wait3A_143 = tpu.memref_slice %arg6[%dma_wait3A_133, %dma_wait3A_141, %dma_wait3A_142] : memref<2x256x128xf32, #tpu.memory_space<vmem>> -> memref<1x256x128xf32, #tpu.memory_space<vmem>>
      %dma_wait3A_144 = tpu.memref_squeeze %dma_wait3A_143 : memref<1x256x128xf32, #tpu.memory_space<vmem>> -> memref<256x128xf32, #tpu.memory_space<vmem>>
      %dma_wait3A_145 = arith.constant 0 : i32
      %dma_wait3A_146 = arith.constant 0 : i32
      %dma_wait3A_147 = tpu.memref_slice %arg3[%dma_wait3A_145, %dma_wait3A_146] : memref<1000000x128xf32, #tpu.memory_space<hbm>> -> memref<256x128xf32, #tpu.memory_space<hbm>>
      tpu.wait_dma2 semaphore(%arg8 : memref<!tpu.dma_semaphore, #tpu.memory_space<semaphore_mem>>) src(%dma_wait3A_147 : memref<256x128xf32, #tpu.memory_space<hbm>>) dst(%dma_wait3A_144 : memref<256x128xf32, #tpu.memory_space<vmem>>)
      %scan3A_148 = arith.constant 0 : i32
      %scan3A_149 = arith.constant 0 : i32
      %scan3A_150 = arith.constant 50 : i32
      %scan3A_151 = arith.addi %scan3A_149, %scan3A_150 : i32
      %scan3A_152 = arith.constant 2 : i32
      scf.for %scan3A_195 = %scan3A_149 to %scan3A_151 step %scan3A_152  : i32 {
        %mul3A_196 = arith.constant 5 : i32
        %mul3A_197 = arith.muli %scan3A_195, %mul3A_196 : i32
        %add3A_198 = arith.constant 4 : i32
        %add3A_199 = arith.addi %add3A_198, %mul3A_197 : i32
        %get3A = arith.constant 0 : i32
        %get3A_200 = arith.index_cast %get3A : i32 to index
        %get3A_201 = arith.index_cast %add3A_199 : i32 to index
        %get3A_202 = arith.constant 0 : index
        %get3A_203 = tpu.vector_load %arg6[%get3A_200, %get3A_201, %get3A_202] {strides = array<i32>} : memref<2x256x128xf32, #tpu.memory_space<vmem>>, vector<1x1x16xf32>,
        %get3A_204 = vector.shape_cast %get3A_203 : vector<1x1x16xf32> to vector<16xf32>
        %add3A_205 = arith.constant 1 : i32
        %add3A_206 = arith.addi %add3A_199, %add3A_205 : i32
        %get3A_207 = arith.constant 0 : i32
        %get3A_208 = arith.index_cast %get3A_207 : i32 to index
        %get3A_209 = arith.index_cast %add3A_206 : i32 to index
        %get3A_210 = arith.constant 0 : index
        %get3A_211 = tpu.vector_load %arg6[%get3A_208, %get3A_209, %get3A_210] {strides = array<i32>} : memref<2x256x128xf32, #tpu.memory_space<vmem>>, vector<1x1x16xf32>,
        %get3A_212 = vector.shape_cast %get3A_211 : vector<1x1x16xf32> to vector<16xf32>
        %add3A_213 = arith.addf %get3A_204, %get3A_212 : vector<16xf32>
        %add3A_214 = arith.constant 2 : i32
        %add3A_215 = arith.addi %add3A_199, %add3A_214 : i32
        %get3A_216 = arith.constant 0 : i32
        %get3A_217 = arith.index_cast %get3A_216 : i32 to index
        %get3A_218 = arith.index_cast %add3A_215 : i32 to index
        %get3A_219 = arith.constant 0 : index
        %get3A_220 = tpu.vector_load %arg6[%get3A_217, %get3A_218, %get3A_219] {strides = array<i32>} : memref<2x256x128xf32, #tpu.memory_space<vmem>>, vector<1x1x16xf32>,
        %get3A_221 = vector.shape_cast %get3A_220 : vector<1x1x16xf32> to vector<16xf32>
        %add3A_222 = arith.addf %add3A_213, %get3A_221 : vector<16xf32>
        %add3A_223 = arith.constant 3 : i32
        %add3A_224 = arith.addi %add3A_199, %add3A_223 : i32
        %get3A_225 = arith.constant 0 : i32
        %get3A_226 = arith.index_cast %get3A_225 : i32 to index
        %get3A_227 = arith.index_cast %add3A_224 : i32 to index
        %get3A_228 = arith.constant 0 : index
        %get3A_229 = tpu.vector_load %arg6[%get3A_226, %get3A_227, %get3A_228] {strides = array<i32>} : memref<2x256x128xf32, #tpu.memory_space<vmem>>, vector<1x1x16xf32>,
        %get3A_230 = vector.shape_cast %get3A_229 : vector<1x1x16xf32> to vector<16xf32>
        %add3A_231 = arith.addf %add3A_222, %get3A_230 : vector<16xf32>
        %add3A_232 = arith.constant 4 : i32
        %add3A_233 = arith.addi %add3A_199, %add3A_232 : i32
        %get3A_234 = arith.constant 0 : i32
        %get3A_235 = arith.index_cast %get3A_234 : i32 to index
        %get3A_236 = arith.index_cast %add3A_233 : i32 to index
        %get3A_237 = arith.constant 0 : index
        %get3A_238 = tpu.vector_load %arg6[%get3A_235, %get3A_236, %get3A_237] {strides = array<i32>} : memref<2x256x128xf32, #tpu.memory_space<vmem>>, vector<1x1x16xf32>,
        %get3A_239 = vector.shape_cast %get3A_238 : vector<1x1x16xf32> to vector<16xf32>
        %add3A_240 = arith.addf %add3A_231, %get3A_239 : vector<16xf32>
        %mul3A_241 = arith.constant 2.000000e-01 : f32
        %mul3A_242 = vector.broadcast %mul3A_241 : f32 to vector<16xf32>
        %mul3A_243 = arith.mulf %add3A_240, %mul3A_242 : vector<16xf32>
        %swap3A = arith.index_cast %scan3A_195 : i32 to index
        %swap3A_244 = arith.constant 0 : index
        %swap3A_245 = tpu.vector_load %arg7[%swap3A, %swap3A_244] {strides = array<i32>} : memref<50x64xf32, #tpu.memory_space<vmem>>, vector<1x16xf32>,
        %swap3A_246 = vector.shape_cast %swap3A_245 : vector<1x16xf32> to vector<16xf32>
        %swap3A_247 = vector.shape_cast %mul3A_243 : vector<16xf32> to vector<1x16xf32>
        tpu.vector_store %arg7[%swap3A, %swap3A_244], %swap3A_247 {strides = array<i32>} : memref<50x64xf32, #tpu.memory_space<vmem>>, vector<1x16xf32>,
        %get3A_248 = arith.constant 0 : i32
        %get3A_249 = arith.index_cast %get3A_248 : i32 to index
        %get3A_250 = arith.index_cast %add3A_199 : i32 to index
        %get3A_251 = arith.constant 16 : index
        %get3A_252 = tpu.vector_load %arg6[%get3A_249, %get3A_250, %get3A_251] {strides = array<i32>} : memref<2x256x128xf32, #tpu.memory_space<vmem>>, vector<1x1x16xf32>,
        %get3A_253 = vector.shape_cast %get3A_252 : vector<1x1x16xf32> to vector<16xf32>
        %add3A_254 = arith.constant 1 : i32
        %add3A_255 = arith.addi %add3A_199, %add3A_254 : i32
        %get3A_256 = arith.constant 0 : i32
        %get3A_257 = arith.index_cast %get3A_256 : i32 to index
        %get3A_258 = arith.index_cast %add3A_255 : i32 to index
        %get3A_259 = arith.constant 16 : index
        %get3A_260 = tpu.vector_load %arg6[%get3A_257, %get3A_258, %get3A_259] {strides = array<i32>} : memref<2x256x128xf32, #tpu.memory_space<vmem>>, vector<1x1x16xf32>,
        %get3A_261 = vector.shape_cast %get3A_260 : vector<1x1x16xf32> to vector<16xf32>
        %add3A_262 = arith.addf %get3A_253, %get3A_261 : vector<16xf32>
        %add3A_263 = arith.constant 2 : i32
        %add3A_264 = arith.addi %add3A_199, %add3A_263 : i32
        %get3A_265 = arith.constant 0 : i32
        %get3A_266 = arith.index_cast %get3A_265 : i32 to index
        %get3A_267 = arith.index_cast %add3A_264 : i32 to index
        %get3A_268 = arith.constant 16 : index
        %get3A_269 = tpu.vector_load %arg6[%get3A_266, %get3A_267, %get3A_268] {strides = array<i32>} : memref<2x256x128xf32, #tpu.memory_space<vmem>>, vector<1x1x16xf32>,
        %get3A_270 = vector.shape_cast %get3A_269 : vector<1x1x16xf32> to vector<16xf32>
        %add3A_271 = arith.addf %add3A_262, %get3A_270 : vector<16xf32>
        %add3A_272 = arith.constant 3 : i32
        %add3A_273 = arith.addi %add3A_199, %add3A_272 : i32
        %get3A_274 = arith.constant 0 : i32
        %get3A_275 = arith.index_cast %get3A_274 : i32 to index
        %get3A_276 = arith.index_cast %add3A_273 : i32 to index
        %get3A_277 = arith.constant 16 : index
        %get3A_278 = tpu.vector_load %arg6[%get3A_275, %get3A_276, %get3A_277] {strides = array<i32>} : memref<2x256x128xf32, #tpu.memory_space<vmem>>, vector<1x1x16xf32>,
        %get3A_279 = vector.shape_cast %get3A_278 : vector<1x1x16xf32> to vector<16xf32>
        %add3A_280 = arith.addf %add3A_271, %get3A_279 : vector<16xf32>
        %add3A_281 = arith.constant 4 : i32
        %add3A_282 = arith.addi %add3A_199, %add3A_281 : i32
        %get3A_283 = arith.constant 0 : i32
        %get3A_284 = arith.index_cast %get3A_283 : i32 to index
        %get3A_285 = arith.index_cast %add3A_282 : i32 to index
        %get3A_286 = arith.constant 16 : index
        %get3A_287 = tpu.vector_load %arg6[%get3A_284, %get3A_285, %get3A_286] {strides = array<i32>} : memref<2x256x128xf32, #tpu.memory_space<vmem>>, vector<1x1x16xf32>,
        %get3A_288 = vector.shape_cast %get3A_287 : vector<1x1x16xf32> to vector<16xf32>
        %add3A_289 = arith.addf %add3A_280, %get3A_288 : vector<16xf32>
        %mul3A_290 = arith.constant 2.000000e-01 : f32
        %mul3A_291 = vector.broadcast %mul3A_290 : f32 to vector<16xf32>
        %mul3A_292 = arith.mulf %add3A_289, %mul3A_291 : vector<16xf32>
        %swap3A_293 = arith.index_cast %scan3A_195 : i32 to index
        %swap3A_294 = arith.constant 16 : index
        %swap3A_295 = tpu.vector_load %arg7[%swap3A_293, %swap3A_294] {strides = array<i32>} : memref<50x64xf32, #tpu.memory_space<vmem>>, vector<1x16xf32>,
        %swap3A_296 = vector.shape_cast %swap3A_295 : vector<1x16xf32> to vector<16xf32>
        %swap3A_297 = vector.shape_cast %mul3A_292 : vector<16xf32> to vector<1x16xf32>
        tpu.vector_store %arg7[%swap3A_293, %swap3A_294], %swap3A_297 {strides = array<i32>} : memref<50x64xf32, #tpu.memory_space<vmem>>, vector<1x16xf32>,
        %get3A_298 = arith.constant 0 : i32
        %get3A_299 = arith.index_cast %get3A_298 : i32 to index
        %get3A_300 = arith.index_cast %add3A_199 : i32 to index
        %get3A_301 = arith.constant 32 : index
        %get3A_302 = tpu.vector_load %arg6[%get3A_299, %get3A_300, %get3A_301] {strides = array<i32>} : memref<2x256x128xf32, #tpu.memory_space<vmem>>, vector<1x1x16xf32>,
        %get3A_303 = vector.shape_cast %get3A_302 : vector<1x1x16xf32> to vector<16xf32>
        %add3A_304 = arith.constant 1 : i32
        %add3A_305 = arith.addi %add3A_199, %add3A_304 : i32
        %get3A_306 = arith.constant 0 : i32
        %get3A_307 = arith.index_cast %get3A_306 : i32 to index
        %get3A_308 = arith.index_cast %add3A_305 : i32 to index
        %get3A_309 = arith.constant 32 : index
        %get3A_310 = tpu.vector_load %arg6[%get3A_307, %get3A_308, %get3A_309] {strides = array<i32>} : memref<2x256x128xf32, #tpu.memory_space<vmem>>, vector<1x1x16xf32>,
        %get3A_311 = vector.shape_cast %get3A_310 : vector<1x1x16xf32> to vector<16xf32>
        %add3A_312 = arith.addf %get3A_303, %get3A_311 : vector<16xf32>
        %add3A_313 = arith.constant 2 : i32
        %add3A_314 = arith.addi %add3A_199, %add3A_313 : i32
        %get3A_315 = arith.constant 0 : i32
        %get3A_316 = arith.index_cast %get3A_315 : i32 to index
        %get3A_317 = arith.index_cast %add3A_314 : i32 to index
        %get3A_318 = arith.constant 32 : index
        %get3A_319 = tpu.vector_load %arg6[%get3A_316, %get3A_317, %get3A_318] {strides = array<i32>} : memref<2x256x128xf32, #tpu.memory_space<vmem>>, vector<1x1x16xf32>,
        %get3A_320 = vector.shape_cast %get3A_319 : vector<1x1x16xf32> to vector<16xf32>
        %add3A_321 = arith.addf %add3A_312, %get3A_320 : vector<16xf32>
        %add3A_322 = arith.constant 3 : i32
        %add3A_323 = arith.addi %add3A_199, %add3A_322 : i32
        %get3A_324 = arith.constant 0 : i32
        %get3A_325 = arith.index_cast %get3A_324 : i32 to index
        %get3A_326 = arith.index_cast %add3A_323 : i32 to index
        %get3A_327 = arith.constant 32 : index
        %get3A_328 = tpu.vector_load %arg6[%get3A_325, %get3A_326, %get3A_327] {strides = array<i32>} : memref<2x256x128xf32, #tpu.memory_space<vmem>>, vector<1x1x16xf32>,
        %get3A_329 = vector.shape_cast %get3A_328 : vector<1x1x16xf32> to vector<16xf32>
        %add3A_330 = arith.addf %add3A_321, %get3A_329 : vector<16xf32>
        %add3A_331 = arith.constant 4 : i32
        %add3A_332 = arith.addi %add3A_199, %add3A_331 : i32
        %get3A_333 = arith.constant 0 : i32
        %get3A_334 = arith.index_cast %get3A_333 : i32 to index
        %get3A_335 = arith.index_cast %add3A_332 : i32 to index
        %get3A_336 = arith.constant 32 : index
        %get3A_337 = tpu.vector_load %arg6[%get3A_334, %get3A_335, %get3A_336] {strides = array<i32>} : memref<2x256x128xf32, #tpu.memory_space<vmem>>, vector<1x1x16xf32>,
        %get3A_338 = vector.shape_cast %get3A_337 : vector<1x1x16xf32> to vector<16xf32>
        %add3A_339 = arith.addf %add3A_330, %get3A_338 : vector<16xf32>
        %mul3A_340 = arith.constant 2.000000e-01 : f32
        %mul3A_341 = vector.broadcast %mul3A_340 : f32 to vector<16xf32>
        %mul3A_342 = arith.mulf %add3A_339, %mul3A_341 : vector<16xf32>
        %swap3A_343 = arith.index_cast %scan3A_195 : i32 to index
        %swap3A_344 = arith.constant 32 : index
        %swap3A_345 = tpu.vector_load %arg7[%swap3A_343, %swap3A_344] {strides = array<i32>} : memref<50x64xf32, #tpu.memory_space<vmem>>, vector<1x16xf32>,
        %swap3A_346 = vector.shape_cast %swap3A_345 : vector<1x16xf32> to vector<16xf32>
        %swap3A_347 = vector.shape_cast %mul3A_342 : vector<16xf32> to vector<1x16xf32>
        tpu.vector_store %arg7[%swap3A_343, %swap3A_344], %swap3A_347 {strides = array<i32>} : memref<50x64xf32, #tpu.memory_space<vmem>>, vector<1x16xf32>,
        %get3A_348 = arith.constant 0 : i32
        %get3A_349 = arith.index_cast %get3A_348 : i32 to index
        %get3A_350 = arith.index_cast %add3A_199 : i32 to index
        %get3A_351 = arith.constant 48 : index
        %get3A_352 = tpu.vector_load %arg6[%get3A_349, %get3A_350, %get3A_351] {strides = array<i32>} : memref<2x256x128xf32, #tpu.memory_space<vmem>>, vector<1x1x16xf32>,
        %get3A_353 = vector.shape_cast %get3A_352 : vector<1x1x16xf32> to vector<16xf32>
        %add3A_354 = arith.constant 1 : i32
        %add3A_355 = arith.addi %add3A_199, %add3A_354 : i32
        %get3A_356 = arith.constant 0 : i32
        %get3A_357 = arith.index_cast %get3A_356 : i32 to index
        %get3A_358 = arith.index_cast %add3A_355 : i32 to index
        %get3A_359 = arith.constant 48 : index
        %get3A_360 = tpu.vector_load %arg6[%get3A_357, %get3A_358, %get3A_359] {strides = array<i32>} : memref<2x256x128xf32, #tpu.memory_space<vmem>>, vector<1x1x16xf32>,
        %get3A_361 = vector.shape_cast %get3A_360 : vector<1x1x16xf32> to vector<16xf32>
        %add3A_362 = arith.addf %get3A_353, %get3A_361 : vector<16xf32>
        %add3A_363 = arith.constant 2 : i32
        %add3A_364 = arith.addi %add3A_199, %add3A_363 : i32
        %get3A_365 = arith.constant 0 : i32
        %get3A_366 = arith.index_cast %get3A_365 : i32 to index
        %get3A_367 = arith.index_cast %add3A_364 : i32 to index
        %get3A_368 = arith.constant 48 : index
        %get3A_369 = tpu.vector_load %arg6[%get3A_366, %get3A_367, %get3A_368] {strides = array<i32>} : memref<2x256x128xf32, #tpu.memory_space<vmem>>, vector<1x1x16xf32>,
        %get3A_370 = vector.shape_cast %get3A_369 : vector<1x1x16xf32> to vector<16xf32>
        %add3A_371 = arith.addf %add3A_362, %get3A_370 : vector<16xf32>
        %add3A_372 = arith.constant 3 : i32
        %add3A_373 = arith.addi %add3A_199, %add3A_372 : i32
        %get3A_374 = arith.constant 0 : i32
        %get3A_375 = arith.index_cast %get3A_374 : i32 to index
        %get3A_376 = arith.index_cast %add3A_373 : i32 to index
        %get3A_377 = arith.constant 48 : index
        %get3A_378 = tpu.vector_load %arg6[%get3A_375, %get3A_376, %get3A_377] {strides = array<i32>} : memref<2x256x128xf32, #tpu.memory_space<vmem>>, vector<1x1x16xf32>,
        %get3A_379 = vector.shape_cast %get3A_378 : vector<1x1x16xf32> to vector<16xf32>
        %add3A_380 = arith.addf %add3A_371, %get3A_379 : vector<16xf32>
        %add3A_381 = arith.constant 4 : i32
        %add3A_382 = arith.addi %add3A_199, %add3A_381 : i32
        %get3A_383 = arith.constant 0 : i32
        %get3A_384 = arith.index_cast %get3A_383 : i32 to index
        %get3A_385 = arith.index_cast %add3A_382 : i32 to index
        %get3A_386 = arith.constant 48 : index
        %get3A_387 = tpu.vector_load %arg6[%get3A_384, %get3A_385, %get3A_386] {strides = array<i32>} : memref<2x256x128xf32, #tpu.memory_space<vmem>>, vector<1x1x16xf32>,
        %get3A_388 = vector.shape_cast %get3A_387 : vector<1x1x16xf32> to vector<16xf32>
        %add3A_389 = arith.addf %add3A_380, %get3A_388 : vector<16xf32>
        %mul3A_390 = arith.constant 2.000000e-01 : f32
        %mul3A_391 = vector.broadcast %mul3A_390 : f32 to vector<16xf32>
        %mul3A_392 = arith.mulf %add3A_389, %mul3A_391 : vector<16xf32>
        %swap3A_393 = arith.index_cast %scan3A_195 : i32 to index
        %swap3A_394 = arith.constant 48 : index
        %swap3A_395 = tpu.vector_load %arg7[%swap3A_393, %swap3A_394] {strides = array<i32>} : memref<50x64xf32, #tpu.memory_space<vmem>>, vector<1x16xf32>,
        %swap3A_396 = vector.shape_cast %swap3A_395 : vector<1x16xf32> to vector<16xf32>
        %swap3A_397 = vector.shape_cast %mul3A_392 : vector<16xf32> to vector<1x16xf32>
        tpu.vector_store %arg7[%swap3A_393, %swap3A_394], %swap3A_397 {strides = array<i32>} : memref<50x64xf32, #tpu.memory_space<vmem>>, vector<1x16xf32>,
        %scan3A_398 = arith.constant 1 : i32
        %scan3A_399 = arith.addi %scan3A_195, %scan3A_398 : i32
        %mul3A_400 = arith.constant 5 : i32
        %mul3A_401 = arith.muli %scan3A_399, %mul3A_400 : i32
        %add3A_402 = arith.constant 4 : i32
        %add3A_403 = arith.addi %add3A_402, %mul3A_401 : i32
        %get3A_404 = arith.constant 0 : i32
        %get3A_405 = arith.index_cast %get3A_404 : i32 to index
        %get3A_406 = arith.index_cast %add3A_403 : i32 to index
        %get3A_407 = arith.constant 0 : index
        %get3A_408 = tpu.vector_load %arg6[%get3A_405, %get3A_406, %get3A_407] {strides = array<i32>} : memref<2x256x128xf32, #tpu.memory_space<vmem>>, vector<1x1x16xf32>,
        %get3A_409 = vector.shape_cast %get3A_408 : vector<1x1x16xf32> to vector<16xf32>
        %add3A_410 = arith.constant 1 : i32
        %add3A_411 = arith.addi %add3A_403, %add3A_410 : i32
        %get3A_412 = arith.constant 0 : i32
        %get3A_413 = arith.index_cast %get3A_412 : i32 to index
        %get3A_414 = arith.index_cast %add3A_411 : i32 to index
        %get3A_415 = arith.constant 0 : index
        %get3A_416 = tpu.vector_load %arg6[%get3A_413, %get3A_414, %get3A_415] {strides = array<i32>} : memref<2x256x128xf32, #tpu.memory_space<vmem>>, vector<1x1x16xf32>,
        %get3A_417 = vector.shape_cast %get3A_416 : vector<1x1x16xf32> to vector<16xf32>
        %add3A_418 = arith.addf %get3A_409, %get3A_417 : vector<16xf32>
        %add3A_419 = arith.constant 2 : i32
        %add3A_420 = arith.addi %add3A_403, %add3A_419 : i32
        %get3A_421 = arith.constant 0 : i32
        %get3A_422 = arith.index_cast %get3A_421 : i32 to index
        %get3A_423 = arith.index_cast %add3A_420 : i32 to index
        %get3A_424 = arith.constant 0 : index
        %get3A_425 = tpu.vector_load %arg6[%get3A_422, %get3A_423, %get3A_424] {strides = array<i32>} : memref<2x256x128xf32, #tpu.memory_space<vmem>>, vector<1x1x16xf32>,
        %get3A_426 = vector.shape_cast %get3A_425 : vector<1x1x16xf32> to vector<16xf32>
        %add3A_427 = arith.addf %add3A_418, %get3A_426 : vector<16xf32>
        %add3A_428 = arith.constant 3 : i32
        %add3A_429 = arith.addi %add3A_403, %add3A_428 : i32
        %get3A_430 = arith.constant 0 : i32
        %get3A_431 = arith.index_cast %get3A_430 : i32 to index
        %get3A_432 = arith.index_cast %add3A_429 : i32 to index
        %get3A_433 = arith.constant 0 : index
        %get3A_434 = tpu.vector_load %arg6[%get3A_431, %get3A_432, %get3A_433] {strides = array<i32>} : memref<2x256x128xf32, #tpu.memory_space<vmem>>, vector<1x1x16xf32>,
        %get3A_435 = vector.shape_cast %get3A_434 : vector<1x1x16xf32> to vector<16xf32>
        %add3A_436 = arith.addf %add3A_427, %get3A_435 : vector<16xf32>
        %add3A_437 = arith.constant 4 : i32
        %add3A_438 = arith.addi %add3A_403, %add3A_437 : i32
        %get3A_439 = arith.constant 0 : i32
        %get3A_440 = arith.index_cast %get3A_439 : i32 to index
        %get3A_441 = arith.index_cast %add3A_438 : i32 to index
        %get3A_442 = arith.constant 0 : index
        %get3A_443 = tpu.vector_load %arg6[%get3A_440, %get3A_441, %get3A_442] {strides = array<i32>} : memref<2x256x128xf32, #tpu.memory_space<vmem>>, vector<1x1x16xf32>,
        %get3A_444 = vector.shape_cast %get3A_443 : vector<1x1x16xf32> to vector<16xf32>
        %add3A_445 = arith.addf %add3A_436, %get3A_444 : vector<16xf32>
        %mul3A_446 = arith.constant 2.000000e-01 : f32
        %mul3A_447 = vector.broadcast %mul3A_446 : f32 to vector<16xf32>
        %mul3A_448 = arith.mulf %add3A_445, %mul3A_447 : vector<16xf32>
        %swap3A_449 = arith.index_cast %scan3A_399 : i32 to index
        %swap3A_450 = arith.constant 0 : index
        %swap3A_451 = tpu.vector_load %arg7[%swap3A_449, %swap3A_450] {strides = array<i32>} : memref<50x64xf32, #tpu.memory_space<vmem>>, vector<1x16xf32>,
        %swap3A_452 = vector.shape_cast %swap3A_451 : vector<1x16xf32> to vector<16xf32>
        %swap3A_453 = vector.shape_cast %mul3A_448 : vector<16xf32> to vector<1x16xf32>
        tpu.vector_store %arg7[%swap3A_449, %swap3A_450], %swap3A_453 {strides = array<i32>} : memref<50x64xf32, #tpu.memory_space<vmem>>, vector<1x16xf32>,
        %get3A_454 = arith.constant 0 : i32
        %get3A_455 = arith.index_cast %get3A_454 : i32 to index
        %get3A_456 = arith.index_cast %add3A_403 : i32 to index
        %get3A_457 = arith.constant 16 : index
        %get3A_458 = tpu.vector_load %arg6[%get3A_455, %get3A_456, %get3A_457] {strides = array<i32>} : memref<2x256x128xf32, #tpu.memory_space<vmem>>, vector<1x1x16xf32>,
        %get3A_459 = vector.shape_cast %get3A_458 : vector<1x1x16xf32> to vector<16xf32>
        %add3A_460 = arith.constant 1 : i32
        %add3A_461 = arith.addi %add3A_403, %add3A_460 : i32
        %get3A_462 = arith.constant 0 : i32
        %get3A_463 = arith.index_cast %get3A_462 : i32 to index
        %get3A_464 = arith.index_cast %add3A_461 : i32 to index
        %get3A_465 = arith.constant 16 : index
        %get3A_466 = tpu.vector_load %arg6[%get3A_463, %get3A_464, %get3A_465] {strides = array<i32>} : memref<2x256x128xf32, #tpu.memory_space<vmem>>, vector<1x1x16xf32>,
        %get3A_467 = vector.shape_cast %get3A_466 : vector<1x1x16xf32> to vector<16xf32>
        %add3A_468 = arith.addf %get3A_459, %get3A_467 : vector<16xf32>
        %add3A_469 = arith.constant 2 : i32
        %add3A_470 = arith.addi %add3A_403, %add3A_469 : i32
        %get3A_471 = arith.constant 0 : i32
        %get3A_472 = arith.index_cast %get3A_471 : i32 to index
        %get3A_473 = arith.index_cast %add3A_470 : i32 to index
        %get3A_474 = arith.constant 16 : index
        %get3A_475 = tpu.vector_load %arg6[%get3A_472, %get3A_473, %get3A_474] {strides = array<i32>} : memref<2x256x128xf32, #tpu.memory_space<vmem>>, vector<1x1x16xf32>,
        %get3A_476 = vector.shape_cast %get3A_475 : vector<1x1x16xf32> to vector<16xf32>
        %add3A_477 = arith.addf %add3A_468, %get3A_476 : vector<16xf32>
        %add3A_478 = arith.constant 3 : i32
        %add3A_479 = arith.addi %add3A_403, %add3A_478 : i32
        %get3A_480 = arith.constant 0 : i32
        %get3A_481 = arith.index_cast %get3A_480 : i32 to index
        %get3A_482 = arith.index_cast %add3A_479 : i32 to index
        %get3A_483 = arith.constant 16 : index
        %get3A_484 = tpu.vector_load %arg6[%get3A_481, %get3A_482, %get3A_483] {strides = array<i32>} : memref<2x256x128xf32, #tpu.memory_space<vmem>>, vector<1x1x16xf32>,
        %get3A_485 = vector.shape_cast %get3A_484 : vector<1x1x16xf32> to vector<16xf32>
        %add3A_486 = arith.addf %add3A_477, %get3A_485 : vector<16xf32>
        %add3A_487 = arith.constant 4 : i32
        %add3A_488 = arith.addi %add3A_403, %add3A_487 : i32
        %get3A_489 = arith.constant 0 : i32
        %get3A_490 = arith.index_cast %get3A_489 : i32 to index
        %get3A_491 = arith.index_cast %add3A_488 : i32 to index
        %get3A_492 = arith.constant 16 : index
        %get3A_493 = tpu.vector_load %arg6[%get3A_490, %get3A_491, %get3A_492] {strides = array<i32>} : memref<2x256x128xf32, #tpu.memory_space<vmem>>, vector<1x1x16xf32>,
        %get3A_494 = vector.shape_cast %get3A_493 : vector<1x1x16xf32> to vector<16xf32>
        %add3A_495 = arith.addf %add3A_486, %get3A_494 : vector<16xf32>
        %mul3A_496 = arith.constant 2.000000e-01 : f32
        %mul3A_497 = vector.broadcast %mul3A_496 : f32 to vector<16xf32>
        %mul3A_498 = arith.mulf %add3A_495, %mul3A_497 : vector<16xf32>
        %swap3A_499 = arith.index_cast %scan3A_399 : i32 to index
        %swap3A_500 = arith.constant 16 : index
        %swap3A_501 = tpu.vector_load %arg7[%swap3A_499, %swap3A_500] {strides = array<i32>} : memref<50x64xf32, #tpu.memory_space<vmem>>, vector<1x16xf32>,
        %swap3A_502 = vector.shape_cast %swap3A_501 : vector<1x16xf32> to vector<16xf32>
        %swap3A_503 = vector.shape_cast %mul3A_498 : vector<16xf32> to vector<1x16xf32>
        tpu.vector_store %arg7[%swap3A_499, %swap3A_500], %swap3A_503 {strides = array<i32>} : memref<50x64xf32, #tpu.memory_space<vmem>>, vector<1x16xf32>,
        %get3A_504 = arith.constant 0 : i32
        %get3A_505 = arith.index_cast %get3A_504 : i32 to index
        %get3A_506 = arith.index_cast %add3A_403 : i32 to index
        %get3A_507 = arith.constant 32 : index
        %get3A_508 = tpu.vector_load %arg6[%get3A_505, %get3A_506, %get3A_507] {strides = array<i32>} : memref<2x256x128xf32, #tpu.memory_space<vmem>>, vector<1x1x16xf32>,
        %get3A_509 = vector.shape_cast %get3A_508 : vector<1x1x16xf32> to vector<16xf32>
        %add3A_510 = arith.constant 1 : i32
        %add3A_511 = arith.addi %add3A_403, %add3A_510 : i32
        %get3A_512 = arith.constant 0 : i32
        %get3A_513 = arith.index_cast %get3A_512 : i32 to index
        %get3A_514 = arith.index_cast %add3A_511 : i32 to index
        %get3A_515 = arith.constant 32 : index
        %get3A_516 = tpu.vector_load %arg6[%get3A_513, %get3A_514, %get3A_515] {strides = array<i32>} : memref<2x256x128xf32, #tpu.memory_space<vmem>>, vector<1x1x16xf32>,
        %get3A_517 = vector.shape_cast %get3A_516 : vector<1x1x16xf32> to vector<16xf32>
        %add3A_518 = arith.addf %get3A_509, %get3A_517 : vector<16xf32>
        %add3A_519 = arith.constant 2 : i32
        %add3A_520 = arith.addi %add3A_403, %add3A_519 : i32
        %get3A_521 = arith.constant 0 : i32
        %get3A_522 = arith.index_cast %get3A_521 : i32 to index
        %get3A_523 = arith.index_cast %add3A_520 : i32 to index
        %get3A_524 = arith.constant 32 : index
        %get3A_525 = tpu.vector_load %arg6[%get3A_522, %get3A_523, %get3A_524] {strides = array<i32>} : memref<2x256x128xf32, #tpu.memory_space<vmem>>, vector<1x1x16xf32>,
        %get3A_526 = vector.shape_cast %get3A_525 : vector<1x1x16xf32> to vector<16xf32>
        %add3A_527 = arith.addf %add3A_518, %get3A_526 : vector<16xf32>
        %add3A_528 = arith.constant 3 : i32
        %add3A_529 = arith.addi %add3A_403, %add3A_528 : i32
        %get3A_530 = arith.constant 0 : i32
        %get3A_531 = arith.index_cast %get3A_530 : i32 to index
        %get3A_532 = arith.index_cast %add3A_529 : i32 to index
        %get3A_533 = arith.constant 32 : index
        %get3A_534 = tpu.vector_load %arg6[%get3A_531, %get3A_532, %get3A_533] {strides = array<i32>} : memref<2x256x128xf32, #tpu.memory_space<vmem>>, vector<1x1x16xf32>,
        %get3A_535 = vector.shape_cast %get3A_534 : vector<1x1x16xf32> to vector<16xf32>
        %add3A_536 = arith.addf %add3A_527, %get3A_535 : vector<16xf32>
        %add3A_537 = arith.constant 4 : i32
        %add3A_538 = arith.addi %add3A_403, %add3A_537 : i32
        %get3A_539 = arith.constant 0 : i32
        %get3A_540 = arith.index_cast %get3A_539 : i32 to index
        %get3A_541 = arith.index_cast %add3A_538 : i32 to index
        %get3A_542 = arith.constant 32 : index
        %get3A_543 = tpu.vector_load %arg6[%get3A_540, %get3A_541, %get3A_542] {strides = array<i32>} : memref<2x256x128xf32, #tpu.memory_space<vmem>>, vector<1x1x16xf32>,
        %get3A_544 = vector.shape_cast %get3A_543 : vector<1x1x16xf32> to vector<16xf32>
        %add3A_545 = arith.addf %add3A_536, %get3A_544 : vector<16xf32>
        %mul3A_546 = arith.constant 2.000000e-01 : f32
        %mul3A_547 = vector.broadcast %mul3A_546 : f32 to vector<16xf32>
        %mul3A_548 = arith.mulf %add3A_545, %mul3A_547 : vector<16xf32>
        %swap3A_549 = arith.index_cast %scan3A_399 : i32 to index
        %swap3A_550 = arith.constant 32 : index
        %swap3A_551 = tpu.vector_load %arg7[%swap3A_549, %swap3A_550] {strides = array<i32>} : memref<50x64xf32, #tpu.memory_space<vmem>>, vector<1x16xf32>,
        %swap3A_552 = vector.shape_cast %swap3A_551 : vector<1x16xf32> to vector<16xf32>
        %swap3A_553 = vector.shape_cast %mul3A_548 : vector<16xf32> to vector<1x16xf32>
        tpu.vector_store %arg7[%swap3A_549, %swap3A_550], %swap3A_553 {strides = array<i32>} : memref<50x64xf32, #tpu.memory_space<vmem>>, vector<1x16xf32>,
        %get3A_554 = arith.constant 0 : i32
        %get3A_555 = arith.index_cast %get3A_554 : i32 to index
        %get3A_556 = arith.index_cast %add3A_403 : i32 to index
        %get3A_557 = arith.constant 48 : index
        %get3A_558 = tpu.vector_load %arg6[%get3A_555, %get3A_556, %get3A_557] {strides = array<i32>} : memref<2x256x128xf32, #tpu.memory_space<vmem>>, vector<1x1x16xf32>,
        %get3A_559 = vector.shape_cast %get3A_558 : vector<1x1x16xf32> to vector<16xf32>
        %add3A_560 = arith.constant 1 : i32
        %add3A_561 = arith.addi %add3A_403, %add3A_560 : i32
        %get3A_562 = arith.constant 0 : i32
        %get3A_563 = arith.index_cast %get3A_562 : i32 to index
        %get3A_564 = arith.index_cast %add3A_561 : i32 to index
        %get3A_565 = arith.constant 48 : index
        %get3A_566 = tpu.vector_load %arg6[%get3A_563, %get3A_564, %get3A_565] {strides = array<i32>} : memref<2x256x128xf32, #tpu.memory_space<vmem>>, vector<1x1x16xf32>,
        %get3A_567 = vector.shape_cast %get3A_566 : vector<1x1x16xf32> to vector<16xf32>
        %add3A_568 = arith.addf %get3A_559, %get3A_567 : vector<16xf32>
        %add3A_569 = arith.constant 2 : i32
        %add3A_570 = arith.addi %add3A_403, %add3A_569 : i32
        %get3A_571 = arith.constant 0 : i32
        %get3A_572 = arith.index_cast %get3A_571 : i32 to index
        %get3A_573 = arith.index_cast %add3A_570 : i32 to index
        %get3A_574 = arith.constant 48 : index
        %get3A_575 = tpu.vector_load %arg6[%get3A_572, %get3A_573, %get3A_574] {strides = array<i32>} : memref<2x256x128xf32, #tpu.memory_space<vmem>>, vector<1x1x16xf32>,
        %get3A_576 = vector.shape_cast %get3A_575 : vector<1x1x16xf32> to vector<16xf32>
        %add3A_577 = arith.addf %add3A_568, %get3A_576 : vector<16xf32>
        %add3A_578 = arith.constant 3 : i32
        %add3A_579 = arith.addi %add3A_403, %add3A_578 : i32
        %get3A_580 = arith.constant 0 : i32
        %get3A_581 = arith.index_cast %get3A_580 : i32 to index
        %get3A_582 = arith.index_cast %add3A_579 : i32 to index
        %get3A_583 = arith.constant 48 : index
        %get3A_584 = tpu.vector_load %arg6[%get3A_581, %get3A_582, %get3A_583] {strides = array<i32>} : memref<2x256x128xf32, #tpu.memory_space<vmem>>, vector<1x1x16xf32>,
        %get3A_585 = vector.shape_cast %get3A_584 : vector<1x1x16xf32> to vector<16xf32>
        %add3A_586 = arith.addf %add3A_577, %get3A_585 : vector<16xf32>
        %add3A_587 = arith.constant 4 : i32
        %add3A_588 = arith.addi %add3A_403, %add3A_587 : i32
        %get3A_589 = arith.constant 0 : i32
        %get3A_590 = arith.index_cast %get3A_589 : i32 to index
        %get3A_591 = arith.index_cast %add3A_588 : i32 to index
        %get3A_592 = arith.constant 48 : index
        %get3A_593 = tpu.vector_load %arg6[%get3A_590, %get3A_591, %get3A_592] {strides = array<i32>} : memref<2x256x128xf32, #tpu.memory_space<vmem>>, vector<1x1x16xf32>,
        %get3A_594 = vector.shape_cast %get3A_593 : vector<1x1x16xf32> to vector<16xf32>
        %add3A_595 = arith.addf %add3A_586, %get3A_594 : vector<16xf32>
        %mul3A_596 = arith.constant 2.000000e-01 : f32
        %mul3A_597 = vector.broadcast %mul3A_596 : f32 to vector<16xf32>
        %mul3A_598 = arith.mulf %add3A_595, %mul3A_597 : vector<16xf32>
        %swap3A_599 = arith.index_cast %scan3A_399 : i32 to index
        %swap3A_600 = arith.constant 48 : index
        %swap3A_601 = tpu.vector_load %arg7[%swap3A_599, %swap3A_600] {strides = array<i32>} : memref<50x64xf32, #tpu.memory_space<vmem>>, vector<1x16xf32>,
        %swap3A_602 = vector.shape_cast %swap3A_601 : vector<1x16xf32> to vector<16xf32>
        %swap3A_603 = vector.shape_cast %mul3A_598 : vector<16xf32> to vector<1x16xf32>
        tpu.vector_store %arg7[%swap3A_599, %swap3A_600], %swap3A_603 {strides = array<i32>} : memref<50x64xf32, #tpu.memory_space<vmem>>, vector<1x16xf32>,
      }
      %scan3A_153 = arith.constant 50 : i32
      %add3A_154 = arith.addi %mul3A_2, %add3A_132 : i32
      "tpu.region"() ({
        %run_scoped3A_195 = tpu.sem_alloc : memref<!tpu.dma_semaphore, #tpu.memory_space<semaphore_mem>>
        %dma_start3A_196 = arith.constant 0 : i32
        %dma_start3A_197 = arith.constant 0 : i32
        %dma_start3A_198 = tpu.memref_slice %arg4[%add3A_154, %dma_start3A_196, %dma_start3A_197] : memref<4096x50x64xf32, #tpu.memory_space<hbm>> -> memref<1x50x64xf32, #tpu.memory_space<hbm>>
        %dma_start3A_199 = tpu.memref_squeeze %dma_start3A_198 : memref<1x50x64xf32, #tpu.memory_space<hbm>> -> memref<50x64xf32, #tpu.memory_space<hbm>>
        %dma_start3A_200 = arith.constant 0 : i32
        %dma_start3A_201 = arith.constant 0 : i32
        %dma_start3A_202 = tpu.memref_slice %arg4[%add3A_154, %dma_start3A_200, %dma_start3A_201] : memref<4096x50x64xf32, #tpu.memory_space<hbm>> -> memref<1x50x64xf32, #tpu.memory_space<hbm>>
        %dma_start3A_203 = tpu.memref_squeeze %dma_start3A_202 : memref<1x50x64xf32, #tpu.memory_space<hbm>> -> memref<50x64xf32, #tpu.memory_space<hbm>>
        tpu.enqueue_dma source(%arg7 : memref<50x64xf32, #tpu.memory_space<vmem>>) target(%dma_start3A_203 : memref<50x64xf32, #tpu.memory_space<hbm>>) target_semaphore(%run_scoped3A_195 : memref<!tpu.dma_semaphore, #tpu.memory_space<semaphore_mem>>)
        %dma_wait3A_204 = arith.constant 0 : i32
        %dma_wait3A_205 = arith.constant 0 : i32
        %dma_wait3A_206 = tpu.memref_slice %arg4[%add3A_154, %dma_wait3A_204, %dma_wait3A_205] : memref<4096x50x64xf32, #tpu.memory_space<hbm>> -> memref<1x50x64xf32, #tpu.memory_space<hbm>>
        %dma_wait3A_207 = tpu.memref_squeeze %dma_wait3A_206 : memref<1x50x64xf32, #tpu.memory_space<hbm>> -> memref<50x64xf32, #tpu.memory_space<hbm>>
        %dma_wait3A_208 = arith.constant 0 : i32
        %dma_wait3A_209 = arith.constant 0 : i32
        %dma_wait3A_210 = tpu.memref_slice %arg4[%add3A_154, %dma_wait3A_208, %dma_wait3A_209] : memref<4096x50x64xf32, #tpu.memory_space<hbm>> -> memref<1x50x64xf32, #tpu.memory_space<hbm>>
        %dma_wait3A_211 = tpu.memref_squeeze %dma_wait3A_210 : memref<1x50x64xf32, #tpu.memory_space<hbm>> -> memref<50x64xf32, #tpu.memory_space<hbm>>
        tpu.wait_dma2 semaphore(%run_scoped3A_195 : memref<!tpu.dma_semaphore, #tpu.memory_space<semaphore_mem>>) src(%arg7 : memref<50x64xf32, #tpu.memory_space<vmem>>) dst(%dma_wait3A_211 : memref<50x64xf32, #tpu.memory_space<hbm>>)
        tpu.yield
      }) : () -> ()
      %add3A_155 = arith.constant 2 : i32
      %add3A_156 = arith.addi %add3A_132, %add3A_155 : i32
      %lt3A_157 = arith.constant 128 : i32
      %lt3A_158 = arith.cmpi slt, %add3A_156, %lt3A_157 : i32
      %convert_element_type3A_159 = arith.extui %lt3A_158 : i1 to i32
      %cond3A_160 = arith.constant 0 : i32
      %cond3A_161 = arith.cmpi ne, %convert_element_type3A_159, %cond3A_160 : i32
      scf.if %cond3A_161 {
        %add3A_195 = arith.constant 1 : i32
        %add3A_196 = arith.addi %scan3A_61, %add3A_195 : i32
        %mul3A_197 = arith.constant 1000 : i32
        %mul3A_198 = arith.muli %add3A_196, %mul3A_197 : i32
        %add3A_199 = arith.addi %mul3A_6, %mul3A_198 : i32
        "tpu.region"() ({
          %run_scoped3A_222 = tpu.sem_alloc : memref<!tpu.dma_semaphore, #tpu.memory_space<semaphore_mem>>
          %dma_start3A_223 = arith.constant 0 : i32
          %dma_start3A_224 = tpu.memref_slice %arg5[%and3A_66, %dma_start3A_223] : memref<2x1000xi32, #tpu.memory_space<vmem>> -> memref<1x1000xi32, #tpu.memory_space<vmem>>
          %dma_start3A_225 = tpu.memref_squeeze %dma_start3A_224 : memref<1x1000xi32, #tpu.memory_space<vmem>> -> memref<1000xi32, #tpu.memory_space<vmem>>
          %dma_start3A_226 = tpu.memref_slice %arg2[%add3A_199] : memref<1024000xi32, #tpu.memory_space<hbm>> -> memref<1000xi32, #tpu.memory_space<hbm>>
          %dma_start3A_227 = arith.constant 0 : i32
          %dma_start3A_228 = tpu.memref_slice %arg5[%and3A_66, %dma_start3A_227] : memref<2x1000xi32, #tpu.memory_space<vmem>> -> memref<1x1000xi32, #tpu.memory_space<vmem>>
          %dma_start3A_229 = tpu.memref_squeeze %dma_start3A_228 : memref<1x1000xi32, #tpu.memory_space<vmem>> -> memref<1000xi32, #tpu.memory_space<vmem>>
          %dma_start3A_230 = tpu.memref_slice %arg2[%add3A_199] : memref<1024000xi32, #tpu.memory_space<hbm>> -> memref<1000xi32, #tpu.memory_space<hbm>>
          tpu.enqueue_dma source(%dma_start3A_230 : memref<1000xi32, #tpu.memory_space<hbm>>) target(%dma_start3A_229 : memref<1000xi32, #tpu.memory_space<vmem>>) target_semaphore(%run_scoped3A_222 : memref<!tpu.dma_semaphore, #tpu.memory_space<semaphore_mem>>)
          %dma_wait3A_231 = arith.constant 0 : i32
          %dma_wait3A_232 = tpu.memref_slice %arg5[%and3A_66, %dma_wait3A_231] : memref<2x1000xi32, #tpu.memory_space<vmem>> -> memref<1x1000xi32, #tpu.memory_space<vmem>>
          %dma_wait3A_233 = tpu.memref_squeeze %dma_wait3A_232 : memref<1x1000xi32, #tpu.memory_space<vmem>> -> memref<1000xi32, #tpu.memory_space<vmem>>
          %dma_wait3A_234 = tpu.memref_slice %arg2[%add3A_199] : memref<1024000xi32, #tpu.memory_space<hbm>> -> memref<1000xi32, #tpu.memory_space<hbm>>
          %dma_wait3A_235 = arith.constant 0 : i32
          %dma_wait3A_236 = tpu.memref_slice %arg5[%and3A_66, %dma_wait3A_235] : memref<2x1000xi32, #tpu.memory_space<vmem>> -> memref<1x1000xi32, #tpu.memory_space<vmem>>
          %dma_wait3A_237 = tpu.memref_squeeze %dma_wait3A_236 : memref<1x1000xi32, #tpu.memory_space<vmem>> -> memref<1000xi32, #tpu.memory_space<vmem>>
          %dma_wait3A_238 = tpu.memref_slice %arg2[%add3A_199] : memref<1024000xi32, #tpu.memory_space<hbm>> -> memref<1000xi32, #tpu.memory_space<hbm>>
          tpu.wait_dma2 semaphore(%run_scoped3A_222 : memref<!tpu.dma_semaphore, #tpu.memory_space<semaphore_mem>>) src(%dma_wait3A_238 : memref<1000xi32, #tpu.memory_space<hbm>>) dst(%dma_wait3A_237 : memref<1000xi32, #tpu.memory_space<vmem>>)
          tpu.yield
        }) : () -> ()
        %dma_start3A_200 = arith.constant 0 : i32
        %dma_start3A_201 = arith.constant 0 : i32
        %dma_start3A_202 = arith.constant 0 : i32
        %dma_start3A_203 = tpu.memref_slice %arg6[%dma_start3A_200, %dma_start3A_201, %dma_start3A_202] : memref<2x256x128xf32, #tpu.memory_space<vmem>> -> memref<1x128x128xf32, #tpu.memory_space<vmem>>
        %dma_start3A_204 = tpu.memref_squeeze %dma_start3A_203 : memref<1x128x128xf32, #tpu.memory_space<vmem>> -> memref<128x128xf32, #tpu.memory_space<vmem>>
        %dma_start3A_205 = arith.constant 0 : i32
        %dma_start3A_206 = tpu.memref_slice %arg5[%and3A_66, %dma_start3A_205] : memref<2x1000xi32, #tpu.memory_space<vmem>> -> memref<1x128xi32, #tpu.memory_space<vmem>>
        %dma_start3A_207 = tpu.memref_squeeze %dma_start3A_206 : memref<1x128xi32, #tpu.memory_space<vmem>> -> memref<128xi32, #tpu.memory_space<vmem>>
        %dma_start3A_208 = arith.constant 0 : i32
        %dma_start3A_209 = arith.constant 0 : i32
        %dma_start3A_210 = tpu.memref_slice %arg3[%dma_start3A_208, %dma_start3A_209] : memref<1000000x128xf32, #tpu.memory_space<hbm>> -> memref<1000000x128xf32, #tpu.memory_space<hbm>>
        tpu.enqueue_indirect_dma source(%dma_start3A_210 : memref<1000000x128xf32, #tpu.memory_space<hbm>>) target(%dma_start3A_204 : memref<128x128xf32, #tpu.memory_space<vmem>>) offsets(%dma_start3A_207 : memref<128xi32, #tpu.memory_space<vmem>>) semaphore(%arg8 : memref<!tpu.dma_semaphore, #tpu.memory_space<semaphore_mem>>)
        %dma_start3A_211 = arith.constant 0 : i32
        %dma_start3A_212 = arith.constant 128 : i32
        %dma_start3A_213 = arith.constant 0 : i32
        %dma_start3A_214 = tpu.memref_slice %arg6[%dma_start3A_211, %dma_start3A_212, %dma_start3A_213] : memref<2x256x128xf32, #tpu.memory_space<vmem>> -> memref<1x128x128xf32, #tpu.memory_space<vmem>>
        %dma_start3A_215 = tpu.memref_squeeze %dma_start3A_214 : memref<1x128x128xf32, #tpu.memory_space<vmem>> -> memref<128x128xf32, #tpu.memory_space<vmem>>
        %dma_start3A_216 = arith.constant 128 : i32
        %dma_start3A_217 = tpu.memref_slice %arg5[%and3A_66, %dma_start3A_216] : memref<2x1000xi32, #tpu.memory_space<vmem>> -> memref<1x128xi32, #tpu.memory_space<vmem>>
        %dma_start3A_218 = tpu.memref_squeeze %dma_start3A_217 : memref<1x128xi32, #tpu.memory_space<vmem>> -> memref<128xi32, #tpu.memory_space<vmem>>
        %dma_start3A_219 = arith.constant 0 : i32
        %dma_start3A_220 = arith.constant 0 : i32
        %dma_start3A_221 = tpu.memref_slice %arg3[%dma_start3A_219, %dma_start3A_220] : memref<1000000x128xf32, #tpu.memory_space<hbm>> -> memref<1000000x128xf32, #tpu.memory_space<hbm>>
        tpu.enqueue_indirect_dma source(%dma_start3A_221 : memref<1000000x128xf32, #tpu.memory_space<hbm>>) target(%dma_start3A_215 : memref<128x128xf32, #tpu.memory_space<vmem>>) offsets(%dma_start3A_218 : memref<128xi32, #tpu.memory_space<vmem>>) semaphore(%arg8 : memref<!tpu.dma_semaphore, #tpu.memory_space<semaphore_mem>>)
      } else {
      }
      %mul3A_162 = arith.constant 4 : i32
      %mul3A_163 = arith.muli %mul3A_162, %scan3A_61 : i32
      %add3A_164 = arith.constant 3 : i32
      %add3A_165 = arith.addi %mul3A_163, %add3A_164 : i32
      %dma_wait3A_166 = arith.constant 1 : i32
      %dma_wait3A_167 = arith.constant 0 : i32
      %dma_wait3A_168 = arith.constant 0 : i32
      %dma_wait3A_169 = tpu.memref_slice %arg6[%dma_wait3A_166, %dma_wait3A_167, %dma_wait3A_168] : memref<2x256x128xf32, #tpu.memory_space<vmem>> -> memref<1x256x128xf32, #tpu.memory_space<vmem>>
      %dma_wait3A_170 = tpu.memref_squeeze %dma_wait3A_169 : memref<1x256x128xf32, #tpu.memory_space<vmem>> -> memref<256x128xf32, #tpu.memory_space<vmem>>
      %dma_wait3A_171 = arith.constant 0 : i32
      %dma_wait3A_172 = arith.constant 0 : i32
      %dma_wait3A_173 = tpu.memref_slice %arg3[%dma_wait3A_171, %dma_wait3A_172] : memref<1000000x128xf32, #tpu.memory_space<hbm>> -> memref<256x128xf32, #tpu.memory_space<hbm>>
      %dma_wait3A_174 = arith.constant 0 : i32
      %dma_wait3A_175 = arith.constant 0 : i32
      %dma_wait3A_176 = tpu.memref_slice %arg6[%dma_wait3A_166, %dma_wait3A_174, %dma_wait3A_175] : memref<2x256x128xf32, #tpu.memory_space<vmem>> -> memref<1x256x128xf32, #tpu.memory_space<vmem>>
      %dma_wait3A_177 = tpu.memref_squeeze %dma_wait3A_176 : memref<1x256x128xf32, #tpu.memory_space<vmem>> -> memref<256x128xf32, #tpu.memory_space<vmem>>
      %dma_wait3A_178 = arith.constant 0 : i32
      %dma_wait3A_179 = arith.constant 0 : i32
      %dma_wait3A_180 = tpu.memref_slice %arg3[%dma_wait3A_178, %dma_wait3A_179] : memref<1000000x128xf32, #tpu.memory_space<hbm>> -> memref<256x128xf32, #tpu.memory_space<hbm>>
      tpu.wait_dma2 semaphore(%arg9 : memref<!tpu.dma_semaphore, #tpu.memory_space<semaphore_mem>>) src(%dma_wait3A_180 : memref<256x128xf32, #tpu.memory_space<hbm>>) dst(%dma_wait3A_177 : memref<256x128xf32, #tpu.memory_space<vmem>>)
      %scan3A_181 = arith.constant 0 : i32
      %scan3A_182 = arith.constant 0 : i32
      %scan3A_183 = arith.constant 50 : i32
      %scan3A_184 = arith.addi %scan3A_182, %scan3A_183 : i32
      %scan3A_185 = arith.constant 2 : i32
      scf.for %scan3A_195 = %scan3A_182 to %scan3A_184 step %scan3A_185  : i32 {
        %mul3A_196 = arith.constant 5 : i32
        %mul3A_197 = arith.muli %scan3A_195, %mul3A_196 : i32
        %add3A_198 = arith.constant 6 : i32
        %add3A_199 = arith.addi %add3A_198, %mul3A_197 : i32
        %get3A = arith.constant 1 : i32
        %get3A_200 = arith.index_cast %get3A : i32 to index
        %get3A_201 = arith.index_cast %add3A_199 : i32 to index
        %get3A_202 = arith.constant 0 : index
        %get3A_203 = tpu.vector_load %arg6[%get3A_200, %get3A_201, %get3A_202] {strides = array<i32>} : memref<2x256x128xf32, #tpu.memory_space<vmem>>, vector<1x1x16xf32>,
        %get3A_204 = vector.shape_cast %get3A_203 : vector<1x1x16xf32> to vector<16xf32>
        %add3A_205 = arith.constant 1 : i32
        %add3A_206 = arith.addi %add3A_199, %add3A_205 : i32
        %get3A_207 = arith.constant 1 : i32
        %get3A_208 = arith.index_cast %get3A_207 : i32 to index
        %get3A_209 = arith.index_cast %add3A_206 : i32 to index
        %get3A_210 = arith.constant 0 : index
        %get3A_211 = tpu.vector_load %arg6[%get3A_208, %get3A_209, %get3A_210] {strides = array<i32>} : memref<2x256x128xf32, #tpu.memory_space<vmem>>, vector<1x1x16xf32>,
        %get3A_212 = vector.shape_cast %get3A_211 : vector<1x1x16xf32> to vector<16xf32>
        %add3A_213 = arith.addf %get3A_204, %get3A_212 : vector<16xf32>
        %add3A_214 = arith.constant 2 : i32
        %add3A_215 = arith.addi %add3A_199, %add3A_214 : i32
        %get3A_216 = arith.constant 1 : i32
        %get3A_217 = arith.index_cast %get3A_216 : i32 to index
        %get3A_218 = arith.index_cast %add3A_215 : i32 to index
        %get3A_219 = arith.constant 0 : index
        %get3A_220 = tpu.vector_load %arg6[%get3A_217, %get3A_218, %get3A_219] {strides = array<i32>} : memref<2x256x128xf32, #tpu.memory_space<vmem>>, vector<1x1x16xf32>,
        %get3A_221 = vector.shape_cast %get3A_220 : vector<1x1x16xf32> to vector<16xf32>
        %add3A_222 = arith.addf %add3A_213, %get3A_221 : vector<16xf32>
        %add3A_223 = arith.constant 3 : i32
        %add3A_224 = arith.addi %add3A_199, %add3A_223 : i32
        %get3A_225 = arith.constant 1 : i32
        %get3A_226 = arith.index_cast %get3A_225 : i32 to index
        %get3A_227 = arith.index_cast %add3A_224 : i32 to index
        %get3A_228 = arith.constant 0 : index
        %get3A_229 = tpu.vector_load %arg6[%get3A_226, %get3A_227, %get3A_228] {strides = array<i32>} : memref<2x256x128xf32, #tpu.memory_space<vmem>>, vector<1x1x16xf32>,
        %get3A_230 = vector.shape_cast %get3A_229 : vector<1x1x16xf32> to vector<16xf32>
        %add3A_231 = arith.addf %add3A_222, %get3A_230 : vector<16xf32>
        %add3A_232 = arith.constant 4 : i32
        %add3A_233 = arith.addi %add3A_199, %add3A_232 : i32
        %get3A_234 = arith.constant 1 : i32
        %get3A_235 = arith.index_cast %get3A_234 : i32 to index
        %get3A_236 = arith.index_cast %add3A_233 : i32 to index
        %get3A_237 = arith.constant 0 : index
        %get3A_238 = tpu.vector_load %arg6[%get3A_235, %get3A_236, %get3A_237] {strides = array<i32>} : memref<2x256x128xf32, #tpu.memory_space<vmem>>, vector<1x1x16xf32>,
        %get3A_239 = vector.shape_cast %get3A_238 : vector<1x1x16xf32> to vector<16xf32>
        %add3A_240 = arith.addf %add3A_231, %get3A_239 : vector<16xf32>
        %mul3A_241 = arith.constant 2.000000e-01 : f32
        %mul3A_242 = vector.broadcast %mul3A_241 : f32 to vector<16xf32>
        %mul3A_243 = arith.mulf %add3A_240, %mul3A_242 : vector<16xf32>
        %swap3A = arith.index_cast %scan3A_195 : i32 to index
        %swap3A_244 = arith.constant 0 : index
        %swap3A_245 = tpu.vector_load %arg7[%swap3A, %swap3A_244] {strides = array<i32>} : memref<50x64xf32, #tpu.memory_space<vmem>>, vector<1x16xf32>,
        %swap3A_246 = vector.shape_cast %swap3A_245 : vector<1x16xf32> to vector<16xf32>
        %swap3A_247 = vector.shape_cast %mul3A_243 : vector<16xf32> to vector<1x16xf32>
        tpu.vector_store %arg7[%swap3A, %swap3A_244], %swap3A_247 {strides = array<i32>} : memref<50x64xf32, #tpu.memory_space<vmem>>, vector<1x16xf32>,
        %get3A_248 = arith.constant 1 : i32
        %get3A_249 = arith.index_cast %get3A_248 : i32 to index
        %get3A_250 = arith.index_cast %add3A_199 : i32 to index
        %get3A_251 = arith.constant 16 : index
        %get3A_252 = tpu.vector_load %arg6[%get3A_249, %get3A_250, %get3A_251] {strides = array<i32>} : memref<2x256x128xf32, #tpu.memory_space<vmem>>, vector<1x1x16xf32>,
        %get3A_253 = vector.shape_cast %get3A_252 : vector<1x1x16xf32> to vector<16xf32>
        %add3A_254 = arith.constant 1 : i32
        %add3A_255 = arith.addi %add3A_199, %add3A_254 : i32
        %get3A_256 = arith.constant 1 : i32
        %get3A_257 = arith.index_cast %get3A_256 : i32 to index
        %get3A_258 = arith.index_cast %add3A_255 : i32 to index
        %get3A_259 = arith.constant 16 : index
        %get3A_260 = tpu.vector_load %arg6[%get3A_257, %get3A_258, %get3A_259] {strides = array<i32>} : memref<2x256x128xf32, #tpu.memory_space<vmem>>, vector<1x1x16xf32>,
        %get3A_261 = vector.shape_cast %get3A_260 : vector<1x1x16xf32> to vector<16xf32>
        %add3A_262 = arith.addf %get3A_253, %get3A_261 : vector<16xf32>
        %add3A_263 = arith.constant 2 : i32
        %add3A_264 = arith.addi %add3A_199, %add3A_263 : i32
        %get3A_265 = arith.constant 1 : i32
        %get3A_266 = arith.index_cast %get3A_265 : i32 to index
        %get3A_267 = arith.index_cast %add3A_264 : i32 to index
        %get3A_268 = arith.constant 16 : index
        %get3A_269 = tpu.vector_load %arg6[%get3A_266, %get3A_267, %get3A_268] {strides = array<i32>} : memref<2x256x128xf32, #tpu.memory_space<vmem>>, vector<1x1x16xf32>,
        %get3A_270 = vector.shape_cast %get3A_269 : vector<1x1x16xf32> to vector<16xf32>
        %add3A_271 = arith.addf %add3A_262, %get3A_270 : vector<16xf32>
        %add3A_272 = arith.constant 3 : i32
        %add3A_273 = arith.addi %add3A_199, %add3A_272 : i32
        %get3A_274 = arith.constant 1 : i32
        %get3A_275 = arith.index_cast %get3A_274 : i32 to index
        %get3A_276 = arith.index_cast %add3A_273 : i32 to index
        %get3A_277 = arith.constant 16 : index
        %get3A_278 = tpu.vector_load %arg6[%get3A_275, %get3A_276, %get3A_277] {strides = array<i32>} : memref<2x256x128xf32, #tpu.memory_space<vmem>>, vector<1x1x16xf32>,
        %get3A_279 = vector.shape_cast %get3A_278 : vector<1x1x16xf32> to vector<16xf32>
        %add3A_280 = arith.addf %add3A_271, %get3A_279 : vector<16xf32>
        %add3A_281 = arith.constant 4 : i32
        %add3A_282 = arith.addi %add3A_199, %add3A_281 : i32
        %get3A_283 = arith.constant 1 : i32
        %get3A_284 = arith.index_cast %get3A_283 : i32 to index
        %get3A_285 = arith.index_cast %add3A_282 : i32 to index
        %get3A_286 = arith.constant 16 : index
        %get3A_287 = tpu.vector_load %arg6[%get3A_284, %get3A_285, %get3A_286] {strides = array<i32>} : memref<2x256x128xf32, #tpu.memory_space<vmem>>, vector<1x1x16xf32>,
        %get3A_288 = vector.shape_cast %get3A_287 : vector<1x1x16xf32> to vector<16xf32>
        %add3A_289 = arith.addf %add3A_280, %get3A_288 : vector<16xf32>
        %mul3A_290 = arith.constant 2.000000e-01 : f32
        %mul3A_291 = vector.broadcast %mul3A_290 : f32 to vector<16xf32>
        %mul3A_292 = arith.mulf %add3A_289, %mul3A_291 : vector<16xf32>
        %swap3A_293 = arith.index_cast %scan3A_195 : i32 to index
        %swap3A_294 = arith.constant 16 : index
        %swap3A_295 = tpu.vector_load %arg7[%swap3A_293, %swap3A_294] {strides = array<i32>} : memref<50x64xf32, #tpu.memory_space<vmem>>, vector<1x16xf32>,
        %swap3A_296 = vector.shape_cast %swap3A_295 : vector<1x16xf32> to vector<16xf32>
        %swap3A_297 = vector.shape_cast %mul3A_292 : vector<16xf32> to vector<1x16xf32>
        tpu.vector_store %arg7[%swap3A_293, %swap3A_294], %swap3A_297 {strides = array<i32>} : memref<50x64xf32, #tpu.memory_space<vmem>>, vector<1x16xf32>,
        %get3A_298 = arith.constant 1 : i32
        %get3A_299 = arith.index_cast %get3A_298 : i32 to index
        %get3A_300 = arith.index_cast %add3A_199 : i32 to index
        %get3A_301 = arith.constant 32 : index
        %get3A_302 = tpu.vector_load %arg6[%get3A_299, %get3A_300, %get3A_301] {strides = array<i32>} : memref<2x256x128xf32, #tpu.memory_space<vmem>>, vector<1x1x16xf32>,
        %get3A_303 = vector.shape_cast %get3A_302 : vector<1x1x16xf32> to vector<16xf32>
        %add3A_304 = arith.constant 1 : i32
        %add3A_305 = arith.addi %add3A_199, %add3A_304 : i32
        %get3A_306 = arith.constant 1 : i32
        %get3A_307 = arith.index_cast %get3A_306 : i32 to index
        %get3A_308 = arith.index_cast %add3A_305 : i32 to index
        %get3A_309 = arith.constant 32 : index
        %get3A_310 = tpu.vector_load %arg6[%get3A_307, %get3A_308, %get3A_309] {strides = array<i32>} : memref<2x256x128xf32, #tpu.memory_space<vmem>>, vector<1x1x16xf32>,
        %get3A_311 = vector.shape_cast %get3A_310 : vector<1x1x16xf32> to vector<16xf32>
        %add3A_312 = arith.addf %get3A_303, %get3A_311 : vector<16xf32>
        %add3A_313 = arith.constant 2 : i32
        %add3A_314 = arith.addi %add3A_199, %add3A_313 : i32
        %get3A_315 = arith.constant 1 : i32
        %get3A_316 = arith.index_cast %get3A_315 : i32 to index
        %get3A_317 = arith.index_cast %add3A_314 : i32 to index
        %get3A_318 = arith.constant 32 : index
        %get3A_319 = tpu.vector_load %arg6[%get3A_316, %get3A_317, %get3A_318] {strides = array<i32>} : memref<2x256x128xf32, #tpu.memory_space<vmem>>, vector<1x1x16xf32>,
        %get3A_320 = vector.shape_cast %get3A_319 : vector<1x1x16xf32> to vector<16xf32>
        %add3A_321 = arith.addf %add3A_312, %get3A_320 : vector<16xf32>
        %add3A_322 = arith.constant 3 : i32
        %add3A_323 = arith.addi %add3A_199, %add3A_322 : i32
        %get3A_324 = arith.constant 1 : i32
        %get3A_325 = arith.index_cast %get3A_324 : i32 to index
        %get3A_326 = arith.index_cast %add3A_323 : i32 to index
        %get3A_327 = arith.constant 32 : index
        %get3A_328 = tpu.vector_load %arg6[%get3A_325, %get3A_326, %get3A_327] {strides = array<i32>} : memref<2x256x128xf32, #tpu.memory_space<vmem>>, vector<1x1x16xf32>,
        %get3A_329 = vector.shape_cast %get3A_328 : vector<1x1x16xf32> to vector<16xf32>
        %add3A_330 = arith.addf %add3A_321, %get3A_329 : vector<16xf32>
        %add3A_331 = arith.constant 4 : i32
        %add3A_332 = arith.addi %add3A_199, %add3A_331 : i32
        %get3A_333 = arith.constant 1 : i32
        %get3A_334 = arith.index_cast %get3A_333 : i32 to index
        %get3A_335 = arith.index_cast %add3A_332 : i32 to index
        %get3A_336 = arith.constant 32 : index
        %get3A_337 = tpu.vector_load %arg6[%get3A_334, %get3A_335, %get3A_336] {strides = array<i32>} : memref<2x256x128xf32, #tpu.memory_space<vmem>>, vector<1x1x16xf32>,
        %get3A_338 = vector.shape_cast %get3A_337 : vector<1x1x16xf32> to vector<16xf32>
        %add3A_339 = arith.addf %add3A_330, %get3A_338 : vector<16xf32>
        %mul3A_340 = arith.constant 2.000000e-01 : f32
        %mul3A_341 = vector.broadcast %mul3A_340 : f32 to vector<16xf32>
        %mul3A_342 = arith.mulf %add3A_339, %mul3A_341 : vector<16xf32>
        %swap3A_343 = arith.index_cast %scan3A_195 : i32 to index
        %swap3A_344 = arith.constant 32 : index
        %swap3A_345 = tpu.vector_load %arg7[%swap3A_343, %swap3A_344] {strides = array<i32>} : memref<50x64xf32, #tpu.memory_space<vmem>>, vector<1x16xf32>,
        %swap3A_346 = vector.shape_cast %swap3A_345 : vector<1x16xf32> to vector<16xf32>
        %swap3A_347 = vector.shape_cast %mul3A_342 : vector<16xf32> to vector<1x16xf32>
        tpu.vector_store %arg7[%swap3A_343, %swap3A_344], %swap3A_347 {strides = array<i32>} : memref<50x64xf32, #tpu.memory_space<vmem>>, vector<1x16xf32>,
        %get3A_348 = arith.constant 1 : i32
        %get3A_349 = arith.index_cast %get3A_348 : i32 to index
        %get3A_350 = arith.index_cast %add3A_199 : i32 to index
        %get3A_351 = arith.constant 48 : index
        %get3A_352 = tpu.vector_load %arg6[%get3A_349, %get3A_350, %get3A_351] {strides = array<i32>} : memref<2x256x128xf32, #tpu.memory_space<vmem>>, vector<1x1x16xf32>,
        %get3A_353 = vector.shape_cast %get3A_352 : vector<1x1x16xf32> to vector<16xf32>
        %add3A_354 = arith.constant 1 : i32
        %add3A_355 = arith.addi %add3A_199, %add3A_354 : i32
        %get3A_356 = arith.constant 1 : i32
        %get3A_357 = arith.index_cast %get3A_356 : i32 to index
        %get3A_358 = arith.index_cast %add3A_355 : i32 to index
        %get3A_359 = arith.constant 48 : index
        %get3A_360 = tpu.vector_load %arg6[%get3A_357, %get3A_358, %get3A_359] {strides = array<i32>} : memref<2x256x128xf32, #tpu.memory_space<vmem>>, vector<1x1x16xf32>,
        %get3A_361 = vector.shape_cast %get3A_360 : vector<1x1x16xf32> to vector<16xf32>
        %add3A_362 = arith.addf %get3A_353, %get3A_361 : vector<16xf32>
        %add3A_363 = arith.constant 2 : i32
        %add3A_364 = arith.addi %add3A_199, %add3A_363 : i32
        %get3A_365 = arith.constant 1 : i32
        %get3A_366 = arith.index_cast %get3A_365 : i32 to index
        %get3A_367 = arith.index_cast %add3A_364 : i32 to index
        %get3A_368 = arith.constant 48 : index
        %get3A_369 = tpu.vector_load %arg6[%get3A_366, %get3A_367, %get3A_368] {strides = array<i32>} : memref<2x256x128xf32, #tpu.memory_space<vmem>>, vector<1x1x16xf32>,
        %get3A_370 = vector.shape_cast %get3A_369 : vector<1x1x16xf32> to vector<16xf32>
        %add3A_371 = arith.addf %add3A_362, %get3A_370 : vector<16xf32>
        %add3A_372 = arith.constant 3 : i32
        %add3A_373 = arith.addi %add3A_199, %add3A_372 : i32
        %get3A_374 = arith.constant 1 : i32
        %get3A_375 = arith.index_cast %get3A_374 : i32 to index
        %get3A_376 = arith.index_cast %add3A_373 : i32 to index
        %get3A_377 = arith.constant 48 : index
        %get3A_378 = tpu.vector_load %arg6[%get3A_375, %get3A_376, %get3A_377] {strides = array<i32>} : memref<2x256x128xf32, #tpu.memory_space<vmem>>, vector<1x1x16xf32>,
        %get3A_379 = vector.shape_cast %get3A_378 : vector<1x1x16xf32> to vector<16xf32>
        %add3A_380 = arith.addf %add3A_371, %get3A_379 : vector<16xf32>
        %add3A_381 = arith.constant 4 : i32
        %add3A_382 = arith.addi %add3A_199, %add3A_381 : i32
        %get3A_383 = arith.constant 1 : i32
        %get3A_384 = arith.index_cast %get3A_383 : i32 to index
        %get3A_385 = arith.index_cast %add3A_382 : i32 to index
        %get3A_386 = arith.constant 48 : index
        %get3A_387 = tpu.vector_load %arg6[%get3A_384, %get3A_385, %get3A_386] {strides = array<i32>} : memref<2x256x128xf32, #tpu.memory_space<vmem>>, vector<1x1x16xf32>,
        %get3A_388 = vector.shape_cast %get3A_387 : vector<1x1x16xf32> to vector<16xf32>
        %add3A_389 = arith.addf %add3A_380, %get3A_388 : vector<16xf32>
        %mul3A_390 = arith.constant 2.000000e-01 : f32
        %mul3A_391 = vector.broadcast %mul3A_390 : f32 to vector<16xf32>
        %mul3A_392 = arith.mulf %add3A_389, %mul3A_391 : vector<16xf32>
        %swap3A_393 = arith.index_cast %scan3A_195 : i32 to index
        %swap3A_394 = arith.constant 48 : index
        %swap3A_395 = tpu.vector_load %arg7[%swap3A_393, %swap3A_394] {strides = array<i32>} : memref<50x64xf32, #tpu.memory_space<vmem>>, vector<1x16xf32>,
        %swap3A_396 = vector.shape_cast %swap3A_395 : vector<1x16xf32> to vector<16xf32>
        %swap3A_397 = vector.shape_cast %mul3A_392 : vector<16xf32> to vector<1x16xf32>
        tpu.vector_store %arg7[%swap3A_393, %swap3A_394], %swap3A_397 {strides = array<i32>} : memref<50x64xf32, #tpu.memory_space<vmem>>, vector<1x16xf32>,
        %scan3A_398 = arith.constant 1 : i32
        %scan3A_399 = arith.addi %scan3A_195, %scan3A_398 : i32
        %mul3A_400 = arith.constant 5 : i32
        %mul3A_401 = arith.muli %scan3A_399, %mul3A_400 : i32
        %add3A_402 = arith.constant 6 : i32
        %add3A_403 = arith.addi %add3A_402, %mul3A_401 : i32
        %get3A_404 = arith.constant 1 : i32
        %get3A_405 = arith.index_cast %get3A_404 : i32 to index
        %get3A_406 = arith.index_cast %add3A_403 : i32 to index
        %get3A_407 = arith.constant 0 : index
        %get3A_408 = tpu.vector_load %arg6[%get3A_405, %get3A_406, %get3A_407] {strides = array<i32>} : memref<2x256x128xf32, #tpu.memory_space<vmem>>, vector<1x1x16xf32>,
        %get3A_409 = vector.shape_cast %get3A_408 : vector<1x1x16xf32> to vector<16xf32>
        %add3A_410 = arith.constant 1 : i32
        %add3A_411 = arith.addi %add3A_403, %add3A_410 : i32
        %get3A_412 = arith.constant 1 : i32
        %get3A_413 = arith.index_cast %get3A_412 : i32 to index
        %get3A_414 = arith.index_cast %add3A_411 : i32 to index
        %get3A_415 = arith.constant 0 : index
        %get3A_416 = tpu.vector_load %arg6[%get3A_413, %get3A_414, %get3A_415] {strides = array<i32>} : memref<2x256x128xf32, #tpu.memory_space<vmem>>, vector<1x1x16xf32>,
        %get3A_417 = vector.shape_cast %get3A_416 : vector<1x1x16xf32> to vector<16xf32>
        %add3A_418 = arith.addf %get3A_409, %get3A_417 : vector<16xf32>
        %add3A_419 = arith.constant 2 : i32
        %add3A_420 = arith.addi %add3A_403, %add3A_419 : i32
        %get3A_421 = arith.constant 1 : i32
        %get3A_422 = arith.index_cast %get3A_421 : i32 to index
        %get3A_423 = arith.index_cast %add3A_420 : i32 to index
        %get3A_424 = arith.constant 0 : index
        %get3A_425 = tpu.vector_load %arg6[%get3A_422, %get3A_423, %get3A_424] {strides = array<i32>} : memref<2x256x128xf32, #tpu.memory_space<vmem>>, vector<1x1x16xf32>,
        %get3A_426 = vector.shape_cast %get3A_425 : vector<1x1x16xf32> to vector<16xf32>
        %add3A_427 = arith.addf %add3A_418, %get3A_426 : vector<16xf32>
        %add3A_428 = arith.constant 3 : i32
        %add3A_429 = arith.addi %add3A_403, %add3A_428 : i32
        %get3A_430 = arith.constant 1 : i32
        %get3A_431 = arith.index_cast %get3A_430 : i32 to index
        %get3A_432 = arith.index_cast %add3A_429 : i32 to index
        %get3A_433 = arith.constant 0 : index
        %get3A_434 = tpu.vector_load %arg6[%get3A_431, %get3A_432, %get3A_433] {strides = array<i32>} : memref<2x256x128xf32, #tpu.memory_space<vmem>>, vector<1x1x16xf32>,
        %get3A_435 = vector.shape_cast %get3A_434 : vector<1x1x16xf32> to vector<16xf32>
        %add3A_436 = arith.addf %add3A_427, %get3A_435 : vector<16xf32>
        %add3A_437 = arith.constant 4 : i32
        %add3A_438 = arith.addi %add3A_403, %add3A_437 : i32
        %get3A_439 = arith.constant 1 : i32
        %get3A_440 = arith.index_cast %get3A_439 : i32 to index
        %get3A_441 = arith.index_cast %add3A_438 : i32 to index
        %get3A_442 = arith.constant 0 : index
        %get3A_443 = tpu.vector_load %arg6[%get3A_440, %get3A_441, %get3A_442] {strides = array<i32>} : memref<2x256x128xf32, #tpu.memory_space<vmem>>, vector<1x1x16xf32>,
        %get3A_444 = vector.shape_cast %get3A_443 : vector<1x1x16xf32> to vector<16xf32>
        %add3A_445 = arith.addf %add3A_436, %get3A_444 : vector<16xf32>
        %mul3A_446 = arith.constant 2.000000e-01 : f32
        %mul3A_447 = vector.broadcast %mul3A_446 : f32 to vector<16xf32>
        %mul3A_448 = arith.mulf %add3A_445, %mul3A_447 : vector<16xf32>
        %swap3A_449 = arith.index_cast %scan3A_399 : i32 to index
        %swap3A_450 = arith.constant 0 : index
        %swap3A_451 = tpu.vector_load %arg7[%swap3A_449, %swap3A_450] {strides = array<i32>} : memref<50x64xf32, #tpu.memory_space<vmem>>, vector<1x16xf32>,
        %swap3A_452 = vector.shape_cast %swap3A_451 : vector<1x16xf32> to vector<16xf32>
        %swap3A_453 = vector.shape_cast %mul3A_448 : vector<16xf32> to vector<1x16xf32>
        tpu.vector_store %arg7[%swap3A_449, %swap3A_450], %swap3A_453 {strides = array<i32>} : memref<50x64xf32, #tpu.memory_space<vmem>>, vector<1x16xf32>,
        %get3A_454 = arith.constant 1 : i32
        %get3A_455 = arith.index_cast %get3A_454 : i32 to index
        %get3A_456 = arith.index_cast %add3A_403 : i32 to index
        %get3A_457 = arith.constant 16 : index
        %get3A_458 = tpu.vector_load %arg6[%get3A_455, %get3A_456, %get3A_457] {strides = array<i32>} : memref<2x256x128xf32, #tpu.memory_space<vmem>>, vector<1x1x16xf32>,
        %get3A_459 = vector.shape_cast %get3A_458 : vector<1x1x16xf32> to vector<16xf32>
        %add3A_460 = arith.constant 1 : i32
        %add3A_461 = arith.addi %add3A_403, %add3A_460 : i32
        %get3A_462 = arith.constant 1 : i32
        %get3A_463 = arith.index_cast %get3A_462 : i32 to index
        %get3A_464 = arith.index_cast %add3A_461 : i32 to index
        %get3A_465 = arith.constant 16 : index
        %get3A_466 = tpu.vector_load %arg6[%get3A_463, %get3A_464, %get3A_465] {strides = array<i32>} : memref<2x256x128xf32, #tpu.memory_space<vmem>>, vector<1x1x16xf32>,
        %get3A_467 = vector.shape_cast %get3A_466 : vector<1x1x16xf32> to vector<16xf32>
        %add3A_468 = arith.addf %get3A_459, %get3A_467 : vector<16xf32>
        %add3A_469 = arith.constant 2 : i32
        %add3A_470 = arith.addi %add3A_403, %add3A_469 : i32
        %get3A_471 = arith.constant 1 : i32
        %get3A_472 = arith.index_cast %get3A_471 : i32 to index
        %get3A_473 = arith.index_cast %add3A_470 : i32 to index
        %get3A_474 = arith.constant 16 : index
        %get3A_475 = tpu.vector_load %arg6[%get3A_472, %get3A_473, %get3A_474] {strides = array<i32>} : memref<2x256x128xf32, #tpu.memory_space<vmem>>, vector<1x1x16xf32>,
        %get3A_476 = vector.shape_cast %get3A_475 : vector<1x1x16xf32> to vector<16xf32>
        %add3A_477 = arith.addf %add3A_468, %get3A_476 : vector<16xf32>
        %add3A_478 = arith.constant 3 : i32
        %add3A_479 = arith.addi %add3A_403, %add3A_478 : i32
        %get3A_480 = arith.constant 1 : i32
        %get3A_481 = arith.index_cast %get3A_480 : i32 to index
        %get3A_482 = arith.index_cast %add3A_479 : i32 to index
        %get3A_483 = arith.constant 16 : index
        %get3A_484 = tpu.vector_load %arg6[%get3A_481, %get3A_482, %get3A_483] {strides = array<i32>} : memref<2x256x128xf32, #tpu.memory_space<vmem>>, vector<1x1x16xf32>,
        %get3A_485 = vector.shape_cast %get3A_484 : vector<1x1x16xf32> to vector<16xf32>
        %add3A_486 = arith.addf %add3A_477, %get3A_485 : vector<16xf32>
        %add3A_487 = arith.constant 4 : i32
        %add3A_488 = arith.addi %add3A_403, %add3A_487 : i32
        %get3A_489 = arith.constant 1 : i32
        %get3A_490 = arith.index_cast %get3A_489 : i32 to index
        %get3A_491 = arith.index_cast %add3A_488 : i32 to index
        %get3A_492 = arith.constant 16 : index
        %get3A_493 = tpu.vector_load %arg6[%get3A_490, %get3A_491, %get3A_492] {strides = array<i32>} : memref<2x256x128xf32, #tpu.memory_space<vmem>>, vector<1x1x16xf32>,
        %get3A_494 = vector.shape_cast %get3A_493 : vector<1x1x16xf32> to vector<16xf32>
        %add3A_495 = arith.addf %add3A_486, %get3A_494 : vector<16xf32>
        %mul3A_496 = arith.constant 2.000000e-01 : f32
        %mul3A_497 = vector.broadcast %mul3A_496 : f32 to vector<16xf32>
        %mul3A_498 = arith.mulf %add3A_495, %mul3A_497 : vector<16xf32>
        %swap3A_499 = arith.index_cast %scan3A_399 : i32 to index
        %swap3A_500 = arith.constant 16 : index
        %swap3A_501 = tpu.vector_load %arg7[%swap3A_499, %swap3A_500] {strides = array<i32>} : memref<50x64xf32, #tpu.memory_space<vmem>>, vector<1x16xf32>,
        %swap3A_502 = vector.shape_cast %swap3A_501 : vector<1x16xf32> to vector<16xf32>
        %swap3A_503 = vector.shape_cast %mul3A_498 : vector<16xf32> to vector<1x16xf32>
        tpu.vector_store %arg7[%swap3A_499, %swap3A_500], %swap3A_503 {strides = array<i32>} : memref<50x64xf32, #tpu.memory_space<vmem>>, vector<1x16xf32>,
        %get3A_504 = arith.constant 1 : i32
        %get3A_505 = arith.index_cast %get3A_504 : i32 to index
        %get3A_506 = arith.index_cast %add3A_403 : i32 to index
        %get3A_507 = arith.constant 32 : index
        %get3A_508 = tpu.vector_load %arg6[%get3A_505, %get3A_506, %get3A_507] {strides = array<i32>} : memref<2x256x128xf32, #tpu.memory_space<vmem>>, vector<1x1x16xf32>,
        %get3A_509 = vector.shape_cast %get3A_508 : vector<1x1x16xf32> to vector<16xf32>
        %add3A_510 = arith.constant 1 : i32
        %add3A_511 = arith.addi %add3A_403, %add3A_510 : i32
        %get3A_512 = arith.constant 1 : i32
        %get3A_513 = arith.index_cast %get3A_512 : i32 to index
        %get3A_514 = arith.index_cast %add3A_511 : i32 to index
        %get3A_515 = arith.constant 32 : index
        %get3A_516 = tpu.vector_load %arg6[%get3A_513, %get3A_514, %get3A_515] {strides = array<i32>} : memref<2x256x128xf32, #tpu.memory_space<vmem>>, vector<1x1x16xf32>,
        %get3A_517 = vector.shape_cast %get3A_516 : vector<1x1x16xf32> to vector<16xf32>
        %add3A_518 = arith.addf %get3A_509, %get3A_517 : vector<16xf32>
        %add3A_519 = arith.constant 2 : i32
        %add3A_520 = arith.addi %add3A_403, %add3A_519 : i32
        %get3A_521 = arith.constant 1 : i32
        %get3A_522 = arith.index_cast %get3A_521 : i32 to index
        %get3A_523 = arith.index_cast %add3A_520 : i32 to index
        %get3A_524 = arith.constant 32 : index
        %get3A_525 = tpu.vector_load %arg6[%get3A_522, %get3A_523, %get3A_524] {strides = array<i32>} : memref<2x256x128xf32, #tpu.memory_space<vmem>>, vector<1x1x16xf32>,
        %get3A_526 = vector.shape_cast %get3A_525 : vector<1x1x16xf32> to vector<16xf32>
        %add3A_527 = arith.addf %add3A_518, %get3A_526 : vector<16xf32>
        %add3A_528 = arith.constant 3 : i32
        %add3A_529 = arith.addi %add3A_403, %add3A_528 : i32
        %get3A_530 = arith.constant 1 : i32
        %get3A_531 = arith.index_cast %get3A_530 : i32 to index
        %get3A_532 = arith.index_cast %add3A_529 : i32 to index
        %get3A_533 = arith.constant 32 : index
        %get3A_534 = tpu.vector_load %arg6[%get3A_531, %get3A_532, %get3A_533] {strides = array<i32>} : memref<2x256x128xf32, #tpu.memory_space<vmem>>, vector<1x1x16xf32>,
        %get3A_535 = vector.shape_cast %get3A_534 : vector<1x1x16xf32> to vector<16xf32>
        %add3A_536 = arith.addf %add3A_527, %get3A_535 : vector<16xf32>
        %add3A_537 = arith.constant 4 : i32
        %add3A_538 = arith.addi %add3A_403, %add3A_537 : i32
        %get3A_539 = arith.constant 1 : i32
        %get3A_540 = arith.index_cast %get3A_539 : i32 to index
        %get3A_541 = arith.index_cast %add3A_538 : i32 to index
        %get3A_542 = arith.constant 32 : index
        %get3A_543 = tpu.vector_load %arg6[%get3A_540, %get3A_541, %get3A_542] {strides = array<i32>} : memref<2x256x128xf32, #tpu.memory_space<vmem>>, vector<1x1x16xf32>,
        %get3A_544 = vector.shape_cast %get3A_543 : vector<1x1x16xf32> to vector<16xf32>
        %add3A_545 = arith.addf %add3A_536, %get3A_544 : vector<16xf32>
        %mul3A_546 = arith.constant 2.000000e-01 : f32
        %mul3A_547 = vector.broadcast %mul3A_546 : f32 to vector<16xf32>
        %mul3A_548 = arith.mulf %add3A_545, %mul3A_547 : vector<16xf32>
        %swap3A_549 = arith.index_cast %scan3A_399 : i32 to index
        %swap3A_550 = arith.constant 32 : index
        %swap3A_551 = tpu.vector_load %arg7[%swap3A_549, %swap3A_550] {strides = array<i32>} : memref<50x64xf32, #tpu.memory_space<vmem>>, vector<1x16xf32>,
        %swap3A_552 = vector.shape_cast %swap3A_551 : vector<1x16xf32> to vector<16xf32>
        %swap3A_553 = vector.shape_cast %mul3A_548 : vector<16xf32> to vector<1x16xf32>
        tpu.vector_store %arg7[%swap3A_549, %swap3A_550], %swap3A_553 {strides = array<i32>} : memref<50x64xf32, #tpu.memory_space<vmem>>, vector<1x16xf32>,
        %get3A_554 = arith.constant 1 : i32
        %get3A_555 = arith.index_cast %get3A_554 : i32 to index
        %get3A_556 = arith.index_cast %add3A_403 : i32 to index
        %get3A_557 = arith.constant 48 : index
        %get3A_558 = tpu.vector_load %arg6[%get3A_555, %get3A_556, %get3A_557] {strides = array<i32>} : memref<2x256x128xf32, #tpu.memory_space<vmem>>, vector<1x1x16xf32>,
        %get3A_559 = vector.shape_cast %get3A_558 : vector<1x1x16xf32> to vector<16xf32>
        %add3A_560 = arith.constant 1 : i32
        %add3A_561 = arith.addi %add3A_403, %add3A_560 : i32
        %get3A_562 = arith.constant 1 : i32
        %get3A_563 = arith.index_cast %get3A_562 : i32 to index
        %get3A_564 = arith.index_cast %add3A_561 : i32 to index
        %get3A_565 = arith.constant 48 : index
        %get3A_566 = tpu.vector_load %arg6[%get3A_563, %get3A_564, %get3A_565] {strides = array<i32>} : memref<2x256x128xf32, #tpu.memory_space<vmem>>, vector<1x1x16xf32>,
        %get3A_567 = vector.shape_cast %get3A_566 : vector<1x1x16xf32> to vector<16xf32>
        %add3A_568 = arith.addf %get3A_559, %get3A_567 : vector<16xf32>
        %add3A_569 = arith.constant 2 : i32
        %add3A_570 = arith.addi %add3A_403, %add3A_569 : i32
        %get3A_571 = arith.constant 1 : i32
        %get3A_572 = arith.index_cast %get3A_571 : i32 to index
        %get3A_573 = arith.index_cast %add3A_570 : i32 to index
        %get3A_574 = arith.constant 48 : index
        %get3A_575 = tpu.vector_load %arg6[%get3A_572, %get3A_573, %get3A_574] {strides = array<i32>} : memref<2x256x128xf32, #tpu.memory_space<vmem>>, vector<1x1x16xf32>,
        %get3A_576 = vector.shape_cast %get3A_575 : vector<1x1x16xf32> to vector<16xf32>
        %add3A_577 = arith.addf %add3A_568, %get3A_576 : vector<16xf32>
        %add3A_578 = arith.constant 3 : i32
        %add3A_579 = arith.addi %add3A_403, %add3A_578 : i32
        %get3A_580 = arith.constant 1 : i32
        %get3A_581 = arith.index_cast %get3A_580 : i32 to index
        %get3A_582 = arith.index_cast %add3A_579 : i32 to index
        %get3A_583 = arith.constant 48 : index
        %get3A_584 = tpu.vector_load %arg6[%get3A_581, %get3A_582, %get3A_583] {strides = array<i32>} : memref<2x256x128xf32, #tpu.memory_space<vmem>>, vector<1x1x16xf32>,
        %get3A_585 = vector.shape_cast %get3A_584 : vector<1x1x16xf32> to vector<16xf32>
        %add3A_586 = arith.addf %add3A_577, %get3A_585 : vector<16xf32>
        %add3A_587 = arith.constant 4 : i32
        %add3A_588 = arith.addi %add3A_403, %add3A_587 : i32
        %get3A_589 = arith.constant 1 : i32
        %get3A_590 = arith.index_cast %get3A_589 : i32 to index
        %get3A_591 = arith.index_cast %add3A_588 : i32 to index
        %get3A_592 = arith.constant 48 : index
        %get3A_593 = tpu.vector_load %arg6[%get3A_590, %get3A_591, %get3A_592] {strides = array<i32>} : memref<2x256x128xf32, #tpu.memory_space<vmem>>, vector<1x1x16xf32>,
        %get3A_594 = vector.shape_cast %get3A_593 : vector<1x1x16xf32> to vector<16xf32>
        %add3A_595 = arith.addf %add3A_586, %get3A_594 : vector<16xf32>
        %mul3A_596 = arith.constant 2.000000e-01 : f32
        %mul3A_597 = vector.broadcast %mul3A_596 : f32 to vector<16xf32>
        %mul3A_598 = arith.mulf %add3A_595, %mul3A_597 : vector<16xf32>
        %swap3A_599 = arith.index_cast %scan3A_399 : i32 to index
        %swap3A_600 = arith.constant 48 : index
        %swap3A_601 = tpu.vector_load %arg7[%swap3A_599, %swap3A_600] {strides = array<i32>} : memref<50x64xf32, #tpu.memory_space<vmem>>, vector<1x16xf32>,
        %swap3A_602 = vector.shape_cast %swap3A_601 : vector<1x16xf32> to vector<16xf32>
        %swap3A_603 = vector.shape_cast %mul3A_598 : vector<16xf32> to vector<1x16xf32>
        tpu.vector_store %arg7[%swap3A_599, %swap3A_600], %swap3A_603 {strides = array<i32>} : memref<50x64xf32, #tpu.memory_space<vmem>>, vector<1x16xf32>,
      }
      %scan3A_186 = arith.constant 50 : i32
      %add3A_187 = arith.addi %mul3A_2, %add3A_165 : i32
      "tpu.region"() ({
        %run_scoped3A_195 = tpu.sem_alloc : memref<!tpu.dma_semaphore, #tpu.memory_space<semaphore_mem>>
        %dma_start3A_196 = arith.constant 0 : i32
        %dma_start3A_197 = arith.constant 0 : i32
        %dma_start3A_198 = tpu.memref_slice %arg4[%add3A_187, %dma_start3A_196, %dma_start3A_197] : memref<4096x50x64xf32, #tpu.memory_space<hbm>> -> memref<1x50x64xf32, #tpu.memory_space<hbm>>
        %dma_start3A_199 = tpu.memref_squeeze %dma_start3A_198 : memref<1x50x64xf32, #tpu.memory_space<hbm>> -> memref<50x64xf32, #tpu.memory_space<hbm>>
        %dma_start3A_200 = arith.constant 0 : i32
        %dma_start3A_201 = arith.constant 0 : i32
        %dma_start3A_202 = tpu.memref_slice %arg4[%add3A_187, %dma_start3A_200, %dma_start3A_201] : memref<4096x50x64xf32, #tpu.memory_space<hbm>> -> memref<1x50x64xf32, #tpu.memory_space<hbm>>
        %dma_start3A_203 = tpu.memref_squeeze %dma_start3A_202 : memref<1x50x64xf32, #tpu.memory_space<hbm>> -> memref<50x64xf32, #tpu.memory_space<hbm>>
        tpu.enqueue_dma source(%arg7 : memref<50x64xf32, #tpu.memory_space<vmem>>) target(%dma_start3A_203 : memref<50x64xf32, #tpu.memory_space<hbm>>) target_semaphore(%run_scoped3A_195 : memref<!tpu.dma_semaphore, #tpu.memory_space<semaphore_mem>>)
        %dma_wait3A_204 = arith.constant 0 : i32
        %dma_wait3A_205 = arith.constant 0 : i32
        %dma_wait3A_206 = tpu.memref_slice %arg4[%add3A_187, %dma_wait3A_204, %dma_wait3A_205] : memref<4096x50x64xf32, #tpu.memory_space<hbm>> -> memref<1x50x64xf32, #tpu.memory_space<hbm>>
        %dma_wait3A_207 = tpu.memref_squeeze %dma_wait3A_206 : memref<1x50x64xf32, #tpu.memory_space<hbm>> -> memref<50x64xf32, #tpu.memory_space<hbm>>
        %dma_wait3A_208 = arith.constant 0 : i32
        %dma_wait3A_209 = arith.constant 0 : i32
        %dma_wait3A_210 = tpu.memref_slice %arg4[%add3A_187, %dma_wait3A_208, %dma_wait3A_209] : memref<4096x50x64xf32, #tpu.memory_space<hbm>> -> memref<1x50x64xf32, #tpu.memory_space<hbm>>
        %dma_wait3A_211 = tpu.memref_squeeze %dma_wait3A_210 : memref<1x50x64xf32, #tpu.memory_space<hbm>> -> memref<50x64xf32, #tpu.memory_space<hbm>>
        tpu.wait_dma2 semaphore(%run_scoped3A_195 : memref<!tpu.dma_semaphore, #tpu.memory_space<semaphore_mem>>) src(%arg7 : memref<50x64xf32, #tpu.memory_space<vmem>>) dst(%dma_wait3A_211 : memref<50x64xf32, #tpu.memory_space<hbm>>)
        tpu.yield
      }) : () -> ()
      %add3A_188 = arith.constant 2 : i32
      %add3A_189 = arith.addi %add3A_165, %add3A_188 : i32
      %lt3A_190 = arith.constant 128 : i32
      %lt3A_191 = arith.cmpi slt, %add3A_189, %lt3A_190 : i32
      %convert_element_type3A_192 = arith.extui %lt3A_191 : i1 to i32
      %cond3A_193 = arith.constant 0 : i32
      %cond3A_194 = arith.cmpi ne, %convert_element_type3A_192, %cond3A_193 : i32
      scf.if %cond3A_194 {
        %dma_start3A_195 = arith.constant 1 : i32
        %dma_start3A_196 = arith.constant 0 : i32
        %dma_start3A_197 = arith.constant 0 : i32
        %dma_start3A_198 = tpu.memref_slice %arg6[%dma_start3A_195, %dma_start3A_196, %dma_start3A_197] : memref<2x256x128xf32, #tpu.memory_space<vmem>> -> memref<1x128x128xf32, #tpu.memory_space<vmem>>
        %dma_start3A_199 = tpu.memref_squeeze %dma_start3A_198 : memref<1x128x128xf32, #tpu.memory_space<vmem>> -> memref<128x128xf32, #tpu.memory_space<vmem>>
        %dma_start3A_200 = arith.constant 248 : i32
        %dma_start3A_201 = tpu.memref_slice %arg5[%and3A_66, %dma_start3A_200] : memref<2x1000xi32, #tpu.memory_space<vmem>> -> memref<1x128xi32, #tpu.memory_space<vmem>>
        %dma_start3A_202 = tpu.memref_squeeze %dma_start3A_201 : memref<1x128xi32, #tpu.memory_space<vmem>> -> memref<128xi32, #tpu.memory_space<vmem>>
        %dma_start3A_203 = arith.constant 0 : i32
        %dma_start3A_204 = arith.constant 0 : i32
        %dma_start3A_205 = tpu.memref_slice %arg3[%dma_start3A_203, %dma_start3A_204] : memref<1000000x128xf32, #tpu.memory_space<hbm>> -> memref<1000000x128xf32, #tpu.memory_space<hbm>>
        tpu.enqueue_indirect_dma source(%dma_start3A_205 : memref<1000000x128xf32, #tpu.memory_space<hbm>>) target(%dma_start3A_199 : memref<128x128xf32, #tpu.memory_space<vmem>>) offsets(%dma_start3A_202 : memref<128xi32, #tpu.memory_space<vmem>>) semaphore(%arg9 : memref<!tpu.dma_semaphore, #tpu.memory_space<semaphore_mem>>)
        %dma_start3A_206 = arith.constant 1 : i32
        %dma_start3A_207 = arith.constant 128 : i32
        %dma_start3A_208 = arith.constant 0 : i32
        %dma_start3A_209 = tpu.memref_slice %arg6[%dma_start3A_206, %dma_start3A_207, %dma_start3A_208] : memref<2x256x128xf32, #tpu.memory_space<vmem>> -> memref<1x128x128xf32, #tpu.memory_space<vmem>>
        %dma_start3A_210 = tpu.memref_squeeze %dma_start3A_209 : memref<1x128x128xf32, #tpu.memory_space<vmem>> -> memref<128x128xf32, #tpu.memory_space<vmem>>
        %dma_start3A_211 = arith.constant 376 : i32
        %dma_start3A_212 = tpu.memref_slice %arg5[%and3A_66, %dma_start3A_211] : memref<2x1000xi32, #tpu.memory_space<vmem>> -> memref<1x128xi32, #tpu.memory_space<vmem>>
        %dma_start3A_213 = tpu.memref_squeeze %dma_start3A_212 : memref<1x128xi32, #tpu.memory_space<vmem>> -> memref<128xi32, #tpu.memory_space<vmem>>
        %dma_start3A_214 = arith.constant 0 : i32
        %dma_start3A_215 = arith.constant 0 : i32
        %dma_start3A_216 = tpu.memref_slice %arg3[%dma_start3A_214, %dma_start3A_215] : memref<1000000x128xf32, #tpu.memory_space<hbm>> -> memref<1000000x128xf32, #tpu.memory_space<hbm>>
        tpu.enqueue_indirect_dma source(%dma_start3A_216 : memref<1000000x128xf32, #tpu.memory_space<hbm>>) target(%dma_start3A_210 : memref<128x128xf32, #tpu.memory_space<vmem>>) offsets(%dma_start3A_213 : memref<128xi32, #tpu.memory_space<vmem>>) semaphore(%arg9 : memref<!tpu.dma_semaphore, #tpu.memory_space<semaphore_mem>>)
      } else {
      }
    }
    %scan3A_60 = arith.constant 32 : i32
    return
  }
}

</mosaic_0001>

<sc_bundles>
// kernel: kernel.3.cloned.1.call-start
scs
__scs_entry_jumppad:
0x0: {  	(pc) =	sbr.rel $0x88, $3  }
0x1: {  	(tag) =	ssettag $0x0;
	lr =	simm.s32 $0x1  }
0x2: {  	[smem:$0x3F9F] =	sst lr;
	_ =	strace $0xD0000000  }
0x3: {  	_ = 	snop  }
0x4: {  	_ = 	snop  }
0x5: {  	_ = 	snop  }
0x6: {  	_ = 	snop  }
0x7: {  	_ = 	snop  }
__scs_overlays_trampoline_lowered:
0x8: {  	[smem:$0x3FAE] =	sst s0  }
0x9: {  	[smem:$0x3FAF] =	sst s1  }
0xa: {  	[smem:$0x3FB0] =	sst s2  }
0xb: {  	[smem:$0x3FB1] =	sst s3  }
0xc: {  	[smem:$0x3FB2] =	sst s4  }
0xd: {  	[smem:$0x3FB3] =	sst s5  }
0xe: {  	[smem:$0x3FB4] =	sst s6  }
0xf: {  	[smem:$0x3FB5] =	sst s7  }
0x10: {  	[smem:$0x3FB6] =	sst s8  }
0x11: {  	[smem:$0x3FB7] =	sst s9;
	s0 =	simm.s32 @!p0 $0x0  }
0x12: {  	s1 =	sld [smem:$0x3F9D];
	s0 =	simm.s32 @p0 $0x1  }
0x13: {  	[smem:$0x3FB8] =	sst s0;
	s0 =	simm.s32 @!p1 $0x0  }
0x14: {  	s2 =	sld [smem:$0x3F9C];
	s0 =	simm.s32 @p1 $0x1  }
0x15: {  	[smem:$0x3FB9] =	sst s0;
	s0 =	simm.s32 @!p2 $0x0  }
0x16: {  	s3 =	sld [smem:$0x3FDB];
	s0 =	simm.s32 @p2 $0x1  }
0x17: {  	s4 =	simm.s32 $0x1BF5;
	[smem:$0x3FBB] =	sst s0  }
0x18: {  	s0 =	sld [smem:$0x3F9E];
	_ =	swait.ge [sflag:s4], $0x0  }
0x19: {  	s7 =	sld [smem:$0x3F9F]  }
0x1a: {  	s8 =	sadd.s32 $0xFFFFE003, lr  }
0x1b: {  	s9 =	sadd.s32 $0xFFFFFEF7, lr;
	s5 =	simm.s32 $0xFFFFFFFF;
	p2 =	slt.u32 s8, $0xFFFFF086  }
0x1c: {  	p1 =	slt.u32 s9, $0xF7A;
	s5 =	simm.s32 @!p2 $0x0  }
0x1d: {  	s5 =	simm.s32 @p1 $0x1;
	p0 =	seq.s32 s7, s2  }
0x1e: {  	s7 =	smul.u32 @!p0 $0xF7A, s2;
	p2 =	seq.s32 @!p0 s5, $0x0  }
0x1f: {  	s9 =	smul.u32 $0xF7A, s1;
	s8 =	simm.s32 @!p0 $0x1BF5;
	p2 =	por !p2, p0  }
0x20: {  	[sflag:s8] =	ssyncset.s32 @!p0 $0xFFFFF086;
	s6 =	sadd.s32 @!p0 s3, s7;
	s7 =	simm.s32 @!p0 $0x108  }
0x21: {  	s3 =	sadd.s32 s3, s9;
	s6 =	sadd.s32 @!p0 $0x88, s6;
	s7 =	simm.s32 @p2 $0x1082  }
0x22: {  	[simem:s7], [sflag:s8] =	dma.local @!p0 [hbm:s6], $0xF7A  }
0x23: {  	s9 =	sor.u32 $0xD0000000, s2;
	s6 =	simm.s32 $0x108;
	_ =	swait.ge @!p0 [sflag:s8], $0x0  }
0x24: {  	s3 =	sadd.s32 $0x88, s3;
	s6 =	simm.s32 @!p1 $0x1082;
	[sflag:s4] =	ssyncset.s32 $0xFFFFF086  }
0x25: {  	[simem:s6], [sflag:s4] =	dma.local [hbm:s3], $0xF7A  }
0x26: {  	[smem:$0x3F9F] =	sst s1;
	(tag) =	ssettag s2;
	_ =	strace s9  }
0x27: {  	s1 =	sld [smem:$0x3FAF]  }
0x28: {  	s2 =	sld [smem:$0x3FB0]  }
0x29: {  	s4 =	sld [smem:$0x3FB2]  }
0x2a: {  	p0 =	seq.s32 s5, $0x0;
	s5 =	sld [smem:$0x3FB3]  }
0x2b: {  	s6 =	sld [smem:$0x3FB4]  }
0x2c: {  	s7 =	sld [smem:$0x3FB5]  }
0x2d: {  	s3 =	simm.s32 $0x108;
	s8 =	sld [smem:$0x3FB6]  }
0x2e: {  	s3 =	simm.s32 @!p0 $0x1082;
	s9 =	sld [smem:$0x3FB7]  }
0x2f: {  	lr =	sadd.s32 s0, s3;
	s0 =	sld [smem:$0x3FAE]  }
0x30: {  	s3 =	sld [smem:$0x3FB1]  }
0x31: {  	[smem:$0x3FBA] =	sst s10  }
0x32: {  	s10 =	sld [smem:$0x3FB8];
	_ =	sdelay $0x3  }
0x33: {  	p0 =	seq.s32 s10, $0x1;
	s10 =	sld [smem:$0x3FBA];
	_ =	sdelay $0x3  }
0x34: {  	[smem:$0x3FBA] =	sst s10  }
0x35: {  	s10 =	sld [smem:$0x3FB9];
	_ =	sdelay $0x3  }
0x36: {  	p1 =	seq.s32 s10, $0x1;
	s10 =	sld [smem:$0x3FBA];
	_ =	sdelay $0x3  }
0x37: {  	[smem:$0x3FBA] =	sst s10  }
0x38: {  	s10 =	sld [smem:$0x3FBB]  }
0x39: {  	_ = 	snop;
	(pc) =	sbr.ind lr, $3  }
0x3a: {  	_ = 	snop  }
0x3b: {  	_ = 	snop  }
0x3c: {  	p2 =	seq.s32 s10, $0x1;
	s10 =	sld [smem:$0x3FBA]  }
0x3d: {  	_ =	shalt  }
0x3e: {  	_ =	shalt  }
0x3f: {  	_ =	shalt  }
0x40: {  	_ =	shalt  }
0x41: {  	_ =	shalt  }
0x42: {  	_ =	shalt  }
0x43: {  	_ =	shalt  }
0x44: {  	_ =	shalt  }
0x45: {  	_ =	shalt  }
0x46: {  	_ =	shalt  }
0x47: {  	_ =	shalt  }
0x48: {  	_ =	shalt  }
0x49: {  	_ =	shalt  }
0x4a: {  	_ =	shalt  }
0x4b: {  	_ =	shalt  }
0x4c: {  	_ =	shalt  }
0x4d: {  	_ =	shalt  }
0x4e: {  	_ =	shalt  }
0x4f: {  	_ =	shalt  }
0x50: {  	_ =	shalt  }
0x51: {  	_ =	shalt  }
0x52: {  	_ =	shalt  }
0x53: {  	_ =	shalt  }
0x54: {  	_ =	shalt  }
0x55: {  	_ =	shalt  }
0x56: {  	_ =	shalt  }
0x57: {  	_ =	shalt  }
0x58: {  	_ =	shalt  }
0x59: {  	_ =	shalt  }
0x5a: {  	_ =	shalt  }
0x5b: {  	_ =	shalt  }
0x5c: {  	_ =	shalt  }
0x5d: {  	_ =	shalt  }
0x5e: {  	_ =	shalt  }
0x5f: {  	_ =	shalt  }
0x60: {  	_ =	shalt  }
0x61: {  	_ =	shalt  }
0x62: {  	_ =	shalt  }
0x63: {  	_ =	shalt  }
0x64: {  	_ =	shalt  }
0x65: {  	_ =	shalt  }
0x66: {  	_ =	shalt  }
0x67: {  	_ =	shalt  }
0x68: {  	_ =	shalt  }
0x69: {  	_ =	shalt  }
0x6a: {  	_ =	shalt  }
0x6b: {  	_ =	shalt  }
0x6c: {  	_ =	shalt  }
0x6d: {  	_ =	shalt  }
0x6e: {  	_ =	shalt  }
0x6f: {  	_ =	shalt  }
0x70: {  	_ =	shalt  }
0x71: {  	_ =	shalt  }
0x72: {  	_ =	shalt  }
0x73: {  	_ =	shalt  }
0x74: {  	_ =	shalt  }
0x75: {  	_ =	shalt  }
0x76: {  	_ =	shalt  }
0x77: {  	_ =	shalt  }
0x78: {  	_ =	shalt  }
0x79: {  	_ =	shalt  }
0x7a: {  	_ =	shalt  }
0x7b: {  	_ =	shalt  }
0x7c: {  	_ =	shalt  }
0x7d: {  	_ =	shalt  }
0x7e: {  	_ =	shalt  }
0x7f: {  	_ =	shalt  }
0x80: {  	_ =	shalt  }
0x81: {  	_ =	shalt  }
0x82: {  	_ =	shalt  }
0x83: {  	_ =	shalt  }
0x84: {  	_ =	shalt  }
0x85: {  	_ =	shalt  }
0x86: {  	_ =	shalt  }
0x87: {  	_ =	shalt  }
.Lfunc_end0:
.L_simem_size_0:
called_computation.1_lowered:
.L_overlay_start_0:
0x88: {  	s2 =	sld [smem:$0x3FD9]  }
0x89: {  	s3 =	sld [smem:$0x3FFE];
	_ =	sdelay $0x1  }
0x8a: {  	s1 =	srdreg.scid  }
0x8b: {  	s0 =	sand.u32 $0x1, s1  }
0x8c: {  	s17 =	sshll.u32 s0, $0xA;
	s2 =	sadd.s32 s3, s2  }
0x8d: {  	s2 =	sadd.s32 s2, s17  }
0x8e: {  	[smem:$0x3FC6] =	sst s2  }
0x8f: {  	_ = 	snop  }
0x90: {  	s2 =	sld [smem:$0x3FD0];
	(tm) =	ssettm $0x1  }
0x91: {  	s18 =	sld [smem:$0x3FFB];
	_ =	sdelay $0x3  }
0x92: {  	_ =	strace s18  }
0x93: {  	s3 =	sld [smem:$0x3FFC];
	_ =	sdelay $0x3  }
0x94: {  	_ =	strace s3  }
0x95: {  	s3 =	sld [smem:$0x3FFD];
	_ =	sdelay $0x3  }
0x96: {  	_ =	strace s3  }
0x97: {  	_ =	strace $0x8FFFFFFF  }
0x98: {  	s19 =	sld [smem:$0x3FDB];
	_ =	sdelay $0x1  }
0x99: {  	s4 =	simm.s32 $_scs_section_size  }
0x9a: {  	s5 =	simm.s32 $_size__tile_overlayer_lowered;
	s6 =	simm.s32 $_tile_overlayer_lowered  }
0x9b: {  	s22 =	simm.s32 $0x1BFF;
	s21 =	sshll.u32 s6, $0x1;
	s3 =	sadd.s32 s4, s19  }
0x9c: {  	s7 =	simm.s32 $0x0;
	s20 =	sshll.u32 s5, $0x1;
	s5 =	sadd.s32 s21, s3  }
0x9d: {  	[timem:s7], [sflag:s22] =	dma.local [hbm:s5], s20  }
0x9e: {  	_ =	swait.ge [sflag:s22], s20  }
0x9f: {  	s4 =	ssub.s32 $0x0, s20;
	[sflag:s22] =	ssyncset.done $0x0  }
0xa0: {  	[sflag:s22] =	ssyncadd.s32 s4;
	_ =	sdelay $0x1  }
0xa1: {  	s23 =	simm.s32 $0x1B8B  }
0xa2: {  	_ =	swait.ge [sflag:s23], $0x1  }
0xa3: {  	[sflag:s23] =	ssyncset.done $0x0  }
0xa4: {  	s25 =	simm.s32 $0x1B8E;
	s24 =	sld [smem:$0x3FFE];
	[sflag:s23] =	ssyncadd.s32 $0xFFFFFFFF  }
0xa5: {  	s26 =	simm.s32 $execute0_lowered;
	[smem:$0x3FD2] =	sst s25  }
0xa6: {  	s5 =	sshll.u32 s26, $0x1;
	_ =	strace $0x80000046;
	[dreg:$0x1] =	wrdreg $0xFFFFFFFF  }
0xa7: {  	s28 =	simm.s32 $_size_execute0_lowered;
	s3 =	sadd.s32 s3, s5;
	[dreg:$0x0] =	wrdreg $0x0  }
0xa8: {  	s5 =	sshll.u32 s28, $0x1;
	[dreg:$0x2] =	wrdreg s3  }
0xa9: {  	[dreg:$0x3] =	wrdreg s5  }
0xaa: {  	[dreg:$0x4] =	wrdreg $0xC0  }
0xab: {  	_ =	task [dreg:s7], $0x5FFFF  }
0xac: {  	[dreg:$0x1] =	wrdreg $0xFFFFFFFF  }
0xad: {  	[dreg:$0x0] =	wrdreg $0x60  }
0xae: {  	[dreg:$0x2] =	wrdreg s24  }
0xaf: {  	[dreg:$0x3] =	wrdreg s2  }
0xb0: {  	[dreg:$0x4] =	wrdreg $0x9  }
0xb1: {  	_ =	task.clear_ibuf [dreg:s7], $0x5FFFF;
	_ =	strace $0x90000046  }
0xb2: {  	s29 =	simm.s32 $0x9;
	_ =	strace $0x80000048  }
0xb3: {  	_ =	swait.ge [sflag:s29], $0x1  }
0xb4: {  	[sflag:s29] =	ssyncadd.s32 $0xFFFFFFFF  }
0xb5: {  	_ =	strace $0x90000048  }
0xb6: {  	_ =	sfence  }
0xb7: {  	s30 =	sld [smem:$0x0];
	_ =	sdelay $0x2  }
0xb8: {  	s31 =	sshll.u32 s1, $0xD;
	s1 =	sshrl.u32 s1, $0x2  }
0xb9: {  	s3 =	sand.u32 $0x4000, s31;
	s1 =	sadd.s32 s1, s30  }
0xba: {  	s0 =	sor.u32 s3, s0;
	s1 =	sshll.u32 s1, $0x11  }
0xbb: {  	s0 =	sor.u32 s1, s0  }
0xbc: {  	s0 =	sadd.s32 $0x8F2B, s0  }
0xbd: {  	[sflag:s0] =	ssyncadd.remote.s32 $0x1  }
0xbe: {  	_ =	sfence.sel $0xFFFF  }
0xbf: {  	[dreg:$0x0] =	wrdreg $0xFFFFFFFF;
	(pc) =	sbr.abs _section_cstart, $3  }
0xc0: {  	[dreg:$0x1] =	wrdreg $0xFFFFFFFF  }
0xc1: {  	_ =	task.clear_ibuf [dreg:s7], $0x2FFFF;
	_ =	strace $0x9FFFFFFF  }
0xc2: {  	(tm) =	ssettm $0x7FFFFFFF  }
0xc3: {  	_ =	shalt  }
tec
execute0_lowered:
.L_overlay_start_1:
0x0: {  	(tag) =	ssettag $0x1  }
0x1: {  	s6 =	rddreg [dreg:$0x0]  }
0x2: {  	s1 =	srdreg.scid;
	s0 =	stileid.u32  }
0x3: {  	s2 =	rddreg [dreg:$0x1];
	s3 =	simm.s32 $0x0;
	s10 =	simm.s32 $0x3  }
0x4: {  	s11 =	simm.s32 $0x80;
	s12 =	simm.s32 $0x7D0;
	s13 =	simm.s32 $0x47D0  }
0x5: {  	s14 =	simm.s32 $0xF8;
	s15 =	simm.s32 $0x87D0;
	s16 =	simm.s32 $0x178  }
0x6: {  	s17 =	simm.s32 $0xC7D0;
	s18 =	simm.s32 $0x1;
	s19 =	simm.s32 $0x107D0  }
0x7: {  	s20 =	simm.s32 $0x2;
	s4 =	sand.u32 $0x1, s1;
	s5 =	sshll.u32 s0, $0x1  }
0x8: {  	s21 =	simm.s32 $0x0;
	s1 =	rddreg [dreg:$0x2];
	s7 =	sor.u32 s4, s5  }
0x9: {  	[smem:$0x7FF] =	sst s3;
	s8 =	ssub.s32 $0x2, s4;
	s4 =	smul.u32 $0x7D00, s7  }
0xa: {  	_ =	strace $0x80000047;
	s5 =	sadd.s32 $0x12C2E00, s6;
	s9 =	sshrl.u32 s8, $0x1  }
0xb: {  	s6 =	sadd.s32 $0x12E2200, s6;
	s9 =	ssub.s32 s8, s9;
	s31 =	sshrl.u32 s4, $0x3  }
0xc: {  	s7 =	sshll.u32 s7, $0x7;
	s9 =	smax.u32 s9, $0x1;
	s8 =	sadd.s32 s5, s31  }
.LBB2_1:
0xd: {  	[tilespmem:s3], [sflag:$0x3] =	stream.linear.gather [hbm4b:s8+s3], $0x3E8, $0x38;
	[tilespmem:$0x11450] =	vst v63  }
0xe: {  	_ =	swait.ge [sflag:s10], $0x3E8  }
0xf: {  	[sflag:s10] =	ssyncset.done $0x0  }
0x10: {  	[sflag:s10] =	ssyncadd.s32 $0xFFFFFC18  }
0x11: {  	[tilespmem:s12], [sflag:$0x1] =	stream.indirect.gather [hbm4b:s6+s11], $0x80, s3, s11, $0xb8;
	[tilespmem:$0x11450] =	vst v63  }
0x12: {  	_ = 	snop  }
0x13: {  	[tilespmem:s13], [sflag:$0x1] =	stream.indirect.gather [hbm4b:s6+s11], $0x80, s11, s11, $0xb8;
	[tilespmem:$0x11450] =	vst v63  }
0x14: {  	_ = 	snop  }
0x15: {  	[tilespmem:s15], [sflag:$0x2] =	stream.indirect.gather [hbm4b:s6+s11], $0x80, s14, s11, $0xb8;
	[tilespmem:$0x11450] =	vst v63  }
0x16: {  	s22 =	simm.s32 $0x0  }
0x17: {  	[tilespmem:s17], [sflag:$0x2] =	stream.indirect.gather [hbm4b:s6+s11], $0x80, s16, s11, $0xb8;
	[tilespmem:$0x11450] =	vst v63  }
.LBB2_2:
0x18: {  	_ =	swait.ge [sflag:s18], $0x8000  }
0x19: {  	[sflag:s18] =	ssyncset.done $0x0  }
0x1a: {  	s23 =	simm.s32 $0xA50;
	[sflag:s18] =	ssyncadd.s32 $0xFFFF8000  }
0x1b: {  	v0 =	vld [tilespmem:s23+$0xFFFFFE00]  }
0x1c: {  	v1 =	vld [tilespmem:s23+$0xFFFFFD80];
	_ =	sdelay $0x1  }
0x1d: {  	v2 =	vld [tilespmem:s23+$0xFFFFFE80];
	_ =	sdelay $0x1  }
0x1e: {  	v3 =	vld [tilespmem:s23+$0xFFFFFF00]  }
0x1f: {  	v0 =	vadd.f32 v0, v1  }
0x20: {  	v1 =	vld [tilespmem:s23+$0xFFFFFF80]  }
0x21: {  	v0 =	vadd.f32 v2, v0;
	_ =	sdelay $0x1  }
0x22: {  	v0 =	vadd.f32 v3, v0;
	_ =	sdelay $0x1  }
0x23: {  	v0 =	vadd.f32 v1, v0;
	_ =	sdelay $0x1  }
0x24: {  	v0 =	vmul.f32 $2.000000030e-01, v0  }
0x25: {  	s24 =	simm.s32 $0x10810  }
0x26: {  	[tilespmem:s24+$0xFFFFFFC0] =	vst v0  }
0x27: {  	v0 =	vld [tilespmem:s23+$0xFFFFFD90]  }
0x28: {  	v1 =	vld [tilespmem:s23+$0xFFFFFE10];
	_ =	sdelay $0x1  }
0x29: {  	v2 =	vld [tilespmem:s23+$0xFFFFFE90];
	_ =	sdelay $0x1  }
0x2a: {  	v3 =	vld [tilespmem:s23+$0xFFFFFF10]  }
0x2b: {  	v0 =	vadd.f32 v1, v0  }
0x2c: {  	v1 =	vld [tilespmem:s23+$0xFFFFFF90]  }
0x2d: {  	v0 =	vadd.f32 v2, v0;
	_ =	sdelay $0x1  }
0x2e: {  	v0 =	vadd.f32 v3, v0;
	_ =	sdelay $0x1  }
0x2f: {  	v0 =	vadd.f32 v1, v0;
	_ =	sdelay $0x1  }
0x30: {  	v0 =	vmul.f32 $2.000000030e-01, v0;
	_ =	sdelay $0x1  }
0x31: {  	[tilespmem:s24+$0xFFFFFFD0] =	vst v0  }
0x32: {  	v0 =	vld [tilespmem:s23+$0xFFFFFDA0]  }
0x33: {  	v1 =	vld [tilespmem:s23+$0xFFFFFE20];
	_ =	sdelay $0x1  }
0x34: {  	v2 =	vld [tilespmem:s23+$0xFFFFFEA0];
	_ =	sdelay $0x1  }
0x35: {  	v3 =	vld [tilespmem:s23+$0xFFFFFF20]  }
0x36: {  	v0 =	vadd.f32 v1, v0  }
0x37: {  	v1 =	vld [tilespmem:s23+$0xFFFFFFA0]  }
0x38: {  	v0 =	vadd.f32 v2, v0;
	_ =	sdelay $0x1  }
0x39: {  	v0 =	vadd.f32 v3, v0;
	_ =	sdelay $0x1  }
0x3a: {  	v0 =	vadd.f32 v1, v0;
	_ =	sdelay $0x1  }
0x3b: {  	v0 =	vmul.f32 $2.000000030e-01, v0;
	_ =	sdelay $0x1  }
0x3c: {  	[tilespmem:s24+$0xFFFFFFE0] =	vst v0  }
0x3d: {  	v0 =	vld [tilespmem:s23+$0xFFFFFDB0]  }
0x3e: {  	v1 =	vld [tilespmem:s23+$0xFFFFFE30];
	_ =	sdelay $0x1  }
0x3f: {  	v2 =	vld [tilespmem:s23+$0xFFFFFEB0];
	_ =	sdelay $0x1  }
0x40: {  	v3 =	vld [tilespmem:s23+$0xFFFFFF30]  }
0x41: {  	v0 =	vadd.f32 v1, v0  }
0x42: {  	v1 =	vld [tilespmem:s23+$0xFFFFFFB0]  }
0x43: {  	v0 =	vadd.f32 v2, v0;
	_ =	sdelay $0x1  }
0x44: {  	v0 =	vadd.f32 v3, v0;
	_ =	sdelay $0x1  }
0x45: {  	v0 =	vadd.f32 v1, v0;
	_ =	sdelay $0x1  }
0x46: {  	v0 =	vmul.f32 $2.000000030e-01, v0;
	_ =	sdelay $0x1  }
0x47: {  	[tilespmem:s24+$0xFFFFFFF0] =	vst v0  }
0x48: {  	v0 =	vld [tilespmem:s23+$0x0]  }
0x49: {  	v1 =	vld [tilespmem:s23+$0x80];
	_ =	sdelay $0x1  }
0x4a: {  	v2 =	vld [tilespmem:s23+$0x100];
	_ =	sdelay $0x1  }
0x4b: {  	v3 =	vld [tilespmem:s23+$0x180]  }
0x4c: {  	v0 =	vadd.f32 v1, v0  }
0x4d: {  	v1 =	vld [tilespmem:s23+$0x200]  }
0x4e: {  	v0 =	vadd.f32 v2, v0;
	_ =	sdelay $0x1  }
0x4f: {  	v0 =	vadd.f32 v3, v0;
	_ =	sdelay $0x1  }
0x50: {  	v0 =	vadd.f32 v1, v0;
	_ =	sdelay $0x1  }
0x51: {  	v0 =	vmul.f32 $2.000000030e-01, v0;
	_ =	sdelay $0x1  }
0x52: {  	[tilespmem:s24+$0x0] =	vst v0  }
0x53: {  	v0 =	vld [tilespmem:s23+$0x10]  }
0x54: {  	v1 =	vld [tilespmem:s23+$0x90];
	_ =	sdelay $0x1  }
0x55: {  	v2 =	vld [tilespmem:s23+$0x110];
	_ =	sdelay $0x1  }
0x56: {  	v3 =	vld [tilespmem:s23+$0x190]  }
0x57: {  	v0 =	vadd.f32 v1, v0  }
0x58: {  	v1 =	vld [tilespmem:s23+$0x210]  }
0x59: {  	v0 =	vadd.f32 v2, v0;
	_ =	sdelay $0x1  }
0x5a: {  	v0 =	vadd.f32 v3, v0;
	_ =	sdelay $0x1  }
0x5b: {  	v0 =	vadd.f32 v1, v0;
	_ =	sdelay $0x1  }
0x5c: {  	v0 =	vmul.f32 $2.000000030e-01, v0;
	_ =	sdelay $0x1  }
0x5d: {  	[tilespmem:s24+$0x10] =	vst v0  }
0x5e: {  	v0 =	vld [tilespmem:s23+$0x20]  }
0x5f: {  	v1 =	vld [tilespmem:s23+$0xA0];
	_ =	sdelay $0x1  }
0x60: {  	v2 =	vld [tilespmem:s23+$0x120];
	_ =	sdelay $0x1  }
0x61: {  	v3 =	vld [tilespmem:s23+$0x1A0]  }
0x62: {  	v0 =	vadd.f32 v1, v0  }
0x63: {  	v1 =	vld [tilespmem:s23+$0x220]  }
0x64: {  	v0 =	vadd.f32 v2, v0;
	_ =	sdelay $0x1  }
0x65: {  	v0 =	vadd.f32 v3, v0;
	_ =	sdelay $0x1  }
0x66: {  	v0 =	vadd.f32 v1, v0;
	_ =	sdelay $0x1  }
0x67: {  	v0 =	vmul.f32 $2.000000030e-01, v0;
	_ =	sdelay $0x1  }
0x68: {  	[tilespmem:s24+$0x20] =	vst v0  }
0x69: {  	v3 =	vld [tilespmem:s23+$0x30]  }
0x6a: {  	v4 =	vld [tilespmem:s23+$0xB0];
	_ =	sdelay $0x1  }
0x6b: {  	v2 =	vld [tilespmem:s23+$0x130];
	_ =	sdelay $0x1  }
0x6c: {  	v0 =	vld [tilespmem:s23+$0x1B0]  }
0x6d: {  	s26 =	simm.s32 $0x0;
	s25 =	simm.s32 $0x10810;
	v1 =	vld [tilespmem:s23+$0x230];
	v3 =	vadd.f32 v4, v3  }
.LBB2_3:
0x6e: {  	_ = 	snop  }
0x6f: {  	s26 =	sadd.s32 $0x2, s26;
	s23 =	sadd.s32 $0x500, s23;
	s24 =	sadd.s32 $0x80, s24;
	v2 =	vadd.f32 v2, v3  }
0x70: {  	p0 =	slt.u32 s26, $0x30  }
0x71: {  	v0 =	vadd.f32 v0, v2;
	_ =	sdelay $0x1  }
0x72: {  	v0 =	vadd.f32 v1, v0;
	_ =	sdelay $0x1  }
0x73: {  	v0 =	vmul.f32 $2.000000030e-01, v0;
	_ =	sdelay $0x1  }
0x74: {  	[tilespmem:s25+$0x30] =	vst v0;
	s25 =	smov.u32 s24  }
0x75: {  	v0 =	vld [tilespmem:s23+$0xFFFFFE00]  }
0x76: {  	v1 =	vld [tilespmem:s23+$0xFFFFFD80]  }
0x77: {  	v2 =	vld [tilespmem:s23+$0xFFFFFE80];
	_ =	sdelay $0x2  }
0x78: {  	v3 =	vld [tilespmem:s23+$0xFFFFFF00]  }
0x79: {  	v0 =	vadd.f32 v0, v1  }
0x7a: {  	v1 =	vld [tilespmem:s23+$0xFFFFFF80]  }
0x7b: {  	v0 =	vadd.f32 v2, v0;
	_ =	sdelay $0x1  }
0x7c: {  	v0 =	vadd.f32 v3, v0;
	_ =	sdelay $0x1  }
0x7d: {  	v0 =	vadd.f32 v1, v0;
	_ =	sdelay $0x1  }
0x7e: {  	v0 =	vmul.f32 $2.000000030e-01, v0;
	_ =	sdelay $0x1  }
0x7f: {  	[tilespmem:s24+$0xFFFFFFC0] =	vst v0  }
0x80: {  	v0 =	vld [tilespmem:s23+$0xFFFFFD90]  }
0x81: {  	v1 =	vld [tilespmem:s23+$0xFFFFFE10];
	_ =	sdelay $0x1  }
0x82: {  	v2 =	vld [tilespmem:s23+$0xFFFFFE90];
	_ =	sdelay $0x1  }
0x83: {  	v3 =	vld [tilespmem:s23+$0xFFFFFF10]  }
0x84: {  	v0 =	vadd.f32 v1, v0  }
0x85: {  	v1 =	vld [tilespmem:s23+$0xFFFFFF90]  }
0x86: {  	v0 =	vadd.f32 v2, v0;
	_ =	sdelay $0x1  }
0x87: {  	v0 =	vadd.f32 v3, v0;
	_ =	sdelay $0x1  }
0x88: {  	v0 =	vadd.f32 v1, v0;
	_ =	sdelay $0x1  }
0x89: {  	v0 =	vmul.f32 $2.000000030e-01, v0;
	_ =	sdelay $0x1  }
0x8a: {  	[tilespmem:s24+$0xFFFFFFD0] =	vst v0  }
0x8b: {  	v0 =	vld [tilespmem:s23+$0xFFFFFDA0]  }
0x8c: {  	v1 =	vld [tilespmem:s23+$0xFFFFFE20];
	_ =	sdelay $0x1  }
0x8d: {  	v2 =	vld [tilespmem:s23+$0xFFFFFEA0];
	_ =	sdelay $0x1  }
0x8e: {  	v3 =	vld [tilespmem:s23+$0xFFFFFF20]  }
0x8f: {  	v0 =	vadd.f32 v1, v0  }
0x90: {  	v1 =	vld [tilespmem:s23+$0xFFFFFFA0]  }
0x91: {  	v0 =	vadd.f32 v2, v0;
	_ =	sdelay $0x1  }
0x92: {  	v0 =	vadd.f32 v3, v0;
	_ =	sdelay $0x1  }
0x93: {  	v0 =	vadd.f32 v1, v0;
	_ =	sdelay $0x1  }
0x94: {  	v0 =	vmul.f32 $2.000000030e-01, v0;
	_ =	sdelay $0x1  }
0x95: {  	[tilespmem:s24+$0xFFFFFFE0] =	vst v0  }
0x96: {  	v0 =	vld [tilespmem:s23+$0xFFFFFDB0]  }
0x97: {  	v1 =	vld [tilespmem:s23+$0xFFFFFE30];
	_ =	sdelay $0x1  }
0x98: {  	v2 =	vld [tilespmem:s23+$0xFFFFFEB0];
	_ =	sdelay $0x1  }
0x99: {  	v3 =	vld [tilespmem:s23+$0xFFFFFF30]  }
0x9a: {  	v0 =	vadd.f32 v1, v0  }
0x9b: {  	v1 =	vld [tilespmem:s23+$0xFFFFFFB0]  }
0x9c: {  	v0 =	vadd.f32 v2, v0;
	_ =	sdelay $0x1  }
0x9d: {  	v0 =	vadd.f32 v3, v0;
	_ =	sdelay $0x1  }
0x9e: {  	v0 =	vadd.f32 v1, v0;
	_ =	sdelay $0x1  }
0x9f: {  	v0 =	vmul.f32 $2.000000030e-01, v0;
	_ =	sdelay $0x1  }
0xa0: {  	[tilespmem:s24+$0xFFFFFFF0] =	vst v0  }
0xa1: {  	v0 =	vld [tilespmem:s23+$0x0]  }
0xa2: {  	v1 =	vld [tilespmem:s23+$0x80];
	_ =	sdelay $0x1  }
0xa3: {  	v2 =	vld [tilespmem:s23+$0x100];
	_ =	sdelay $0x1  }
0xa4: {  	v3 =	vld [tilespmem:s23+$0x180]  }
0xa5: {  	v0 =	vadd.f32 v1, v0  }
0xa6: {  	v1 =	vld [tilespmem:s23+$0x200]  }
0xa7: {  	v0 =	vadd.f32 v2, v0;
	_ =	sdelay $0x1  }
0xa8: {  	v0 =	vadd.f32 v3, v0;
	_ =	sdelay $0x1  }
0xa9: {  	v0 =	vadd.f32 v1, v0;
	_ =	sdelay $0x1  }
0xaa: {  	v0 =	vmul.f32 $2.000000030e-01, v0;
	_ =	sdelay $0x1  }
0xab: {  	[tilespmem:s24+$0x0] =	vst v0  }
0xac: {  	v0 =	vld [tilespmem:s23+$0x10]  }
0xad: {  	v1 =	vld [tilespmem:s23+$0x90]  }
0xae: {  	v2 =	vld [tilespmem:s23+$0x110]  }
0xaf: {  	v3 =	vld [tilespmem:s23+$0x190]  }
0xb0: {  	v4 =	vld [tilespmem:s23+$0x210];
	_ =	sdelay $0x1  }
0xb1: {  	v0 =	vadd.f32 v1, v0;
	_ =	sdelay $0x1  }
0xb2: {  	v0 =	vadd.f32 v2, v0;
	_ =	sdelay $0x1  }
0xb3: {  	v0 =	vadd.f32 v3, v0;
	_ =	sdelay $0x1  }
0xb4: {  	v0 =	vadd.f32 v4, v0;
	_ =	sdelay $0x1  }
0xb5: {  	v0 =	vmul.f32 $2.000000030e-01, v0;
	_ =	sdelay $0x1  }
0xb6: {  	[tilespmem:s24+$0x10] =	vst v0  }
0xb7: {  	v0 =	vld [tilespmem:s23+$0x20]  }
0xb8: {  	v1 =	vld [tilespmem:s23+$0xA0]  }
0xb9: {  	v2 =	vld [tilespmem:s23+$0x120]  }
0xba: {  	v3 =	vld [tilespmem:s23+$0x1A0]  }
0xbb: {  	v4 =	vld [tilespmem:s23+$0x220];
	_ =	sdelay $0x1  }
0xbc: {  	v0 =	vadd.f32 v1, v0;
	_ =	sdelay $0x1  }
0xbd: {  	v0 =	vadd.f32 v2, v0;
	_ =	sdelay $0x1  }
0xbe: {  	v0 =	vadd.f32 v3, v0;
	_ =	sdelay $0x1  }
0xbf: {  	v0 =	vadd.f32 v4, v0;
	_ =	sdelay $0x1  }
0xc0: {  	v0 =	vmul.f32 $2.000000030e-01, v0;
	_ =	sdelay $0x1  }
0xc1: {  	[tilespmem:s24+$0x20] =	vst v0  }
0xc2: {  	v3 =	vld [tilespmem:s23+$0x30]  }
0xc3: {  	v4 =	vld [tilespmem:s23+$0xB0]  }
.Ltmp0:
0xc4: {  	v2 =	vld [tilespmem:s23+$0x130];
	(pc) =	sbr.rel @p0 .LBB2_3-.Ltmp0, $3  }
0xc5: {  	v0 =	vld [tilespmem:s23+$0x1B0]  }
0xc6: {  	v1 =	vld [tilespmem:s23+$0x230];
	_ =	sdelay $0x1  }
0xc7: {  	v3 =	vadd.f32 v4, v3  }
0xc8: {  	_ = 	snop  }
0xc9: {  	v2 =	vadd.f32 v2, v3;
	_ =	sdelay $0x1  }
0xca: {  	v0 =	vadd.f32 v0, v2;
	_ =	sdelay $0x1  }
0xcb: {  	s23 =	sshll.u32 s22, $0x2;
	v0 =	vadd.f32 v1, v0  }
0xcc: {  	s24 =	sadd.s32 s7, s23  }
0xcd: {  	s24 =	smul.u32 $0x190, s24;
	v0 =	vmul.f32 $2.000000030e-01, v0;
	_ =	sdelay $0x1  }
0xce: {  	s26 =	sand.u32 $0x1, s22;
	s24 =	sadd.s32 s2, s24;
	[tilespmem:s25+$0x30] =	vst v0  }
0xcf: {  	[hbm4b:s24+s3] =	stream.linear.scatter [tilespmem:s19], [sflag:$0x3], $0xC80, $0x38;
	[tilespmem:$0x11450] =	vst v63  }
0xd0: {  	p0 =	seq.s32 s26, $0x1;
	s24 =	simm.s32 $0x3E8;
	_ =	swait.ge [sflag:s10], $0xC80  }
0xd1: {  	s24 =	simm.s32 @!p0 $0x0;
	[sflag:s10] =	ssyncset.done $0x0  }
0xd2: {  	s30 =	sadd.s32 $0x1F0, s24;
	[sflag:s10] =	ssyncadd.s32 $0xFFFFF380  }
0xd3: {  	[tilespmem:s12], [sflag:$0x1] =	stream.indirect.gather [hbm4b:s6+s11], $0x80, s30, s11, $0xb8;
	[tilespmem:$0x11450] =	vst v63  }
0xd4: {  	s31 =	sadd.s32 $0x270, s24  }
0xd5: {  	[tilespmem:s13], [sflag:$0x1] =	stream.indirect.gather [hbm4b:s6+s11], $0x80, s31, s11, $0xb8;
	[tilespmem:$0x11450] =	vst v63  }
0xd6: {  	_ =	swait.ge [sflag:s20], $0x8000  }
0xd7: {  	[sflag:s20] =	ssyncset.done $0x0  }
0xd8: {  	s25 =	simm.s32 $0x8D80;
	[sflag:s20] =	ssyncadd.s32 $0xFFFF8000  }
0xd9: {  	v0 =	vld [tilespmem:s25+$0xFFFFFBD0]  }
0xda: {  	v1 =	vld [tilespmem:s25+$0xFFFFFB50];
	_ =	sdelay $0x1  }
0xdb: {  	v2 =	vld [tilespmem:s25+$0xFFFFFC50];
	_ =	sdelay $0x1  }
0xdc: {  	v3 =	vld [tilespmem:s25+$0xFFFFFCD0]  }
0xdd: {  	v0 =	vadd.f32 v0, v1  }
0xde: {  	v1 =	vld [tilespmem:s25+$0xFFFFFD50]  }
0xdf: {  	v0 =	vadd.f32 v2, v0;
	_ =	sdelay $0x1  }
0xe0: {  	v0 =	vadd.f32 v3, v0;
	_ =	sdelay $0x1  }
0xe1: {  	v0 =	vadd.f32 v1, v0;
	_ =	sdelay $0x1  }
0xe2: {  	v0 =	vmul.f32 $2.000000030e-01, v0  }
0xe3: {  	s26 =	simm.s32 $0x10810  }
0xe4: {  	[tilespmem:s26+$0xFFFFFFC0] =	vst v0  }
0xe5: {  	v0 =	vld [tilespmem:s25+$0xFFFFFB60]  }
0xe6: {  	v1 =	vld [tilespmem:s25+$0xFFFFFBE0];
	_ =	sdelay $0x1  }
0xe7: {  	v2 =	vld [tilespmem:s25+$0xFFFFFC60];
	_ =	sdelay $0x1  }
0xe8: {  	v3 =	vld [tilespmem:s25+$0xFFFFFCE0]  }
0xe9: {  	v0 =	vadd.f32 v1, v0  }
0xea: {  	v1 =	vld [tilespmem:s25+$0xFFFFFD60]  }
0xeb: {  	v0 =	vadd.f32 v2, v0;
	_ =	sdelay $0x1  }
0xec: {  	v0 =	vadd.f32 v3, v0;
	_ =	sdelay $0x1  }
0xed: {  	v0 =	vadd.f32 v1, v0;
	_ =	sdelay $0x1  }
0xee: {  	v0 =	vmul.f32 $2.000000030e-01, v0;
	_ =	sdelay $0x1  }
0xef: {  	[tilespmem:s26+$0xFFFFFFD0] =	vst v0  }
0xf0: {  	v0 =	vld [tilespmem:s25+$0xFFFFFB70]  }
0xf1: {  	v1 =	vld [tilespmem:s25+$0xFFFFFBF0];
	_ =	sdelay $0x1  }
0xf2: {  	v2 =	vld [tilespmem:s25+$0xFFFFFC70];
	_ =	sdelay $0x1  }
0xf3: {  	v3 =	vld [tilespmem:s25+$0xFFFFFCF0]  }
0xf4: {  	v0 =	vadd.f32 v1, v0  }
0xf5: {  	v1 =	vld [tilespmem:s25+$0xFFFFFD70]  }
0xf6: {  	v0 =	vadd.f32 v2, v0;
	_ =	sdelay $0x1  }
0xf7: {  	v0 =	vadd.f32 v3, v0;
	_ =	sdelay $0x1  }
0xf8: {  	v0 =	vadd.f32 v1, v0;
	_ =	sdelay $0x1  }
0xf9: {  	v0 =	vmul.f32 $2.000000030e-01, v0;
	_ =	sdelay $0x1  }
0xfa: {  	[tilespmem:s26+$0xFFFFFFE0] =	vst v0  }
0xfb: {  	v0 =	vld [tilespmem:s25+$0xFFFFFB80]  }
0xfc: {  	v1 =	vld [tilespmem:s25+$0xFFFFFC00];
	_ =	sdelay $0x1  }
0xfd: {  	v2 =	vld [tilespmem:s25+$0xFFFFFC80];
	_ =	sdelay $0x1  }
0xfe: {  	v3 =	vld [tilespmem:s25+$0xFFFFFD00]  }
0xff: {  	v0 =	vadd.f32 v1, v0  }
0x100: {  	v1 =	vld [tilespmem:s25+$0xFFFFFD80]  }
0x101: {  	v0 =	vadd.f32 v2, v0;
	_ =	sdelay $0x1  }
0x102: {  	v0 =	vadd.f32 v3, v0;
	_ =	sdelay $0x1  }
0x103: {  	v0 =	vadd.f32 v1, v0;
	_ =	sdelay $0x1  }
0x104: {  	v0 =	vmul.f32 $2.000000030e-01, v0;
	_ =	sdelay $0x1  }
0x105: {  	[tilespmem:s26+$0xFFFFFFF0] =	vst v0  }
0x106: {  	v0 =	vld [tilespmem:s25+$0xFFFFFDD0]  }
0x107: {  	v1 =	vld [tilespmem:s25+$0xFFFFFE50];
	_ =	sdelay $0x1  }
0x108: {  	v2 =	vld [tilespmem:s25+$0xFFFFFED0];
	_ =	sdelay $0x1  }
0x109: {  	v3 =	vld [tilespmem:s25+$0xFFFFFF50]  }
0x10a: {  	v0 =	vadd.f32 v1, v0  }
0x10b: {  	v1 =	vld [tilespmem:s25+$0xFFFFFFD0]  }
0x10c: {  	v0 =	vadd.f32 v2, v0;
	_ =	sdelay $0x1  }
0x10d: {  	v0 =	vadd.f32 v3, v0;
	_ =	sdelay $0x1  }
0x10e: {  	v0 =	vadd.f32 v1, v0;
	_ =	sdelay $0x1  }
0x10f: {  	v0 =	vmul.f32 $2.000000030e-01, v0;
	_ =	sdelay $0x1  }
0x110: {  	[tilespmem:s26+$0x0] =	vst v0  }
0x111: {  	v0 =	vld [tilespmem:s25+$0xFFFFFDE0]  }
0x112: {  	v1 =	vld [tilespmem:s25+$0xFFFFFE60];
	_ =	sdelay $0x1  }
0x113: {  	v2 =	vld [tilespmem:s25+$0xFFFFFEE0];
	_ =	sdelay $0x1  }
0x114: {  	v3 =	vld [tilespmem:s25+$0xFFFFFF60]  }
0x115: {  	v0 =	vadd.f32 v1, v0  }
0x116: {  	v1 =	vld [tilespmem:s25+$0xFFFFFFE0]  }
0x117: {  	v0 =	vadd.f32 v2, v0;
	_ =	sdelay $0x1  }
0x118: {  	v0 =	vadd.f32 v3, v0;
	_ =	sdelay $0x1  }
0x119: {  	v0 =	vadd.f32 v1, v0;
	_ =	sdelay $0x1  }
0x11a: {  	v0 =	vmul.f32 $2.000000030e-01, v0;
	_ =	sdelay $0x1  }
0x11b: {  	[tilespmem:s26+$0x10] =	vst v0  }
0x11c: {  	v0 =	vld [tilespmem:s25+$0xFFFFFDF0]  }
0x11d: {  	v1 =	vld [tilespmem:s25+$0xFFFFFE70];
	_ =	sdelay $0x1  }
0x11e: {  	v2 =	vld [tilespmem:s25+$0xFFFFFEF0];
	_ =	sdelay $0x1  }
0x11f: {  	v3 =	vld [tilespmem:s25+$0xFFFFFF70]  }
0x120: {  	v0 =	vadd.f32 v1, v0  }
0x121: {  	v1 =	vld [tilespmem:s25+$0xFFFFFFF0]  }
0x122: {  	v0 =	vadd.f32 v2, v0;
	_ =	sdelay $0x1  }
0x123: {  	v0 =	vadd.f32 v3, v0;
	_ =	sdelay $0x1  }
0x124: {  	v0 =	vadd.f32 v1, v0;
	_ =	sdelay $0x1  }
0x125: {  	v0 =	vmul.f32 $2.000000030e-01, v0;
	_ =	sdelay $0x1  }
0x126: {  	[tilespmem:s26+$0x20] =	vst v0  }
0x127: {  	v3 =	vld [tilespmem:s25+$0xFFFFFE00]  }
0x128: {  	v4 =	vld [tilespmem:s25+$0xFFFFFE80];
	_ =	sdelay $0x1  }
0x129: {  	v2 =	vld [tilespmem:s25+$0xFFFFFF00];
	_ =	sdelay $0x1  }
0x12a: {  	v0 =	vld [tilespmem:s25+$0xFFFFFF80]  }
0x12b: {  	s29 =	simm.s32 $0x0;
	s28 =	simm.s32 $0x10810;
	v1 =	vld [tilespmem:s25+$0x0];
	v3 =	vadd.f32 v4, v3  }
.LBB2_5:
0x12c: {  	_ = 	snop  }
0x12d: {  	s29 =	sadd.s32 $0x2, s29;
	s25 =	sadd.s32 $0x500, s25;
	s26 =	sadd.s32 $0x80, s26;
	v2 =	vadd.f32 v2, v3  }
0x12e: {  	p0 =	slt.u32 s29, $0x30  }
0x12f: {  	v0 =	vadd.f32 v0, v2;
	_ =	sdelay $0x1  }
0x130: {  	v0 =	vadd.f32 v1, v0;
	_ =	sdelay $0x1  }
0x131: {  	v0 =	vmul.f32 $2.000000030e-01, v0;
	_ =	sdelay $0x1  }
0x132: {  	[tilespmem:s28+$0x30] =	vst v0;
	s28 =	smov.u32 s26  }
0x133: {  	v0 =	vld [tilespmem:s25+$0xFFFFFBD0]  }
0x134: {  	v1 =	vld [tilespmem:s25+$0xFFFFFB50]  }
0x135: {  	v2 =	vld [tilespmem:s25+$0xFFFFFC50];
	_ =	sdelay $0x2  }
0x136: {  	v3 =	vld [tilespmem:s25+$0xFFFFFCD0]  }
0x137: {  	v0 =	vadd.f32 v0, v1  }
0x138: {  	v1 =	vld [tilespmem:s25+$0xFFFFFD50]  }
0x139: {  	v0 =	vadd.f32 v2, v0;
	_ =	sdelay $0x1  }
0x13a: {  	v0 =	vadd.f32 v3, v0;
	_ =	sdelay $0x1  }
0x13b: {  	v0 =	vadd.f32 v1, v0;
	_ =	sdelay $0x1  }
0x13c: {  	v0 =	vmul.f32 $2.000000030e-01, v0;
	_ =	sdelay $0x1  }
0x13d: {  	[tilespmem:s26+$0xFFFFFFC0] =	vst v0  }
0x13e: {  	v0 =	vld [tilespmem:s25+$0xFFFFFB60]  }
0x13f: {  	v1 =	vld [tilespmem:s25+$0xFFFFFBE0];
	_ =	sdelay $0x1  }
0x140: {  	v2 =	vld [tilespmem:s25+$0xFFFFFC60];
	_ =	sdelay $0x1  }
0x141: {  	v3 =	vld [tilespmem:s25+$0xFFFFFCE0]  }
0x142: {  	v0 =	vadd.f32 v1, v0  }
0x143: {  	v1 =	vld [tilespmem:s25+$0xFFFFFD60]  }
0x144: {  	v0 =	vadd.f32 v2, v0;
	_ =	sdelay $0x1  }
0x145: {  	v0 =	vadd.f32 v3, v0;
	_ =	sdelay $0x1  }
0x146: {  	v0 =	vadd.f32 v1, v0;
	_ =	sdelay $0x1  }
0x147: {  	v0 =	vmul.f32 $2.000000030e-01, v0;
	_ =	sdelay $0x1  }
0x148: {  	[tilespmem:s26+$0xFFFFFFD0] =	vst v0  }
0x149: {  	v0 =	vld [tilespmem:s25+$0xFFFFFB70]  }
0x14a: {  	v1 =	vld [tilespmem:s25+$0xFFFFFBF0];
	_ =	sdelay $0x1  }
0x14b: {  	v2 =	vld [tilespmem:s25+$0xFFFFFC70];
	_ =	sdelay $0x1  }
0x14c: {  	v3 =	vld [tilespmem:s25+$0xFFFFFCF0]  }
0x14d: {  	v0 =	vadd.f32 v1, v0  }
0x14e: {  	v1 =	vld [tilespmem:s25+$0xFFFFFD70]  }
0x14f: {  	v0 =	vadd.f32 v2, v0;
	_ =	sdelay $0x1  }
0x150: {  	v0 =	vadd.f32 v3, v0;
	_ =	sdelay $0x1  }
0x151: {  	v0 =	vadd.f32 v1, v0;
	_ =	sdelay $0x1  }
0x152: {  	v0 =	vmul.f32 $2.000000030e-01, v0;
	_ =	sdelay $0x1  }
0x153: {  	[tilespmem:s26+$0xFFFFFFE0] =	vst v0  }
0x154: {  	v0 =	vld [tilespmem:s25+$0xFFFFFB80]  }
0x155: {  	v1 =	vld [tilespmem:s25+$0xFFFFFC00];
	_ =	sdelay $0x1  }
0x156: {  	v2 =	vld [tilespmem:s25+$0xFFFFFC80];
	_ =	sdelay $0x1  }
0x157: {  	v3 =	vld [tilespmem:s25+$0xFFFFFD00]  }
0x158: {  	v0 =	vadd.f32 v1, v0  }
0x159: {  	v1 =	vld [tilespmem:s25+$0xFFFFFD80]  }
0x15a: {  	v0 =	vadd.f32 v2, v0;
	_ =	sdelay $0x1  }
0x15b: {  	v0 =	vadd.f32 v3, v0;
	_ =	sdelay $0x1  }
0x15c: {  	v0 =	vadd.f32 v1, v0;
	_ =	sdelay $0x1  }
0x15d: {  	v0 =	vmul.f32 $2.000000030e-01, v0;
	_ =	sdelay $0x1  }
0x15e: {  	[tilespmem:s26+$0xFFFFFFF0] =	vst v0  }
0x15f: {  	v0 =	vld [tilespmem:s25+$0xFFFFFDD0]  }
0x160: {  	v1 =	vld [tilespmem:s25+$0xFFFFFE50];
	_ =	sdelay $0x1  }
0x161: {  	v2 =	vld [tilespmem:s25+$0xFFFFFED0];
	_ =	sdelay $0x1  }
0x162: {  	v3 =	vld [tilespmem:s25+$0xFFFFFF50]  }
0x163: {  	v0 =	vadd.f32 v1, v0  }
0x164: {  	v1 =	vld [tilespmem:s25+$0xFFFFFFD0]  }
0x165: {  	v0 =	vadd.f32 v2, v0;
	_ =	sdelay $0x1  }
0x166: {  	v0 =	vadd.f32 v3, v0;
	_ =	sdelay $0x1  }
0x167: {  	v0 =	vadd.f32 v1, v0;
	_ =	sdelay $0x1  }
0x168: {  	v0 =	vmul.f32 $2.000000030e-01, v0;
	_ =	sdelay $0x1  }
0x169: {  	[tilespmem:s26+$0x0] =	vst v0  }
0x16a: {  	v0 =	vld [tilespmem:s25+$0xFFFFFDE0]  }
0x16b: {  	v1 =	vld [tilespmem:s25+$0xFFFFFE60]  }
0x16c: {  	v2 =	vld [tilespmem:s25+$0xFFFFFEE0]  }
0x16d: {  	v3 =	vld [tilespmem:s25+$0xFFFFFF60]  }
0x16e: {  	v4 =	vld [tilespmem:s25+$0xFFFFFFE0];
	_ =	sdelay $0x1  }
0x16f: {  	v0 =	vadd.f32 v1, v0;
	_ =	sdelay $0x1  }
0x170: {  	v0 =	vadd.f32 v2, v0;
	_ =	sdelay $0x1  }
0x171: {  	v0 =	vadd.f32 v3, v0;
	_ =	sdelay $0x1  }
0x172: {  	v0 =	vadd.f32 v4, v0;
	_ =	sdelay $0x1  }
0x173: {  	v0 =	vmul.f32 $2.000000030e-01, v0;
	_ =	sdelay $0x1  }
0x174: {  	[tilespmem:s26+$0x10] =	vst v0  }
0x175: {  	v0 =	vld [tilespmem:s25+$0xFFFFFDF0]  }
0x176: {  	v1 =	vld [tilespmem:s25+$0xFFFFFE70]  }
0x177: {  	v2 =	vld [tilespmem:s25+$0xFFFFFEF0]  }
0x178: {  	v3 =	vld [tilespmem:s25+$0xFFFFFF70]  }
0x179: {  	v4 =	vld [tilespmem:s25+$0xFFFFFFF0];
	_ =	sdelay $0x1  }
0x17a: {  	v0 =	vadd.f32 v1, v0;
	_ =	sdelay $0x1  }
0x17b: {  	v0 =	vadd.f32 v2, v0;
	_ =	sdelay $0x1  }
0x17c: {  	v0 =	vadd.f32 v3, v0;
	_ =	sdelay $0x1  }
0x17d: {  	v0 =	vadd.f32 v4, v0;
	_ =	sdelay $0x1  }
0x17e: {  	v0 =	vmul.f32 $2.000000030e-01, v0;
	_ =	sdelay $0x1  }
0x17f: {  	[tilespmem:s26+$0x20] =	vst v0  }
0x180: {  	v3 =	vld [tilespmem:s25+$0xFFFFFE00]  }
0x181: {  	v4 =	vld [tilespmem:s25+$0xFFFFFE80]  }
.Ltmp1:
0x182: {  	v2 =	vld [tilespmem:s25+$0xFFFFFF00];
	(pc) =	sbr.rel @p0 .LBB2_5-.Ltmp1, $3  }
0x183: {  	v0 =	vld [tilespmem:s25+$0xFFFFFF80]  }
0x184: {  	v1 =	vld [tilespmem:s25+$0x0];
	_ =	sdelay $0x1  }
0x185: {  	v3 =	vadd.f32 v4, v3  }
0x186: {  	_ = 	snop  }
0x187: {  	v2 =	vadd.f32 v2, v3;
	_ =	sdelay $0x1  }
0x188: {  	v0 =	vadd.f32 v0, v2;
	_ =	sdelay $0x1  }
0x189: {  	s25 =	sadd.s32 s23, s7;
	v0 =	vadd.f32 v1, v0  }
0x18a: {  	s25 =	smul.u32 $0x190, s25  }
0x18b: {  	v0 =	vmul.f32 $2.000000030e-01, v0  }
0x18c: {  	s25 =	sadd.s32 s2, s25  }
0x18d: {  	s26 =	sadd.s32 $0x190, s25;
	[tilespmem:s28+$0x30] =	vst v0  }
0x18e: {  	[hbm4b:s26+s3] =	stream.linear.scatter [tilespmem:s19], [sflag:$0x3], $0xC80, $0x38;
	[tilespmem:$0x11450] =	vst v63  }
0x18f: {  	_ =	swait.ge [sflag:s10], $0xC80  }
0x190: {  	[sflag:s10] =	ssyncset.done $0x0  }
0x191: {  	s30 =	sadd.s32 $0x2E8, s24;
	[sflag:s10] =	ssyncadd.s32 $0xFFFFF380  }
0x192: {  	[tilespmem:s15], [sflag:$0x2] =	stream.indirect.gather [hbm4b:s6+s11], $0x80, s30, s11, $0xb8;
	[tilespmem:$0x11450] =	vst v63  }
0x193: {  	s31 =	sadd.s32 $0x368, s24  }
0x194: {  	[tilespmem:s17], [sflag:$0x2] =	stream.indirect.gather [hbm4b:s6+s11], $0x80, s31, s11, $0xb8;
	[tilespmem:$0x11450] =	vst v63  }
0x195: {  	_ =	swait.ge [sflag:s18], $0x8000  }
0x196: {  	[sflag:s18] =	ssyncset.done $0x0  }
0x197: {  	s24 =	simm.s32 $0xB50;
	[sflag:s18] =	ssyncadd.s32 $0xFFFF8000  }
0x198: {  	v0 =	vld [tilespmem:s24+$0xFFFFFF00]  }
0x199: {  	v1 =	vld [tilespmem:s24+$0xFFFFFE80];
	_ =	sdelay $0x1  }
0x19a: {  	v2 =	vld [tilespmem:s24+$0xFFFFFF80];
	_ =	sdelay $0x1  }
0x19b: {  	v3 =	vld [tilespmem:s24+$0x0]  }
0x19c: {  	v0 =	vadd.f32 v0, v1  }
0x19d: {  	v1 =	vld [tilespmem:s24+$0x80]  }
0x19e: {  	v0 =	vadd.f32 v2, v0;
	_ =	sdelay $0x1  }
0x19f: {  	v0 =	vadd.f32 v3, v0;
	_ =	sdelay $0x1  }
0x1a0: {  	v0 =	vadd.f32 v1, v0;
	_ =	sdelay $0x1  }
0x1a1: {  	v0 =	vmul.f32 $2.000000030e-01, v0  }
0x1a2: {  	s26 =	simm.s32 $0x10810  }
0x1a3: {  	[tilespmem:s26+$0xFFFFFFC0] =	vst v0  }
0x1a4: {  	v0 =	vld [tilespmem:s24+$0xFFFFFE90]  }
0x1a5: {  	v1 =	vld [tilespmem:s24+$0xFFFFFF10];
	_ =	sdelay $0x1  }
0x1a6: {  	v2 =	vld [tilespmem:s24+$0xFFFFFF90];
	_ =	sdelay $0x1  }
0x1a7: {  	v3 =	vld [tilespmem:s24+$0x10]  }
0x1a8: {  	v0 =	vadd.f32 v1, v0  }
0x1a9: {  	v1 =	vld [tilespmem:s24+$0x90]  }
0x1aa: {  	v0 =	vadd.f32 v2, v0;
	_ =	sdelay $0x1  }
0x1ab: {  	v0 =	vadd.f32 v3, v0;
	_ =	sdelay $0x1  }
0x1ac: {  	v0 =	vadd.f32 v1, v0;
	_ =	sdelay $0x1  }
0x1ad: {  	v0 =	vmul.f32 $2.000000030e-01, v0;
	_ =	sdelay $0x1  }
0x1ae: {  	[tilespmem:s26+$0xFFFFFFD0] =	vst v0  }
0x1af: {  	v0 =	vld [tilespmem:s24+$0xFFFFFEA0]  }
0x1b0: {  	v1 =	vld [tilespmem:s24+$0xFFFFFF20];
	_ =	sdelay $0x1  }
0x1b1: {  	v2 =	vld [tilespmem:s24+$0xFFFFFFA0];
	_ =	sdelay $0x1  }
0x1b2: {  	v3 =	vld [tilespmem:s24+$0x20]  }
0x1b3: {  	v0 =	vadd.f32 v1, v0  }
0x1b4: {  	v1 =	vld [tilespmem:s24+$0xA0]  }
0x1b5: {  	v0 =	vadd.f32 v2, v0;
	_ =	sdelay $0x1  }
0x1b6: {  	v0 =	vadd.f32 v3, v0;
	_ =	sdelay $0x1  }
0x1b7: {  	v0 =	vadd.f32 v1, v0;
	_ =	sdelay $0x1  }
0x1b8: {  	v0 =	vmul.f32 $2.000000030e-01, v0;
	_ =	sdelay $0x1  }
0x1b9: {  	[tilespmem:s26+$0xFFFFFFE0] =	vst v0  }
0x1ba: {  	v0 =	vld [tilespmem:s24+$0xFFFFFEB0]  }
0x1bb: {  	v1 =	vld [tilespmem:s24+$0xFFFFFF30];
	_ =	sdelay $0x1  }
0x1bc: {  	v2 =	vld [tilespmem:s24+$0xFFFFFFB0];
	_ =	sdelay $0x1  }
0x1bd: {  	v3 =	vld [tilespmem:s24+$0x30]  }
0x1be: {  	v0 =	vadd.f32 v1, v0  }
0x1bf: {  	v1 =	vld [tilespmem:s24+$0xB0]  }
0x1c0: {  	v0 =	vadd.f32 v2, v0;
	_ =	sdelay $0x1  }
0x1c1: {  	v0 =	vadd.f32 v3, v0;
	_ =	sdelay $0x1  }
0x1c2: {  	v0 =	vadd.f32 v1, v0;
	_ =	sdelay $0x1  }
0x1c3: {  	v0 =	vmul.f32 $2.000000030e-01, v0;
	_ =	sdelay $0x1  }
0x1c4: {  	[tilespmem:s26+$0xFFFFFFF0] =	vst v0  }
0x1c5: {  	v0 =	vld [tilespmem:s24+$0x100]  }
0x1c6: {  	v1 =	vld [tilespmem:s24+$0x180];
	_ =	sdelay $0x1  }
0x1c7: {  	v2 =	vld [tilespmem:s24+$0x200];
	_ =	sdelay $0x1  }
0x1c8: {  	v3 =	vld [tilespmem:s24+$0x280]  }
0x1c9: {  	v0 =	vadd.f32 v1, v0  }
0x1ca: {  	v1 =	vld [tilespmem:s24+$0x300]  }
0x1cb: {  	v0 =	vadd.f32 v2, v0;
	_ =	sdelay $0x1  }
0x1cc: {  	v0 =	vadd.f32 v3, v0;
	_ =	sdelay $0x1  }
0x1cd: {  	v0 =	vadd.f32 v1, v0;
	_ =	sdelay $0x1  }
0x1ce: {  	v0 =	vmul.f32 $2.000000030e-01, v0;
	_ =	sdelay $0x1  }
0x1cf: {  	[tilespmem:s26+$0x0] =	vst v0  }
0x1d0: {  	v0 =	vld [tilespmem:s24+$0x110]  }
0x1d1: {  	v1 =	vld [tilespmem:s24+$0x190];
	_ =	sdelay $0x1  }
0x1d2: {  	v2 =	vld [tilespmem:s24+$0x210];
	_ =	sdelay $0x1  }
0x1d3: {  	v3 =	vld [tilespmem:s24+$0x290]  }
0x1d4: {  	v0 =	vadd.f32 v1, v0  }
0x1d5: {  	v1 =	vld [tilespmem:s24+$0x310]  }
0x1d6: {  	v0 =	vadd.f32 v2, v0;
	_ =	sdelay $0x1  }
0x1d7: {  	v0 =	vadd.f32 v3, v0;
	_ =	sdelay $0x1  }
0x1d8: {  	v0 =	vadd.f32 v1, v0;
	_ =	sdelay $0x1  }
0x1d9: {  	v0 =	vmul.f32 $2.000000030e-01, v0;
	_ =	sdelay $0x1  }
0x1da: {  	[tilespmem:s26+$0x10] =	vst v0  }
0x1db: {  	v0 =	vld [tilespmem:s24+$0x120]  }
0x1dc: {  	v1 =	vld [tilespmem:s24+$0x1A0];
	_ =	sdelay $0x1  }
0x1dd: {  	v2 =	vld [tilespmem:s24+$0x220];
	_ =	sdelay $0x1  }
0x1de: {  	v3 =	vld [tilespmem:s24+$0x2A0]  }
0x1df: {  	v0 =	vadd.f32 v1, v0  }
0x1e0: {  	v1 =	vld [tilespmem:s24+$0x320]  }
0x1e1: {  	v0 =	vadd.f32 v2, v0;
	_ =	sdelay $0x1  }
0x1e2: {  	v0 =	vadd.f32 v3, v0;
	_ =	sdelay $0x1  }
0x1e3: {  	v0 =	vadd.f32 v1, v0;
	_ =	sdelay $0x1  }
0x1e4: {  	v0 =	vmul.f32 $2.000000030e-01, v0;
	_ =	sdelay $0x1  }
0x1e5: {  	[tilespmem:s26+$0x20] =	vst v0  }
0x1e6: {  	v3 =	vld [tilespmem:s24+$0x130]  }
0x1e7: {  	v4 =	vld [tilespmem:s24+$0x1B0];
	_ =	sdelay $0x1  }
0x1e8: {  	v2 =	vld [tilespmem:s24+$0x230];
	_ =	sdelay $0x1  }
0x1e9: {  	v0 =	vld [tilespmem:s24+$0x2B0]  }
0x1ea: {  	s29 =	simm.s32 $0x0;
	s28 =	simm.s32 $0x10810;
	v1 =	vld [tilespmem:s24+$0x330];
	v3 =	vadd.f32 v4, v3  }
.LBB2_7:
0x1eb: {  	_ = 	snop  }
0x1ec: {  	s29 =	sadd.s32 $0x2, s29;
	s24 =	sadd.s32 $0x500, s24;
	s26 =	sadd.s32 $0x80, s26;
	v2 =	vadd.f32 v2, v3  }
0x1ed: {  	p0 =	slt.u32 s29, $0x30  }
0x1ee: {  	v0 =	vadd.f32 v0, v2;
	_ =	sdelay $0x1  }
0x1ef: {  	v0 =	vadd.f32 v1, v0;
	_ =	sdelay $0x1  }
0x1f0: {  	v0 =	vmul.f32 $2.000000030e-01, v0;
	_ =	sdelay $0x1  }
0x1f1: {  	[tilespmem:s28+$0x30] =	vst v0;
	s28 =	smov.u32 s26  }
0x1f2: {  	v0 =	vld [tilespmem:s24+$0xFFFFFF00]  }
0x1f3: {  	v1 =	vld [tilespmem:s24+$0xFFFFFE80]  }
0x1f4: {  	v2 =	vld [tilespmem:s24+$0xFFFFFF80];
	_ =	sdelay $0x2  }
0x1f5: {  	v3 =	vld [tilespmem:s24+$0x0]  }
0x1f6: {  	v0 =	vadd.f32 v0, v1  }
0x1f7: {  	v1 =	vld [tilespmem:s24+$0x80]  }
0x1f8: {  	v0 =	vadd.f32 v2, v0;
	_ =	sdelay $0x1  }
0x1f9: {  	v0 =	vadd.f32 v3, v0;
	_ =	sdelay $0x1  }
0x1fa: {  	v0 =	vadd.f32 v1, v0;
	_ =	sdelay $0x1  }
0x1fb: {  	v0 =	vmul.f32 $2.000000030e-01, v0;
	_ =	sdelay $0x1  }
0x1fc: {  	[tilespmem:s26+$0xFFFFFFC0] =	vst v0  }
0x1fd: {  	v0 =	vld [tilespmem:s24+$0xFFFFFE90]  }
0x1fe: {  	v1 =	vld [tilespmem:s24+$0xFFFFFF10];
	_ =	sdelay $0x1  }
0x1ff: {  	v2 =	vld [tilespmem:s24+$0xFFFFFF90];
	_ =	sdelay $0x1  }
0x200: {  	v3 =	vld [tilespmem:s24+$0x10]  }
0x201: {  	v0 =	vadd.f32 v1, v0  }
0x202: {  	v1 =	vld [tilespmem:s24+$0x90]  }
0x203: {  	v0 =	vadd.f32 v2, v0;
	_ =	sdelay $0x1  }
0x204: {  	v0 =	vadd.f32 v3, v0;
	_ =	sdelay $0x1  }
0x205: {  	v0 =	vadd.f32 v1, v0;
	_ =	sdelay $0x1  }
0x206: {  	v0 =	vmul.f32 $2.000000030e-01, v0;
	_ =	sdelay $0x1  }
0x207: {  	[tilespmem:s26+$0xFFFFFFD0] =	vst v0  }
0x208: {  	v0 =	vld [tilespmem:s24+$0xFFFFFEA0]  }
0x209: {  	v1 =	vld [tilespmem:s24+$0xFFFFFF20];
	_ =	sdelay $0x1  }
0x20a: {  	v2 =	vld [tilespmem:s24+$0xFFFFFFA0];
	_ =	sdelay $0x1  }
0x20b: {  	v3 =	vld [tilespmem:s24+$0x20]  }
0x20c: {  	v0 =	vadd.f32 v1, v0  }
0x20d: {  	v1 =	vld [tilespmem:s24+$0xA0]  }
0x20e: {  	v0 =	vadd.f32 v2, v0;
	_ =	sdelay $0x1  }
0x20f: {  	v0 =	vadd.f32 v3, v0;
	_ =	sdelay $0x1  }
0x210: {  	v0 =	vadd.f32 v1, v0;
	_ =	sdelay $0x1  }
0x211: {  	v0 =	vmul.f32 $2.000000030e-01, v0;
	_ =	sdelay $0x1  }
0x212: {  	[tilespmem:s26+$0xFFFFFFE0] =	vst v0  }
0x213: {  	v0 =	vld [tilespmem:s24+$0xFFFFFEB0]  }
0x214: {  	v1 =	vld [tilespmem:s24+$0xFFFFFF30];
	_ =	sdelay $0x1  }
0x215: {  	v2 =	vld [tilespmem:s24+$0xFFFFFFB0];
	_ =	sdelay $0x1  }
0x216: {  	v3 =	vld [tilespmem:s24+$0x30]  }
0x217: {  	v0 =	vadd.f32 v1, v0  }
0x218: {  	v1 =	vld [tilespmem:s24+$0xB0]  }
0x219: {  	v0 =	vadd.f32 v2, v0;
	_ =	sdelay $0x1  }
0x21a: {  	v0 =	vadd.f32 v3, v0;
	_ =	sdelay $0x1  }
0x21b: {  	v0 =	vadd.f32 v1, v0;
	_ =	sdelay $0x1  }
0x21c: {  	v0 =	vmul.f32 $2.000000030e-01, v0;
	_ =	sdelay $0x1  }
0x21d: {  	[tilespmem:s26+$0xFFFFFFF0] =	vst v0  }
0x21e: {  	v0 =	vld [tilespmem:s24+$0x100]  }
0x21f: {  	v1 =	vld [tilespmem:s24+$0x180];
	_ =	sdelay $0x1  }
0x220: {  	v2 =	vld [tilespmem:s24+$0x200];
	_ =	sdelay $0x1  }
0x221: {  	v3 =	vld [tilespmem:s24+$0x280]  }
0x222: {  	v0 =	vadd.f32 v1, v0  }
0x223: {  	v1 =	vld [tilespmem:s24+$0x300]  }
0x224: {  	v0 =	vadd.f32 v2, v0;
	_ =	sdelay $0x1  }
0x225: {  	v0 =	vadd.f32 v3, v0;
	_ =	sdelay $0x1  }
0x226: {  	v0 =	vadd.f32 v1, v0;
	_ =	sdelay $0x1  }
0x227: {  	v0 =	vmul.f32 $2.000000030e-01, v0;
	_ =	sdelay $0x1  }
0x228: {  	[tilespmem:s26+$0x0] =	vst v0  }
0x229: {  	v0 =	vld [tilespmem:s24+$0x110]  }
0x22a: {  	v1 =	vld [tilespmem:s24+$0x190]  }
0x22b: {  	v2 =	vld [tilespmem:s24+$0x210]  }
0x22c: {  	v3 =	vld [tilespmem:s24+$0x290]  }
0x22d: {  	v4 =	vld [tilespmem:s24+$0x310];
	_ =	sdelay $0x1  }
0x22e: {  	v0 =	vadd.f32 v1, v0;
	_ =	sdelay $0x1  }
0x22f: {  	v0 =	vadd.f32 v2, v0;
	_ =	sdelay $0x1  }
0x230: {  	v0 =	vadd.f32 v3, v0;
	_ =	sdelay $0x1  }
0x231: {  	v0 =	vadd.f32 v4, v0;
	_ =	sdelay $0x1  }
0x232: {  	v0 =	vmul.f32 $2.000000030e-01, v0;
	_ =	sdelay $0x1  }
0x233: {  	[tilespmem:s26+$0x10] =	vst v0  }
0x234: {  	v0 =	vld [tilespmem:s24+$0x120]  }
0x235: {  	v1 =	vld [tilespmem:s24+$0x1A0]  }
0x236: {  	v2 =	vld [tilespmem:s24+$0x220]  }
0x237: {  	v3 =	vld [tilespmem:s24+$0x2A0]  }
0x238: {  	v4 =	vld [tilespmem:s24+$0x320];
	_ =	sdelay $0x1  }
0x239: {  	v0 =	vadd.f32 v1, v0;
	_ =	sdelay $0x1  }
0x23a: {  	v0 =	vadd.f32 v2, v0;
	_ =	sdelay $0x1  }
0x23b: {  	v0 =	vadd.f32 v3, v0;
	_ =	sdelay $0x1  }
0x23c: {  	v0 =	vadd.f32 v4, v0;
	_ =	sdelay $0x1  }
0x23d: {  	v0 =	vmul.f32 $2.000000030e-01, v0;
	_ =	sdelay $0x1  }
0x23e: {  	[tilespmem:s26+$0x20] =	vst v0  }
0x23f: {  	v3 =	vld [tilespmem:s24+$0x130]  }
0x240: {  	v4 =	vld [tilespmem:s24+$0x1B0]  }
.Ltmp2:
0x241: {  	v2 =	vld [tilespmem:s24+$0x230];
	(pc) =	sbr.rel @p0 .LBB2_7-.Ltmp2, $3  }
0x242: {  	v0 =	vld [tilespmem:s24+$0x2B0]  }
0x243: {  	v1 =	vld [tilespmem:s24+$0x330];
	_ =	sdelay $0x1  }
0x244: {  	v3 =	vadd.f32 v4, v3  }
0x245: {  	_ = 	snop  }
0x246: {  	v2 =	vadd.f32 v2, v3;
	_ =	sdelay $0x1  }
0x247: {  	v0 =	vadd.f32 v0, v2;
	_ =	sdelay $0x1  }
0x248: {  	v0 =	vadd.f32 v1, v0;
	_ =	sdelay $0x1  }
0x249: {  	v0 =	vmul.f32 $2.000000030e-01, v0;
	_ =	sdelay $0x1  }
0x24a: {  	s24 =	sadd.s32 $0x320, s25;
	[tilespmem:s28+$0x30] =	vst v0  }
0x24b: {  	[hbm4b:s24+s3] =	stream.linear.scatter [tilespmem:s19], [sflag:$0x3], $0xC80, $0x38;
	[tilespmem:$0x11450] =	vst v63  }
0x24c: {  	p0 =	seq.s32 s22, $0x1F;
	s24 =	sadd.s32 $0x1, s22  }
0x24d: {  	s22 =	smul.u32 @!p0 $0x3E8, s24  }
0x24e: {  	s25 =	sand.u32 $0x1, s24;
	_ =	swait.ge [sflag:s10], $0xC80  }
0x24f: {  	[sflag:s10] =	ssyncset.done $0x0;
	s25 =	smul.u32 @!p0 $0xFA0, s25;
	s22 =	sadd.s32 @!p0 s4, s22  }
0x250: {  	[sflag:s10] =	ssyncadd.s32 $0xFFFFF380;
	s26 =	sshrl.u32 @!p0 s22, $0x3  }
0x251: {  	s22 =	sshrl.u32 @!p0 s25, $0x2;
	s25 =	sadd.s32 @!p0 s5, s26;
	s26 =	simm.s32 @!p0 $0x0  }
0x252: {  	[tilespmem:s22], [sflag:$0x3] =	stream.linear.gather @!p0 [hbm4b:s25+s26], $0x3E8, $0x38;
	[tilespmem:$0x11450] =	vst v63  }
0x253: {  	s25 =	simm.s32 @!p0 $0x3  }
0x254: {  	_ =	swait.ge @!p0 [sflag:s25], $0x3E8  }
0x255: {  	[sflag:s25] =	ssyncset.done @!p0 $0x0  }
0x256: {  	s26 =	simm.s32 @!p0 $0x7D0;
	[sflag:s25] =	ssyncadd.s32 @!p0 $0xFFFFFC18;
	s25 =	simm.s32 @!p0 $0x80  }
0x257: {  	[tilespmem:s26], [sflag:$0x1] =	stream.indirect.gather @!p0 [hbm4b:s6+s25], $0x80, s22, s25, $0xb8;
	[tilespmem:$0x11450] =	vst v63  }
0x258: {  	s28 =	simm.s32 @!p0 $0x47D0;
	s26 =	sadd.s32 @!p0 $0x80, s22  }
0x259: {  	[tilespmem:s28], [sflag:$0x1] =	stream.indirect.gather @!p0 [hbm4b:s6+s25], $0x80, s26, s25, $0xb8;
	[tilespmem:$0x11450] =	vst v63  }
0x25a: {  	_ =	swait.ge [sflag:s20], $0x8000  }
0x25b: {  	[sflag:s20] =	ssyncset.done $0x0  }
0x25c: {  	s25 =	simm.s32 $0x8F80;
	[sflag:s20] =	ssyncadd.s32 $0xFFFF8000  }
0x25d: {  	v0 =	vld [tilespmem:s25+$0xFFFFFBD0]  }
0x25e: {  	v1 =	vld [tilespmem:s25+$0xFFFFFB50];
	_ =	sdelay $0x1  }
0x25f: {  	v2 =	vld [tilespmem:s25+$0xFFFFFC50];
	_ =	sdelay $0x1  }
0x260: {  	v3 =	vld [tilespmem:s25+$0xFFFFFCD0]  }
0x261: {  	v0 =	vadd.f32 v0, v1  }
0x262: {  	v1 =	vld [tilespmem:s25+$0xFFFFFD50]  }
0x263: {  	v0 =	vadd.f32 v2, v0;
	_ =	sdelay $0x1  }
0x264: {  	v0 =	vadd.f32 v3, v0;
	_ =	sdelay $0x1  }
0x265: {  	v0 =	vadd.f32 v1, v0;
	_ =	sdelay $0x1  }
0x266: {  	v0 =	vmul.f32 $2.000000030e-01, v0  }
0x267: {  	s26 =	simm.s32 $0x10810  }
0x268: {  	[tilespmem:s26+$0xFFFFFFC0] =	vst v0  }
0x269: {  	v0 =	vld [tilespmem:s25+$0xFFFFFB60]  }
0x26a: {  	v1 =	vld [tilespmem:s25+$0xFFFFFBE0];
	_ =	sdelay $0x1  }
0x26b: {  	v2 =	vld [tilespmem:s25+$0xFFFFFC60];
	_ =	sdelay $0x1  }
0x26c: {  	v3 =	vld [tilespmem:s25+$0xFFFFFCE0]  }
0x26d: {  	v0 =	vadd.f32 v1, v0  }
0x26e: {  	v1 =	vld [tilespmem:s25+$0xFFFFFD60]  }
0x26f: {  	v0 =	vadd.f32 v2, v0;
	_ =	sdelay $0x1  }
0x270: {  	v0 =	vadd.f32 v3, v0;
	_ =	sdelay $0x1  }
0x271: {  	v0 =	vadd.f32 v1, v0;
	_ =	sdelay $0x1  }
0x272: {  	v0 =	vmul.f32 $2.000000030e-01, v0;
	_ =	sdelay $0x1  }
0x273: {  	[tilespmem:s26+$0xFFFFFFD0] =	vst v0  }
0x274: {  	v0 =	vld [tilespmem:s25+$0xFFFFFB70]  }
0x275: {  	v1 =	vld [tilespmem:s25+$0xFFFFFBF0];
	_ =	sdelay $0x1  }
0x276: {  	v2 =	vld [tilespmem:s25+$0xFFFFFC70];
	_ =	sdelay $0x1  }
0x277: {  	v3 =	vld [tilespmem:s25+$0xFFFFFCF0]  }
0x278: {  	v0 =	vadd.f32 v1, v0  }
0x279: {  	v1 =	vld [tilespmem:s25+$0xFFFFFD70]  }
0x27a: {  	v0 =	vadd.f32 v2, v0;
	_ =	sdelay $0x1  }
0x27b: {  	v0 =	vadd.f32 v3, v0;
	_ =	sdelay $0x1  }
0x27c: {  	v0 =	vadd.f32 v1, v0;
	_ =	sdelay $0x1  }
0x27d: {  	v0 =	vmul.f32 $2.000000030e-01, v0;
	_ =	sdelay $0x1  }
0x27e: {  	[tilespmem:s26+$0xFFFFFFE0] =	vst v0  }
0x27f: {  	v0 =	vld [tilespmem:s25+$0xFFFFFB80]  }
0x280: {  	v1 =	vld [tilespmem:s25+$0xFFFFFC00];
	_ =	sdelay $0x1  }
0x281: {  	v2 =	vld [tilespmem:s25+$0xFFFFFC80];
	_ =	sdelay $0x1  }
0x282: {  	v3 =	vld [tilespmem:s25+$0xFFFFFD00]  }
0x283: {  	v0 =	vadd.f32 v1, v0  }
0x284: {  	v1 =	vld [tilespmem:s25+$0xFFFFFD80]  }
0x285: {  	v0 =	vadd.f32 v2, v0;
	_ =	sdelay $0x1  }
0x286: {  	v0 =	vadd.f32 v3, v0;
	_ =	sdelay $0x1  }
0x287: {  	v0 =	vadd.f32 v1, v0;
	_ =	sdelay $0x1  }
0x288: {  	v0 =	vmul.f32 $2.000000030e-01, v0;
	_ =	sdelay $0x1  }
0x289: {  	[tilespmem:s26+$0xFFFFFFF0] =	vst v0  }
0x28a: {  	v0 =	vld [tilespmem:s25+$0xFFFFFDD0]  }
0x28b: {  	v1 =	vld [tilespmem:s25+$0xFFFFFE50];
	_ =	sdelay $0x1  }
0x28c: {  	v2 =	vld [tilespmem:s25+$0xFFFFFED0];
	_ =	sdelay $0x1  }
0x28d: {  	v3 =	vld [tilespmem:s25+$0xFFFFFF50]  }
0x28e: {  	v0 =	vadd.f32 v1, v0  }
0x28f: {  	v1 =	vld [tilespmem:s25+$0xFFFFFFD0]  }
0x290: {  	v0 =	vadd.f32 v2, v0;
	_ =	sdelay $0x1  }
0x291: {  	v0 =	vadd.f32 v3, v0;
	_ =	sdelay $0x1  }
0x292: {  	v0 =	vadd.f32 v1, v0;
	_ =	sdelay $0x1  }
0x293: {  	v0 =	vmul.f32 $2.000000030e-01, v0;
	_ =	sdelay $0x1  }
0x294: {  	[tilespmem:s26+$0x0] =	vst v0  }
0x295: {  	v0 =	vld [tilespmem:s25+$0xFFFFFDE0]  }
0x296: {  	v1 =	vld [tilespmem:s25+$0xFFFFFE60];
	_ =	sdelay $0x1  }
0x297: {  	v2 =	vld [tilespmem:s25+$0xFFFFFEE0];
	_ =	sdelay $0x1  }
0x298: {  	v3 =	vld [tilespmem:s25+$0xFFFFFF60]  }
0x299: {  	v0 =	vadd.f32 v1, v0  }
0x29a: {  	v1 =	vld [tilespmem:s25+$0xFFFFFFE0]  }
0x29b: {  	v0 =	vadd.f32 v2, v0;
	_ =	sdelay $0x1  }
0x29c: {  	v0 =	vadd.f32 v3, v0;
	_ =	sdelay $0x1  }
0x29d: {  	v0 =	vadd.f32 v1, v0;
	_ =	sdelay $0x1  }
0x29e: {  	v0 =	vmul.f32 $2.000000030e-01, v0;
	_ =	sdelay $0x1  }
0x29f: {  	[tilespmem:s26+$0x10] =	vst v0  }
0x2a0: {  	v0 =	vld [tilespmem:s25+$0xFFFFFDF0]  }
0x2a1: {  	v1 =	vld [tilespmem:s25+$0xFFFFFE70];
	_ =	sdelay $0x1  }
0x2a2: {  	v2 =	vld [tilespmem:s25+$0xFFFFFEF0];
	_ =	sdelay $0x1  }
0x2a3: {  	v3 =	vld [tilespmem:s25+$0xFFFFFF70]  }
0x2a4: {  	v0 =	vadd.f32 v1, v0  }
0x2a5: {  	v1 =	vld [tilespmem:s25+$0xFFFFFFF0]  }
0x2a6: {  	v0 =	vadd.f32 v2, v0;
	_ =	sdelay $0x1  }
0x2a7: {  	v0 =	vadd.f32 v3, v0;
	_ =	sdelay $0x1  }
0x2a8: {  	v0 =	vadd.f32 v1, v0;
	_ =	sdelay $0x1  }
0x2a9: {  	v0 =	vmul.f32 $2.000000030e-01, v0;
	_ =	sdelay $0x1  }
0x2aa: {  	[tilespmem:s26+$0x20] =	vst v0  }
0x2ab: {  	v3 =	vld [tilespmem:s25+$0xFFFFFE00]  }
0x2ac: {  	v4 =	vld [tilespmem:s25+$0xFFFFFE80];
	_ =	sdelay $0x1  }
0x2ad: {  	v2 =	vld [tilespmem:s25+$0xFFFFFF00];
	_ =	sdelay $0x1  }
0x2ae: {  	v0 =	vld [tilespmem:s25+$0xFFFFFF80]  }
0x2af: {  	s23 =	sor.u32 $0x3, s23;
	s29 =	simm.s32 $0x0;
	s28 =	simm.s32 $0x10810;
	v1 =	vld [tilespmem:s25+$0x0];
	v3 =	vadd.f32 v4, v3  }
.LBB2_9:
0x2b0: {  	_ = 	snop  }
0x2b1: {  	s29 =	sadd.s32 $0x2, s29;
	s25 =	sadd.s32 $0x500, s25;
	s26 =	sadd.s32 $0x80, s26;
	v2 =	vadd.f32 v2, v3  }
0x2b2: {  	p1 =	slt.u32 s29, $0x30  }
0x2b3: {  	v0 =	vadd.f32 v0, v2;
	_ =	sdelay $0x1  }
0x2b4: {  	v0 =	vadd.f32 v1, v0;
	_ =	sdelay $0x1  }
0x2b5: {  	v0 =	vmul.f32 $2.000000030e-01, v0;
	_ =	sdelay $0x1  }
0x2b6: {  	[tilespmem:s28+$0x30] =	vst v0;
	s28 =	smov.u32 s26  }
0x2b7: {  	v0 =	vld [tilespmem:s25+$0xFFFFFBD0]  }
0x2b8: {  	v1 =	vld [tilespmem:s25+$0xFFFFFB50]  }
0x2b9: {  	v2 =	vld [tilespmem:s25+$0xFFFFFC50];
	_ =	sdelay $0x2  }
0x2ba: {  	v3 =	vld [tilespmem:s25+$0xFFFFFCD0]  }
0x2bb: {  	v0 =	vadd.f32 v0, v1  }
0x2bc: {  	v1 =	vld [tilespmem:s25+$0xFFFFFD50]  }
0x2bd: {  	v0 =	vadd.f32 v2, v0;
	_ =	sdelay $0x1  }
0x2be: {  	v0 =	vadd.f32 v3, v0;
	_ =	sdelay $0x1  }
0x2bf: {  	v0 =	vadd.f32 v1, v0;
	_ =	sdelay $0x1  }
0x2c0: {  	v0 =	vmul.f32 $2.000000030e-01, v0;
	_ =	sdelay $0x1  }
0x2c1: {  	[tilespmem:s26+$0xFFFFFFC0] =	vst v0  }
0x2c2: {  	v0 =	vld [tilespmem:s25+$0xFFFFFB60]  }
0x2c3: {  	v1 =	vld [tilespmem:s25+$0xFFFFFBE0];
	_ =	sdelay $0x1  }
0x2c4: {  	v2 =	vld [tilespmem:s25+$0xFFFFFC60];
	_ =	sdelay $0x1  }
0x2c5: {  	v3 =	vld [tilespmem:s25+$0xFFFFFCE0]  }
0x2c6: {  	v0 =	vadd.f32 v1, v0  }
0x2c7: {  	v1 =	vld [tilespmem:s25+$0xFFFFFD60]  }
0x2c8: {  	v0 =	vadd.f32 v2, v0;
	_ =	sdelay $0x1  }
0x2c9: {  	v0 =	vadd.f32 v3, v0;
	_ =	sdelay $0x1  }
0x2ca: {  	v0 =	vadd.f32 v1, v0;
	_ =	sdelay $0x1  }
0x2cb: {  	v0 =	vmul.f32 $2.000000030e-01, v0;
	_ =	sdelay $0x1  }
0x2cc: {  	[tilespmem:s26+$0xFFFFFFD0] =	vst v0  }
0x2cd: {  	v0 =	vld [tilespmem:s25+$0xFFFFFB70]  }
0x2ce: {  	v1 =	vld [tilespmem:s25+$0xFFFFFBF0];
	_ =	sdelay $0x1  }
0x2cf: {  	v2 =	vld [tilespmem:s25+$0xFFFFFC70];
	_ =	sdelay $0x1  }
0x2d0: {  	v3 =	vld [tilespmem:s25+$0xFFFFFCF0]  }
0x2d1: {  	v0 =	vadd.f32 v1, v0  }
0x2d2: {  	v1 =	vld [tilespmem:s25+$0xFFFFFD70]  }
0x2d3: {  	v0 =	vadd.f32 v2, v0;
	_ =	sdelay $0x1  }
0x2d4: {  	v0 =	vadd.f32 v3, v0;
	_ =	sdelay $0x1  }
0x2d5: {  	v0 =	vadd.f32 v1, v0;
	_ =	sdelay $0x1  }
0x2d6: {  	v0 =	vmul.f32 $2.000000030e-01, v0;
	_ =	sdelay $0x1  }
0x2d7: {  	[tilespmem:s26+$0xFFFFFFE0] =	vst v0  }
0x2d8: {  	v0 =	vld [tilespmem:s25+$0xFFFFFB80]  }
0x2d9: {  	v1 =	vld [tilespmem:s25+$0xFFFFFC00];
	_ =	sdelay $0x1  }
0x2da: {  	v2 =	vld [tilespmem:s25+$0xFFFFFC80];
	_ =	sdelay $0x1  }
0x2db: {  	v3 =	vld [tilespmem:s25+$0xFFFFFD00]  }
0x2dc: {  	v0 =	vadd.f32 v1, v0  }
0x2dd: {  	v1 =	vld [tilespmem:s25+$0xFFFFFD80]  }
0x2de: {  	v0 =	vadd.f32 v2, v0;
	_ =	sdelay $0x1  }
0x2df: {  	v0 =	vadd.f32 v3, v0;
	_ =	sdelay $0x1  }
0x2e0: {  	v0 =	vadd.f32 v1, v0;
	_ =	sdelay $0x1  }
0x2e1: {  	v0 =	vmul.f32 $2.000000030e-01, v0;
	_ =	sdelay $0x1  }
0x2e2: {  	[tilespmem:s26+$0xFFFFFFF0] =	vst v0  }
0x2e3: {  	v0 =	vld [tilespmem:s25+$0xFFFFFDD0]  }
0x2e4: {  	v1 =	vld [tilespmem:s25+$0xFFFFFE50];
	_ =	sdelay $0x1  }
0x2e5: {  	v2 =	vld [tilespmem:s25+$0xFFFFFED0];
	_ =	sdelay $0x1  }
0x2e6: {  	v3 =	vld [tilespmem:s25+$0xFFFFFF50]  }
0x2e7: {  	v0 =	vadd.f32 v1, v0  }
0x2e8: {  	v1 =	vld [tilespmem:s25+$0xFFFFFFD0]  }
0x2e9: {  	v0 =	vadd.f32 v2, v0;
	_ =	sdelay $0x1  }
0x2ea: {  	v0 =	vadd.f32 v3, v0;
	_ =	sdelay $0x1  }
0x2eb: {  	v0 =	vadd.f32 v1, v0;
	_ =	sdelay $0x1  }
0x2ec: {  	v0 =	vmul.f32 $2.000000030e-01, v0;
	_ =	sdelay $0x1  }
0x2ed: {  	[tilespmem:s26+$0x0] =	vst v0  }
0x2ee: {  	v0 =	vld [tilespmem:s25+$0xFFFFFDE0]  }
0x2ef: {  	v1 =	vld [tilespmem:s25+$0xFFFFFE60]  }
0x2f0: {  	v2 =	vld [tilespmem:s25+$0xFFFFFEE0]  }
0x2f1: {  	v3 =	vld [tilespmem:s25+$0xFFFFFF60]  }
0x2f2: {  	v4 =	vld [tilespmem:s25+$0xFFFFFFE0];
	_ =	sdelay $0x1  }
0x2f3: {  	v0 =	vadd.f32 v1, v0;
	_ =	sdelay $0x1  }
0x2f4: {  	v0 =	vadd.f32 v2, v0;
	_ =	sdelay $0x1  }
0x2f5: {  	v0 =	vadd.f32 v3, v0;
	_ =	sdelay $0x1  }
0x2f6: {  	v0 =	vadd.f32 v4, v0;
	_ =	sdelay $0x1  }
0x2f7: {  	v0 =	vmul.f32 $2.000000030e-01, v0;
	_ =	sdelay $0x1  }
0x2f8: {  	[tilespmem:s26+$0x10] =	vst v0  }
0x2f9: {  	v0 =	vld [tilespmem:s25+$0xFFFFFDF0]  }
0x2fa: {  	v1 =	vld [tilespmem:s25+$0xFFFFFE70]  }
0x2fb: {  	v2 =	vld [tilespmem:s25+$0xFFFFFEF0]  }
0x2fc: {  	v3 =	vld [tilespmem:s25+$0xFFFFFF70]  }
0x2fd: {  	v4 =	vld [tilespmem:s25+$0xFFFFFFF0];
	_ =	sdelay $0x1  }
0x2fe: {  	v0 =	vadd.f32 v1, v0;
	_ =	sdelay $0x1  }
0x2ff: {  	v0 =	vadd.f32 v2, v0;
	_ =	sdelay $0x1  }
0x300: {  	v0 =	vadd.f32 v3, v0;
	_ =	sdelay $0x1  }
0x301: {  	v0 =	vadd.f32 v4, v0;
	_ =	sdelay $0x1  }
0x302: {  	v0 =	vmul.f32 $2.000000030e-01, v0;
	_ =	sdelay $0x1  }
0x303: {  	[tilespmem:s26+$0x20] =	vst v0  }
0x304: {  	v3 =	vld [tilespmem:s25+$0xFFFFFE00]  }
0x305: {  	v4 =	vld [tilespmem:s25+$0xFFFFFE80]  }
.Ltmp3:
0x306: {  	v2 =	vld [tilespmem:s25+$0xFFFFFF00];
	(pc) =	sbr.rel @p1 .LBB2_9-.Ltmp3, $3  }
0x307: {  	v0 =	vld [tilespmem:s25+$0xFFFFFF80]  }
0x308: {  	v1 =	vld [tilespmem:s25+$0x0];
	_ =	sdelay $0x1  }
0x309: {  	v3 =	vadd.f32 v4, v3  }
0x30a: {  	_ = 	snop  }
0x30b: {  	v2 =	vadd.f32 v2, v3;
	_ =	sdelay $0x1  }
0x30c: {  	v0 =	vadd.f32 v0, v2;
	_ =	sdelay $0x1  }
0x30d: {  	v0 =	vadd.f32 v1, v0  }
0x30e: {  	s23 =	sadd.s32 s7, s23  }
0x30f: {  	s23 =	smul.u32 $0x190, s23;
	v0 =	vmul.f32 $2.000000030e-01, v0;
	_ =	sdelay $0x1  }
0x310: {  	s23 =	sadd.s32 s2, s23;
	[tilespmem:s28+$0x30] =	vst v0  }
0x311: {  	[hbm4b:s23+s3] =	stream.linear.scatter [tilespmem:s19], [sflag:$0x3], $0xC80, $0x38;
	[tilespmem:$0x11450] =	vst v63  }
0x312: {  	_ =	swait.ge [sflag:s10], $0xC80  }
0x313: {  	s25 =	simm.s32 @!p0 $0x80;
	[sflag:s10] =	ssyncset.done $0x0  }
0x314: {  	s26 =	simm.s32 @!p0 $0x87D0;
	s23 =	sadd.s32 @!p0 $0xF8, s22;
	[sflag:s10] =	ssyncadd.s32 $0xFFFFF380  }
0x315: {  	[tilespmem:s26], [sflag:$0x2] =	stream.indirect.gather @!p0 [hbm4b:s6+s25], $0x80, s23, s25, $0xb8;
	[tilespmem:$0x11450] =	vst v63  }
0x316: {  	p1 =	sne.s32 @!p0 s24, $0x20;
	s22 =	sadd.s32 @!p0 $0x178, s22;
	s23 =	simm.s32 @!p0 $0xC7D0  }
0x317: {  	[tilespmem:s23], [sflag:$0x2] =	stream.indirect.gather @!p0 [hbm4b:s6+s25], $0x80, s22, s25, $0xb8;
	[tilespmem:$0x11450] =	vst v63  }
0x318: {  	p0 =	por p0, !p1  }
.Ltmp4:
0x319: {  	_ = 	snop;
	(pc) =	sbr.rel @!p0 .LBB2_2-.Ltmp4, $2  }
0x31a: {  	_ =	sdelay $0x2  }
0x31b: {  	s22 =	smov.u32 s24  }
0x31c: {  	s21 =	sadd.s32 $0x1, s21  }
0x31d: {  	p0 =	sne.s32 s21, s9  }
.Ltmp5:
0x31e: {  	_ = 	snop;
	(pc) =	sbr.rel @p0 .LBB2_1-.Ltmp5, $1  }
0x31f: {  	_ =	sdelay $0x3  }
0x320: {  	_ =	sfence.sel $0x180000  }
0x321: {  	[bflag:$0x0] =	sbarrier.arrive $0xFFFF  }
0x322: {  	p0 =	sne.s32 s0, $0x0;
	_ =	strace $0x90000047  }
0x323: {  	s0 =	sadd.s32 @!p0 $0x100000, s1;
	[bflag:$0x2] =	sbarrier.arrive $0xFFFF  }
0x324: {  	[sflag:s0] =	ssyncadd.tile.s32 @!p0 $0x1;
	_ =	shalt  }
.Lfunc_end2:
_tile_overlayer_lowered:
.L_overlay_start_2:
0x325: {  	(tag) =	ssettag $0x2  }
0x326: {  	s0 =	rddreg [dreg:$0x0];
	s2 =	stileid.u32  }
0x327: {  	s1 =	rddreg [dreg:$0x1];
	p0 =	sne.s32 s2, $0x0  }
0x328: {  	s3 =	rddreg [dreg:$0x2];
	[bflag:$0x3] =	sbarrier.arrive $0xFFFF;
	s2 =	simm.s32 @!p0 $0x1C03  }
0x329: {  	[timem:s3], [sflag:s2] =	dma.local @!p0 [hbm:s0], s1  }
0x32a: {  	s0 =	simm.s32 @!p0 $0x3  }
0x32b: {  	_ =	swait.ge @!p0 [sflag:s0], s1  }
0x32c: {  	s1 =	ssub.s32 @!p0 $0x0, s1;
	[sflag:s0] =	ssyncset.done @!p0 $0x0  }
0x32d: {  	[sflag:s0] =	ssyncadd.s32 @!p0 s1  }
0x32e: {  	[bflag:$0x3] =	sbarrier.arrive $0xFFFF  }
0x32f: {  	_ =	shalt  }

// kernel: sparse-core-data-format-call.cloned.1.call-start
scs
called_computation_lowered:
.L_overlay_start_0:
0x0: {  	s2 =	sld [smem:$0x3FD9]  }
0x1: {  	s3 =	sld [smem:$0x3FFE];
	_ =	sdelay $0x1  }
0x2: {  	s1 =	srdreg.scid  }
0x3: {  	s0 =	sand.u32 $0x1, s1  }
0x4: {  	s18 =	sshll.u32 s0, $0xA;
	s2 =	sadd.s32 s3, s2  }
0x5: {  	s2 =	sadd.s32 s2, s18  }
0x6: {  	[smem:$0x3FC6] =	sst s2  }
0x7: {  	_ = 	snop  }
0x8: {  	s2 =	sld [smem:$0x3FD0];
	(tm) =	ssettm $0x1  }
0x9: {  	s19 =	sld [smem:$0x3FFB];
	_ =	sdelay $0x3  }
0xa: {  	_ =	strace s19  }
0xb: {  	s3 =	sld [smem:$0x3FFC];
	_ =	sdelay $0x3  }
0xc: {  	_ =	strace s3  }
0xd: {  	s3 =	sld [smem:$0x3FFD];
	_ =	sdelay $0x3  }
0xe: {  	_ =	strace s3  }
0xf: {  	_ =	strace $0x8FFFFFFF  }
0x10: {  	s20 =	sld [smem:$0x3FDB];
	_ =	sdelay $0x1  }
0x11: {  	s4 =	simm.s32 $_scs_section_size  }
0x12: {  	s5 =	simm.s32 $_size__tile_overlayer_lowered;
	s6 =	simm.s32 $_tile_overlayer_lowered  }
0x13: {  	s23 =	simm.s32 $0x1BFF;
	s22 =	sshll.u32 s6, $0x1;
	s3 =	sadd.s32 s4, s20  }
0x14: {  	s7 =	simm.s32 $0x0;
	s21 =	sshll.u32 s5, $0x1;
	s5 =	sadd.s32 s22, s3  }
0x15: {  	[timem:s7], [sflag:s23] =	dma.local [hbm:s5], s21  }
0x16: {  	_ =	swait.ge [sflag:s23], s21  }
0x17: {  	s4 =	ssub.s32 $0x0, s21;
	[sflag:s23] =	ssyncset.done $0x0  }
0x18: {  	[sflag:s23] =	ssyncadd.s32 s4;
	_ =	sdelay $0x1  }
0x19: {  	s24 =	simm.s32 $0x1B8B  }
0x1a: {  	_ =	swait.ge [sflag:s24], $0x1  }
0x1b: {  	[sflag:s24] =	ssyncset.done $0x0  }
0x1c: {  	s26 =	simm.s32 $0x1B8E;
	s25 =	sld [smem:$0x3FFE];
	[sflag:s24] =	ssyncadd.s32 $0xFFFFFFFF  }
0x1d: {  	s27 =	simm.s32 $execute0_lowered;
	[smem:$0x3FD2] =	sst s26  }
0x1e: {  	s5 =	sshll.u32 s27, $0x1;
	_ =	strace $0x80000049;
	[dreg:$0x1] =	wrdreg $0xFFFFFFFF  }
0x1f: {  	s28 =	simm.s32 $_size_execute0_lowered;
	s3 =	sadd.s32 s3, s5;
	[dreg:$0x0] =	wrdreg $0x0  }
0x20: {  	s5 =	sshll.u32 s28, $0x1;
	[dreg:$0x2] =	wrdreg s3  }
0x21: {  	[dreg:$0x3] =	wrdreg s5  }
0x22: {  	[dreg:$0x4] =	wrdreg $0xC0  }
0x23: {  	_ =	task [dreg:s7], $0x5FFFF  }
0x24: {  	[dreg:$0x1] =	wrdreg $0xFFFFFFFF  }
0x25: {  	[dreg:$0x0] =	wrdreg $0x60  }
0x26: {  	[dreg:$0x2] =	wrdreg s25  }
0x27: {  	[dreg:$0x3] =	wrdreg s2  }
0x28: {  	[dreg:$0x4] =	wrdreg $0x9  }
0x29: {  	_ =	task.clear_ibuf [dreg:s7], $0x5FFFF;
	_ =	strace $0x90000049  }
0x2a: {  	s29 =	simm.s32 $0x9;
	_ =	strace $0x8000004B  }
0x2b: {  	_ =	swait.ge [sflag:s29], $0x1  }
0x2c: {  	[sflag:s29] =	ssyncadd.s32 $0xFFFFFFFF  }
0x2d: {  	_ =	strace $0x9000004B  }
0x2e: {  	_ =	sfence  }
0x2f: {  	s30 =	sld [smem:$0x0];
	_ =	sdelay $0x2  }
0x30: {  	s31 =	sshll.u32 s1, $0xD;
	s1 =	sshrl.u32 s1, $0x2  }
0x31: {  	s3 =	sand.u32 $0x4000, s31;
	s1 =	sadd.s32 s1, s30  }
0x32: {  	s0 =	sor.u32 s3, s0;
	s1 =	sshll.u32 s1, $0x11  }
0x33: {  	s0 =	sor.u32 s1, s0  }
0x34: {  	s0 =	sadd.s32 $0x8F2B, s0  }
0x35: {  	[sflag:s0] =	ssyncadd.remote.s32 $0x1  }
0x36: {  	_ =	sfence.sel $0xFFFF  }
0x37: {  	[dreg:$0x0] =	wrdreg $0xFFFFFFFF;
	(pc) =	sbr.abs _section_cstart, $3  }
0x38: {  	[dreg:$0x1] =	wrdreg $0xFFFFFFFF  }
0x39: {  	_ =	task.clear_ibuf [dreg:s7], $0x2FFFF;
	_ =	strace $0x9FFFFFFF  }
0x3a: {  	(tm) =	ssettm $0x7FFFFFFF  }
0x3b: {  	_ =	shalt  }
tec
execute0_lowered:
.L_overlay_start_1:
0x0: {  	(tag) =	ssettag $0x1  }
0x1: {  	s0 =	srdreg.scid  }
0x2: {  	s1 =	sshll.u32 s0, $0x4  }
0x3: {  	s0 =	stileid.u32;
	s1 =	sand.u32 $0x10, s1  }
0x4: {  	s1 =	sor.u32 s0, s1  }
0x5: {  	s6 =	rddreg [dreg:$0x0];
	s4 =	simm.s32 $0x1;
	s2 =	sshll.u32 s1, $0x7  }
0x6: {  	s7 =	simm.s32 $0x2;
	s12 =	simm.s32 $0x0;
	s1 =	ssub.s32 $0x1000, s2  }
0x7: {  	s8 =	simm.s32 $0x8000;
	s13 =	simm.s32 $0x0;
	s3 =	sand.u32 $0xF80, s1  }
0x8: {  	s9 =	simm.s32 $0x0;
	s5 =	sshrl.u32 s1, $0xC;
	p0 =	sne.s32 s3, $0x0  }
.Ltmp0:
0x9: {  	s1 =	rddreg [dreg:$0x2];
	s4 =	simm.s32 @!p0 $0x0;
	(pc) =	sbr.rel .LBB1_1-.Ltmp0, $4  }
0xa: {  	s11 =	simm.s32 $0x0;
	s3 =	rddreg [dreg:$0x1];
	s5 =	sadd.s32 s4, s5  }
0xb: {  	_ =	strace $0x8000004A;
	s4 =	simm.s32 $0x1;
	s5 =	smul.u32 $0x32, s5  }
0xc: {  	s6 =	sadd.s32 $0xA00, s6;
	s10 =	smov.u32 s2;
	[sflag:s4] =	ssyncpa.u1 $0x0  }
0xd: {  	p0 =	por $0x0, $0x0;
	[sflag:s7] =	ssyncpa.u1 $0x0;
	s7 =	sor.u32 $0x1, s5  }
.LBB1_4:
0xe: {  	s16 =	sshll.u32 s13, $0x3;
	s17 =	sand.u32 $0x78, s13  }
0xf: {  	s30 =	sand.u32 $0x7E00, s13;
	s12 =	sshll.u32 s12, $0xF;
	s16 =	sand.u32 $0xC00, s16  }
0x10: {  	[tilespmem:s15+$0x810 ss:$0x81] =	vst.msk $0xffff, v2;
	s31 =	sand.u32 $0x7, s13;
	s16 =	sor.u32 s17, s16;
	s17 =	sadd.s32 s3, s30  }
0x11: {  	[tilespmem:s15+$0x1020 ss:$0x81] =	vst.msk $0xffff, v0;
	s13 =	sshll.u32 s31, $0x12;
	s12 =	sadd.s32 s12, s17;
	s16 =	sshrl.u32 s16, $0x3  }
0x12: {  	[tilespmem:s15+$0x0 ss:$0x81] =	vst.msk $0xffff, v1;
	s13 =	sor.u32 $0x400, s13;
	s12 =	sadd.s32 s16, s12  }
0x13: {  	[hbm4b:s12+s13] =	stream.strided.scatter [tilespmem:s14], [sflag:$0x2], $0x2000, s8, s13, $0x20;
	[tilespmem:$0x8080] =	vst v63  }
.LBB1_5:
0x14: {  	s14 =	sadd.s32 $0x1, s9  }
0x15: {  	s12 =	sadd.s32 $0x1000, s10;
	s16 =	smov.u32 s10;
	p2 =	sgt.s32 s14, $0x31  }
0x16: {  	s16 =	smov.u32 @p2 s12  }
0x17: {  	s14 =	simm.s32 @p2 $0x0;
	p2 =	sgt.s32 s16, $0xFFF  }
0x18: {  	s16 =	smov.u32 @p2 s2;
	p2 =	sne.s32 s11, s7  }
.Ltmp1:
0x19: {  	p1 =	slt.u32 s11, $0x2;
	(pc) =	sbr.rel @!p2 .LBB1_6-.Ltmp1, $4  }
0x1a: {  	s15 =	simm.s32 @!p1 $0x2  }
0x1b: {  	s13 =	smov.u32 s10;
	p0 =	por !p0, !p0;
	_ =	swait.ge @!p1 [sflag:s15], $0x2000  }
0x1c: {  	s12 =	smov.u32 s9;
	[sflag:s15] =	ssyncset.done @!p1 $0x0;
	s9 =	smov.u32 s14  }
0x1d: {  	s11 =	sadd.s32 $0x1, s11;
	[sflag:s15] =	ssyncadd.s32 @!p1 $0xFFFFE000;
	s10 =	smov.u32 s16  }
.LBB1_1:
0x1e: {  	p1 =	sge.u32 s11, s5  }
0x1f: {  	s14 =	sand.u32 @!p1 $0x1FFFFFF, s9  }
0x20: {  	s15 =	smulhi.u32 @!p1 $0x4924925, s14;
	_ =	sdelay $0x1  }
0x21: {  	s15 =	smul.u32 @!p1 $0x38, s15  }
0x22: {  	s16 =	sxor.u32 @!p1 $0xFFFFFFFF, s11;
	s17 =	smul.u32 @!p1 $0x380, s10  }
0x23: {  	s31 =	sadd.s32 $0xFFFFFFFF, s11;
	s16 =	sshll.u32 @!p1 s16, $0xD;
	s14 =	ssub.s32 @!p1 s14, s15  }
0x24: {  	s15 =	sand.u32 @!p1 $0x2000, s16;
	s16 =	sadd.s32 @!p1 s6, s17;
	s14 =	sshll.u32 @!p1 s14, $0x4  }
0x25: {  	s17 =	simm.s32 @!p1 $0x1C00;
	s14 =	sadd.s32 @!p1 s14, s16;
	s16 =	simm.s32 @!p1 $0x40  }
0x26: {  	[tilespmem:s15], [sflag:$0x1] =	stream.strided.gather @!p1 [hbm4b:s14+s16], $0x2000, s17, s16, $0x38;
	[tilespmem:$0x8080] =	vst v63  }
0x27: {  	p1 =	sge.u32 s31, s5  }
.Ltmp2:
0x28: {  	_ = 	snop;
	(pc) =	sbr.rel @p1 .LBB1_5-.Ltmp2, $1  }
0x29: {  	_ =	sdelay $0x3  }
0x2a: {  	s14 =	simm.s32 $0x1  }
0x2b: {  	_ =	swait.ge [sflag:s4], $0x2000;
	s14 =	simm.s32 @!p0 $0x0  }
0x2c: {  	[sflag:s4] =	ssyncset.done $0x0;
	s15 =	sshll.u32 s14, $0xD  }
0x2d: {  	[sflag:s4] =	ssyncadd.s32 $0xFFFFE000;
	s18 =	sor.u32 $0x20, s15  }
0x2e: {  	s14 =	smul.u32 $0x8100, s14;
	v3 =	vld [tilespmem:s18+$0x10]  }
0x2f: {  	s30 =	sand.u32 $0x1, s11;
	v2 =	vld [tilespmem:s18+$0xFFFFFFF0]  }
0x30: {  	s15 =	smul.u32 $0x8100, s30;
	s14 =	sshrl.u32 s14, $0x2;
	v0 =	vld [tilespmem:s18+$0x0]  }
0x31: {  	v1 =	vld [tilespmem:s18+$0xFFFFFFE0];
	s16 =	sor.u32 $0x4000, s14  }
0x32: {  	s31 =	sshrl.u32 s15, $0x2;
	s15 =	sadd.s32 $0x0, s16  }
0x33: {  	s17 =	simm.s32 $0x4;
	s18 =	sadd.s32 $0x40, s18;
	s14 =	sor.u32 $0x4000, s31;
	[tilespmem:s15+$0x1830 ss:$0x81] =	vst.msk $0xffff, v3  }
.LBB1_3:
0x34: {  	v3 =	vld [tilespmem:s18+$0x10];
	p1 =	sne.s32 s17, $0x1FC;
	[tilespmem:s15+$0x810 ss:$0x81] =	vst.msk $0xffff, v2;
	s19 =	smov.u32 s17;
	s17 =	sadd.s32 $0x4, s17  }
.Ltmp3:
0x35: {  	v2 =	vld [tilespmem:s18+$0xFFFFFFF0];
	[tilespmem:s15+$0x1020 ss:$0x81] =	vst.msk $0xffff, v0;
	(pc) =	sbr.rel @p1 .LBB1_3-.Ltmp3, $4  }
0x36: {  	v0 =	vld [tilespmem:s18+$0x0];
	[tilespmem:s15+$0x0 ss:$0x81] =	vst.msk $0xffff, v1  }
0x37: {  	s15 =	sshra.s32 s19, $0x2;
	v1 =	vld [tilespmem:s18+$0xFFFFFFE0]  }
0x38: {  	s15 =	sadd.s32 s15, s16  }
0x39: {  	s18 =	sadd.s32 $0x40, s18;
	[tilespmem:s15+$0x1830 ss:$0x81] =	vst.msk $0xffff, v3  }
.Ltmp4:
0x3a: {  	_ = 	snop;
	(pc) =	sbr.rel .LBB1_4-.Ltmp4, $1  }
0x3b: {  	_ =	sdelay $0x3  }
.LBB1_6:
0x3c: {  	_ =	sfence.sel $0x180000  }
0x3d: {  	s2 =	simm.s32 $0x1;
	[bflag:$0x0] =	sbarrier.arrive $0xFFFF  }
0x3e: {  	s31 =	simm.s32 $0x2;
	[sflag:s2] =	ssyncpa.u1 $0x1  }
0x3f: {  	[sflag:s31] =	ssyncpa.u1 $0x1  }
0x40: {  	p0 =	sne.s32 s0, $0x0;
	_ =	strace $0x9000004A  }
0x41: {  	s0 =	sadd.s32 @!p0 $0x100000, s1;
	[bflag:$0x2] =	sbarrier.arrive $0xFFFF  }
0x42: {  	[sflag:s0] =	ssyncadd.tile.s32 @!p0 $0x1;
	_ =	shalt  }
.Lfunc_end1:
_tile_overlayer_lowered:
.L_overlay_start_2:
0x43: {  	(tag) =	ssettag $0x2  }
0x44: {  	s0 =	rddreg [dreg:$0x0];
	s2 =	stileid.u32  }
0x45: {  	s1 =	rddreg [dreg:$0x1];
	p0 =	sne.s32 s2, $0x0  }
0x46: {  	s3 =	rddreg [dreg:$0x2];
	[bflag:$0x3] =	sbarrier.arrive $0xFFFF;
	s2 =	simm.s32 @!p0 $0x1C01  }
0x47: {  	[timem:s3], [sflag:s2] =	dma.local @!p0 [hbm:s0], s1  }
0x48: {  	s0 =	simm.s32 @!p0 $0x1  }
0x49: {  	_ =	swait.ge @!p0 [sflag:s0], s1  }
0x4a: {  	s1 =	ssub.s32 @!p0 $0x0, s1;
	[sflag:s0] =	ssyncset.done @!p0 $0x0  }
0x4b: {  	[sflag:s0] =	ssyncadd.s32 @!p0 s1  }
0x4c: {  	[bflag:$0x3] =	sbarrier.arrive $0xFFFF  }
0x4d: {  	_ =	shalt  }

</sc_bundles>
